<compile_context>
chip_gen: v7x
topology: tpu7x:2x2x1
jax: 0.10.2.dev20260603
libtpu: 0.0.44.dev20260713+nightly
codegen_flags: <defaults>
</compile_context>

<pallas_src>
import functools

import jax
import jax.numpy as jnp
from jax import lax
from jax.experimental import pallas as pl
from jax.experimental.pallas import tpu as pltpu
from jax.experimental.pallas import tpu_sc as plsc

N_GROUPS = 12
GROUP = 8
SOLO_START = 96
COLS = 128
LANES = 16


def kernel(input, W, b):
    rows = input.shape[0]
    info = plsc.get_sparse_core_info()
    nw = info.num_cores * info.num_subcores
    rows_per_w = rows // nw
    n_chunks = rows_per_w // LANES

    wb = jnp.concatenate(
        [W.reshape(32), b.reshape(1), jnp.zeros((15,), jnp.float32)])

    mesh = plsc.VectorSubcoreMesh(core_axis_name="c", subcore_axis_name="s")

    @functools.partial(
        pl.kernel,
        out_type=jax.ShapeDtypeStruct((rows,), jnp.float32),
        mesh=mesh,
        scratch_types=[
            pltpu.VMEM((rows_per_w, COLS), jnp.float32),
            pltpu.VMEM((wb.shape[0],), jnp.float32),
            pltpu.VMEM((rows_per_w,), jnp.float32),
        ],
        compiler_params=pltpu.CompilerParams(needs_layout_passes=False),
    )
    def sc_kernel(x_hbm, wb_hbm, out_hbm, x_v, wb_v, out_v):
        wid = lax.axis_index("s") * info.num_cores + lax.axis_index("c")
        base = wid * rows_per_w
        pltpu.sync_copy(x_hbm.at[pl.ds(base, rows_per_w), pl.ds(0, COLS)], x_v)
        pltpu.sync_copy(wb_hbm, wb_v)

        iota16 = lax.broadcasted_iota(jnp.int32, (LANES,), 0)
        wv0 = wb_v[pl.ds(0, 16)]
        wv2 = wb_v[pl.ds(32, 16)]
        w_splat = [jnp.broadcast_to(wv0[g], (LANES,)) for g in range(N_GROUPS)]
        b_splat = jnp.broadcast_to(wv2[0], (LANES,))

        def chunk(i, carry):
            rvec = i * LANES + iota16

            def colv(cvec):
                return plsc.load_gather(x_v, [rvec, cvec])

            acc = b_splat
            for g in range(N_GROUPS):
                m = colv(GROUP * g + (iota16 & (GROUP - 1)))
                for j in range(1, GROUP):
                    m = jnp.maximum(
                        m, colv(GROUP * g + ((j + iota16) & (GROUP - 1))))
                acc = acc + w_splat[g] * m
            for j in range(16):
                cidx = (j + iota16) & 15
                wv = plsc.load_gather(wb_v, [N_GROUPS + cidx])
                acc = acc + wv * colv(SOLO_START + cidx)
            for j in range(4):
                cidx4 = (j + iota16) & 3
                wv4 = plsc.load_gather(wb_v, [N_GROUPS + 16 + cidx4])
                acc = acc + wv4 * colv(SOLO_START + 16 + cidx4)
            out_v[pl.ds(i * LANES, LANES)] = acc
            return carry

        def chunk2(h, carry):
            chunk(2 * h, carry)
            chunk(2 * h + 1, carry)
            return carry

        lax.fori_loop(0, n_chunks // 2, chunk2, 0)
        pltpu.sync_copy(out_v, out_hbm.at[pl.ds(base, rows_per_w)])

    return sc_kernel(input, wb).reshape(rows, 1)

# --- scband reference (transcript-rebuilt; emitter-appended) ---
"""Pipeline reference for scband-proposition-module-22909355556959 (READ-ONLY COPY).

The authoritative reference and input builder live on the scoring server;
editing this copy changes nothing except your own understanding.
"""

import jax, jax.numpy as jnp
import numpy as np

RELATED = [[0,1,2,3,4,5,6,7],[8,9,10,11,12,13,14,15],[16,17,18,19,20,21,22,23],[24,25,26,27,28,29,30,31],[32,33,34,35,36,37,38,39],[40,41,42,43,44,45,46,47],[48,49,50,51,52,53,54,55],[56,57,58,59,60,61,62,63],[64,65,66,67,68,69,70,71],[72,73,74,75,76,77,78,79],[80,81,82,83,84,85,86,87],[88,89,90,91,92,93,94,95]]
UNRELATED = [96,97,98,99,100,101,102,103,104,105,106,107,108,109,110,111,112,113,114,115]
CONCAT_DIM = len(RELATED) + len(UNRELATED)  # 32


def setup_inputs(seed: int = 0) -> dict:
    key = jax.random.key(seed)
    k1, k2, k3 = jax.random.split(key, 3)
    x = jax.random.normal(k1, (8192, 4096), dtype=jnp.float32)
    # Dense(1) parameters: kernel [32, 1], bias [1] (keras glorot-like init approximated)
    W = jax.random.normal(k2, (CONCAT_DIM, 1), dtype=jnp.float32) * (1.0 / np.sqrt(CONCAT_DIM))
    b = jnp.zeros((1,), dtype=jnp.float32)
    return {"input": x, "W": W, "b": b}


def reference(input, W, b):
    # Faithful translation of PropositionModule.call
    pooled_inputs = []
    for connections in RELATED:
        # Lambda(lambda x: tf.gather(x, connections, axis=1))
        pool = jnp.take(input, jnp.array(connections, dtype=jnp.int32), axis=1)
        # K.max(pool, axis=-1) then reshape to (-1, 1)
        pool = jnp.max(pool, axis=-1)
        pool = jnp.reshape(pool, (-1, 1))
        pooled_inputs.append(pool)
    # solo_filter: gather unrelated indexes, no pooling
    pooled_inputs.append(jnp.take(input, jnp.array(UNRELATED, dtype=jnp.int32), axis=1))
    x = jnp.concatenate(pooled_inputs, axis=-1)  # [B, 32]
    # Dense(1)
    return x @ W + b

if __name__ == "__main__":
    import jax
    _d = setup_inputs()
    print(jax.jit(kernel)(*tuple(_d.values())))

</pallas_src>

<mosaic_0001>
#map = affine_map<(d0, d1) -> (0, 0)>
#map1 = affine_map<(d0, d1) -> (0)>
module attributes {stable_mosaic.version = 14 : i64} {
  func.func @sc_kernel(%arg0: i32, %arg1: i32, %arg2: memref<8192x4096xf32, #tpu.memory_space<hbm>>, %arg3: memref<48xf32, #tpu.memory_space<hbm>>, %arg4: memref<8192xf32, #tpu.memory_space<hbm>>, %arg5: memref<256x128xf32, #tpu.memory_space<vmem>>, %arg6: memref<48xf32, #tpu.memory_space<vmem>>, %arg7: memref<256xf32, #tpu.memory_space<vmem>>) attributes {dimension_semantics = [#tpu.dimension_semantics<core_parallel>, #tpu.dimension_semantics<subcore_parallel>], iteration_bounds = array<i64: 2, 16>, scalar_prefetch = 0 : i64, scratch_operands = 3 : i64, tpu.core_type = #tpu.core_type<sc_vector_subcore>, window_params = [{transform_indices = #map}, {transform_indices = #map1}, {transform_indices = #map1}]} {
    %mul3A = arith.constant 2 : i32
    %mul3A_0 = arith.muli %arg1, %mul3A : i32
    %add3A = arith.addi %mul3A_0, %arg0 : i32
    %mul3A_1 = arith.constant 256 : i32
    %mul3A_2 = arith.muli %add3A, %mul3A_1 : i32
    "tpu.region"() ({
      %run_scoped3A = tpu.sem_alloc : memref<!tpu.dma_semaphore, #tpu.memory_space<semaphore_mem>>
      %dma_start3A = arith.constant 0 : i32
      %dma_start3A_47 = tpu.memref_slice %arg2[%mul3A_2, %dma_start3A] : memref<8192x4096xf32, #tpu.memory_space<hbm>> -> memref<256x128xf32, #tpu.memory_space<hbm>>
      %dma_start3A_48 = arith.constant 0 : i32
      %dma_start3A_49 = tpu.memref_slice %arg2[%mul3A_2, %dma_start3A_48] : memref<8192x4096xf32, #tpu.memory_space<hbm>> -> memref<256x128xf32, #tpu.memory_space<hbm>>
      tpu.enqueue_dma source(%dma_start3A_49 : memref<256x128xf32, #tpu.memory_space<hbm>>) target(%arg5 : memref<256x128xf32, #tpu.memory_space<vmem>>) target_semaphore(%run_scoped3A : memref<!tpu.dma_semaphore, #tpu.memory_space<semaphore_mem>>)
      %dma_wait3A = arith.constant 0 : i32
      %dma_wait3A_50 = tpu.memref_slice %arg2[%mul3A_2, %dma_wait3A] : memref<8192x4096xf32, #tpu.memory_space<hbm>> -> memref<256x128xf32, #tpu.memory_space<hbm>>
      %dma_wait3A_51 = arith.constant 0 : i32
      %dma_wait3A_52 = tpu.memref_slice %arg2[%mul3A_2, %dma_wait3A_51] : memref<8192x4096xf32, #tpu.memory_space<hbm>> -> memref<256x128xf32, #tpu.memory_space<hbm>>
      tpu.wait_dma2 semaphore(%run_scoped3A : memref<!tpu.dma_semaphore, #tpu.memory_space<semaphore_mem>>) src(%dma_wait3A_52 : memref<256x128xf32, #tpu.memory_space<hbm>>) dst(%arg5 : memref<256x128xf32, #tpu.memory_space<vmem>>)
      tpu.yield
    }) : () -> ()
    "tpu.region"() ({
      %run_scoped3A = tpu.sem_alloc : memref<!tpu.dma_semaphore, #tpu.memory_space<semaphore_mem>>
      tpu.enqueue_dma source(%arg3 : memref<48xf32, #tpu.memory_space<hbm>>) target(%arg6 : memref<48xf32, #tpu.memory_space<vmem>>) target_semaphore(%run_scoped3A : memref<!tpu.dma_semaphore, #tpu.memory_space<semaphore_mem>>)
      tpu.wait_dma2 semaphore(%run_scoped3A : memref<!tpu.dma_semaphore, #tpu.memory_space<semaphore_mem>>) src(%arg3 : memref<48xf32, #tpu.memory_space<hbm>>) dst(%arg6 : memref<48xf32, #tpu.memory_space<vmem>>)
      tpu.yield
    }) : () -> ()
    %iota3A = tpu.iota {dimensions = array<i32: 0>} : vector<16xi32>
    %get3A = arith.constant 0 : index
    %get3A_3 = tpu.vector_load %arg6[%get3A] {strides = array<i32>} : memref<48xf32, #tpu.memory_space<vmem>>, vector<16xf32>,
    %get3A_4 = arith.constant 32 : index
    %get3A_5 = tpu.vector_load %arg6[%get3A_4] {strides = array<i32>} : memref<48xf32, #tpu.memory_space<vmem>>, vector<16xf32>,
    %slice3A = vector.extract_strided_slice %get3A_3 {offsets = [0], sizes = [1], strides = [1]} : vector<16xf32> to vector<1xf32>
    %squeeze3A = vector.extract %slice3A[0] : f32 from vector<1xf32>
    %broadcast_in_dim3A = vector.broadcast %squeeze3A : f32 to vector<16xf32>
    %slice3A_6 = vector.extract_strided_slice %get3A_3 {offsets = [1], sizes = [1], strides = [1]} : vector<16xf32> to vector<1xf32>
    %squeeze3A_7 = vector.extract %slice3A_6[0] : f32 from vector<1xf32>
    %broadcast_in_dim3A_8 = vector.broadcast %squeeze3A_7 : f32 to vector<16xf32>
    %slice3A_9 = vector.extract_strided_slice %get3A_3 {offsets = [2], sizes = [1], strides = [1]} : vector<16xf32> to vector<1xf32>
    %squeeze3A_10 = vector.extract %slice3A_9[0] : f32 from vector<1xf32>
    %broadcast_in_dim3A_11 = vector.broadcast %squeeze3A_10 : f32 to vector<16xf32>
    %slice3A_12 = vector.extract_strided_slice %get3A_3 {offsets = [3], sizes = [1], strides = [1]} : vector<16xf32> to vector<1xf32>
    %squeeze3A_13 = vector.extract %slice3A_12[0] : f32 from vector<1xf32>
    %broadcast_in_dim3A_14 = vector.broadcast %squeeze3A_13 : f32 to vector<16xf32>
    %slice3A_15 = vector.extract_strided_slice %get3A_3 {offsets = [4], sizes = [1], strides = [1]} : vector<16xf32> to vector<1xf32>
    %squeeze3A_16 = vector.extract %slice3A_15[0] : f32 from vector<1xf32>
    %broadcast_in_dim3A_17 = vector.broadcast %squeeze3A_16 : f32 to vector<16xf32>
    %slice3A_18 = vector.extract_strided_slice %get3A_3 {offsets = [5], sizes = [1], strides = [1]} : vector<16xf32> to vector<1xf32>
    %squeeze3A_19 = vector.extract %slice3A_18[0] : f32 from vector<1xf32>
    %broadcast_in_dim3A_20 = vector.broadcast %squeeze3A_19 : f32 to vector<16xf32>
    %slice3A_21 = vector.extract_strided_slice %get3A_3 {offsets = [6], sizes = [1], strides = [1]} : vector<16xf32> to vector<1xf32>
    %squeeze3A_22 = vector.extract %slice3A_21[0] : f32 from vector<1xf32>
    %broadcast_in_dim3A_23 = vector.broadcast %squeeze3A_22 : f32 to vector<16xf32>
    %slice3A_24 = vector.extract_strided_slice %get3A_3 {offsets = [7], sizes = [1], strides = [1]} : vector<16xf32> to vector<1xf32>
    %squeeze3A_25 = vector.extract %slice3A_24[0] : f32 from vector<1xf32>
    %broadcast_in_dim3A_26 = vector.broadcast %squeeze3A_25 : f32 to vector<16xf32>
    %slice3A_27 = vector.extract_strided_slice %get3A_3 {offsets = [8], sizes = [1], strides = [1]} : vector<16xf32> to vector<1xf32>
    %squeeze3A_28 = vector.extract %slice3A_27[0] : f32 from vector<1xf32>
    %broadcast_in_dim3A_29 = vector.broadcast %squeeze3A_28 : f32 to vector<16xf32>
    %slice3A_30 = vector.extract_strided_slice %get3A_3 {offsets = [9], sizes = [1], strides = [1]} : vector<16xf32> to vector<1xf32>
    %squeeze3A_31 = vector.extract %slice3A_30[0] : f32 from vector<1xf32>
    %broadcast_in_dim3A_32 = vector.broadcast %squeeze3A_31 : f32 to vector<16xf32>
    %slice3A_33 = vector.extract_strided_slice %get3A_3 {offsets = [10], sizes = [1], strides = [1]} : vector<16xf32> to vector<1xf32>
    %squeeze3A_34 = vector.extract %slice3A_33[0] : f32 from vector<1xf32>
    %broadcast_in_dim3A_35 = vector.broadcast %squeeze3A_34 : f32 to vector<16xf32>
    %slice3A_36 = vector.extract_strided_slice %get3A_3 {offsets = [11], sizes = [1], strides = [1]} : vector<16xf32> to vector<1xf32>
    %squeeze3A_37 = vector.extract %slice3A_36[0] : f32 from vector<1xf32>
    %broadcast_in_dim3A_38 = vector.broadcast %squeeze3A_37 : f32 to vector<16xf32>
    %slice3A_39 = vector.extract_strided_slice %get3A_5 {offsets = [0], sizes = [1], strides = [1]} : vector<16xf32> to vector<1xf32>
    %squeeze3A_40 = vector.extract %slice3A_39[0] : f32 from vector<1xf32>
    %broadcast_in_dim3A_41 = vector.broadcast %squeeze3A_40 : f32 to vector<16xf32>
    %scan3A = arith.constant 0 : i32
    %scan3A_42 = arith.constant 0 : i32
    %scan3A_43 = arith.constant 8 : i32
    %scan3A_44 = arith.addi %scan3A_42, %scan3A_43 : i32
    %scan3A_45 = arith.constant 1 : i32
    scf.for %scan3A_47 = %scan3A_42 to %scan3A_44 step %scan3A_45  : i32 {
      %mul3A_48 = arith.constant 2 : i32
      %mul3A_49 = arith.muli %mul3A_48, %scan3A_47 : i32
      %mul3A_50 = arith.constant 16 : i32
      %mul3A_51 = arith.muli %mul3A_49, %mul3A_50 : i32
      %add3A_52 = vector.broadcast %mul3A_51 : i32 to vector<16xi32>
      %add3A_53 = arith.addi %add3A_52, %iota3A : vector<16xi32>
      %and3A = arith.constant 7 : i32
      %and3A_54 = vector.broadcast %and3A : i32 to vector<16xi32>
      %and3A_55 = arith.andi %iota3A, %and3A_54 : vector<16xi32>
      %add3A_56 = arith.constant 0 : i32
      %add3A_57 = vector.broadcast %add3A_56 : i32 to vector<16xi32>
      %add3A_58 = arith.addi %add3A_57, %and3A_55 : vector<16xi32>
      %gather3A = tpu.vector_load_idx %arg5[%add3A_53, %add3A_58] : memref<256x128xf32, #tpu.memory_space<vmem>>[vector<16xi32>, vector<16xi32>], vector<16xf32>,
      %add3A_59 = arith.constant 1 : i32
      %add3A_60 = vector.broadcast %add3A_59 : i32 to vector<16xi32>
      %add3A_61 = arith.addi %add3A_60, %iota3A : vector<16xi32>
      %and3A_62 = arith.constant 7 : i32
      %and3A_63 = vector.broadcast %and3A_62 : i32 to vector<16xi32>
      %and3A_64 = arith.andi %add3A_61, %and3A_63 : vector<16xi32>
      %add3A_65 = arith.constant 0 : i32
      %add3A_66 = vector.broadcast %add3A_65 : i32 to vector<16xi32>
      %add3A_67 = arith.addi %add3A_66, %and3A_64 : vector<16xi32>
      %gather3A_68 = tpu.vector_load_idx %arg5[%add3A_53, %add3A_67] : memref<256x128xf32, #tpu.memory_space<vmem>>[vector<16xi32>, vector<16xi32>], vector<16xf32>,
      %max3A = arith.maximumf %gather3A, %gather3A_68 : vector<16xf32>
      %add3A_69 = arith.constant 2 : i32
      %add3A_70 = vector.broadcast %add3A_69 : i32 to vector<16xi32>
      %add3A_71 = arith.addi %add3A_70, %iota3A : vector<16xi32>
      %and3A_72 = arith.constant 7 : i32
      %and3A_73 = vector.broadcast %and3A_72 : i32 to vector<16xi32>
      %and3A_74 = arith.andi %add3A_71, %and3A_73 : vector<16xi32>
      %add3A_75 = arith.constant 0 : i32
      %add3A_76 = vector.broadcast %add3A_75 : i32 to vector<16xi32>
      %add3A_77 = arith.addi %add3A_76, %and3A_74 : vector<16xi32>
      %gather3A_78 = tpu.vector_load_idx %arg5[%add3A_53, %add3A_77] : memref<256x128xf32, #tpu.memory_space<vmem>>[vector<16xi32>, vector<16xi32>], vector<16xf32>,
      %max3A_79 = arith.maximumf %max3A, %gather3A_78 : vector<16xf32>
      %add3A_80 = arith.constant 3 : i32
      %add3A_81 = vector.broadcast %add3A_80 : i32 to vector<16xi32>
      %add3A_82 = arith.addi %add3A_81, %iota3A : vector<16xi32>
      %and3A_83 = arith.constant 7 : i32
      %and3A_84 = vector.broadcast %and3A_83 : i32 to vector<16xi32>
      %and3A_85 = arith.andi %add3A_82, %and3A_84 : vector<16xi32>
      %add3A_86 = arith.constant 0 : i32
      %add3A_87 = vector.broadcast %add3A_86 : i32 to vector<16xi32>
      %add3A_88 = arith.addi %add3A_87, %and3A_85 : vector<16xi32>
      %gather3A_89 = tpu.vector_load_idx %arg5[%add3A_53, %add3A_88] : memref<256x128xf32, #tpu.memory_space<vmem>>[vector<16xi32>, vector<16xi32>], vector<16xf32>,
      %max3A_90 = arith.maximumf %max3A_79, %gather3A_89 : vector<16xf32>
      %add3A_91 = arith.constant 4 : i32
      %add3A_92 = vector.broadcast %add3A_91 : i32 to vector<16xi32>
      %add3A_93 = arith.addi %add3A_92, %iota3A : vector<16xi32>
      %and3A_94 = arith.constant 7 : i32
      %and3A_95 = vector.broadcast %and3A_94 : i32 to vector<16xi32>
      %and3A_96 = arith.andi %add3A_93, %and3A_95 : vector<16xi32>
      %add3A_97 = arith.constant 0 : i32
      %add3A_98 = vector.broadcast %add3A_97 : i32 to vector<16xi32>
      %add3A_99 = arith.addi %add3A_98, %and3A_96 : vector<16xi32>
      %gather3A_100 = tpu.vector_load_idx %arg5[%add3A_53, %add3A_99] : memref<256x128xf32, #tpu.memory_space<vmem>>[vector<16xi32>, vector<16xi32>], vector<16xf32>,
      %max3A_101 = arith.maximumf %max3A_90, %gather3A_100 : vector<16xf32>
      %add3A_102 = arith.constant 5 : i32
      %add3A_103 = vector.broadcast %add3A_102 : i32 to vector<16xi32>
      %add3A_104 = arith.addi %add3A_103, %iota3A : vector<16xi32>
      %and3A_105 = arith.constant 7 : i32
      %and3A_106 = vector.broadcast %and3A_105 : i32 to vector<16xi32>
      %and3A_107 = arith.andi %add3A_104, %and3A_106 : vector<16xi32>
      %add3A_108 = arith.constant 0 : i32
      %add3A_109 = vector.broadcast %add3A_108 : i32 to vector<16xi32>
      %add3A_110 = arith.addi %add3A_109, %and3A_107 : vector<16xi32>
      %gather3A_111 = tpu.vector_load_idx %arg5[%add3A_53, %add3A_110] : memref<256x128xf32, #tpu.memory_space<vmem>>[vector<16xi32>, vector<16xi32>], vector<16xf32>,
      %max3A_112 = arith.maximumf %max3A_101, %gather3A_111 : vector<16xf32>
      %add3A_113 = arith.constant 6 : i32
      %add3A_114 = vector.broadcast %add3A_113 : i32 to vector<16xi32>
      %add3A_115 = arith.addi %add3A_114, %iota3A : vector<16xi32>
      %and3A_116 = arith.constant 7 : i32
      %and3A_117 = vector.broadcast %and3A_116 : i32 to vector<16xi32>
      %and3A_118 = arith.andi %add3A_115, %and3A_117 : vector<16xi32>
      %add3A_119 = arith.constant 0 : i32
      %add3A_120 = vector.broadcast %add3A_119 : i32 to vector<16xi32>
      %add3A_121 = arith.addi %add3A_120, %and3A_118 : vector<16xi32>
      %gather3A_122 = tpu.vector_load_idx %arg5[%add3A_53, %add3A_121] : memref<256x128xf32, #tpu.memory_space<vmem>>[vector<16xi32>, vector<16xi32>], vector<16xf32>,
      %max3A_123 = arith.maximumf %max3A_112, %gather3A_122 : vector<16xf32>
      %add3A_124 = arith.constant 7 : i32
      %add3A_125 = vector.broadcast %add3A_124 : i32 to vector<16xi32>
      %add3A_126 = arith.addi %add3A_125, %iota3A : vector<16xi32>
      %and3A_127 = arith.constant 7 : i32
      %and3A_128 = vector.broadcast %and3A_127 : i32 to vector<16xi32>
      %and3A_129 = arith.andi %add3A_126, %and3A_128 : vector<16xi32>
      %add3A_130 = arith.constant 0 : i32
      %add3A_131 = vector.broadcast %add3A_130 : i32 to vector<16xi32>
      %add3A_132 = arith.addi %add3A_131, %and3A_129 : vector<16xi32>
      %gather3A_133 = tpu.vector_load_idx %arg5[%add3A_53, %add3A_132] : memref<256x128xf32, #tpu.memory_space<vmem>>[vector<16xi32>, vector<16xi32>], vector<16xf32>,
      %max3A_134 = arith.maximumf %max3A_123, %gather3A_133 : vector<16xf32>
      %mul3A_135 = arith.mulf %broadcast_in_dim3A, %max3A_134 : vector<16xf32>
      %add3A_136 = arith.addf %broadcast_in_dim3A_41, %mul3A_135 : vector<16xf32>
      %and3A_137 = arith.constant 7 : i32
      %and3A_138 = vector.broadcast %and3A_137 : i32 to vector<16xi32>
      %and3A_139 = arith.andi %iota3A, %and3A_138 : vector<16xi32>
      %add3A_140 = arith.constant 8 : i32
      %add3A_141 = vector.broadcast %add3A_140 : i32 to vector<16xi32>
      %add3A_142 = arith.addi %add3A_141, %and3A_139 : vector<16xi32>
      %gather3A_143 = tpu.vector_load_idx %arg5[%add3A_53, %add3A_142] : memref<256x128xf32, #tpu.memory_space<vmem>>[vector<16xi32>, vector<16xi32>], vector<16xf32>,
      %add3A_144 = arith.constant 1 : i32
      %add3A_145 = vector.broadcast %add3A_144 : i32 to vector<16xi32>
      %add3A_146 = arith.addi %add3A_145, %iota3A : vector<16xi32>
      %and3A_147 = arith.constant 7 : i32
      %and3A_148 = vector.broadcast %and3A_147 : i32 to vector<16xi32>
      %and3A_149 = arith.andi %add3A_146, %and3A_148 : vector<16xi32>
      %add3A_150 = arith.constant 8 : i32
      %add3A_151 = vector.broadcast %add3A_150 : i32 to vector<16xi32>
      %add3A_152 = arith.addi %add3A_151, %and3A_149 : vector<16xi32>
      %gather3A_153 = tpu.vector_load_idx %arg5[%add3A_53, %add3A_152] : memref<256x128xf32, #tpu.memory_space<vmem>>[vector<16xi32>, vector<16xi32>], vector<16xf32>,
      %max3A_154 = arith.maximumf %gather3A_143, %gather3A_153 : vector<16xf32>
      %add3A_155 = arith.constant 2 : i32
      %add3A_156 = vector.broadcast %add3A_155 : i32 to vector<16xi32>
      %add3A_157 = arith.addi %add3A_156, %iota3A : vector<16xi32>
      %and3A_158 = arith.constant 7 : i32
      %and3A_159 = vector.broadcast %and3A_158 : i32 to vector<16xi32>
      %and3A_160 = arith.andi %add3A_157, %and3A_159 : vector<16xi32>
      %add3A_161 = arith.constant 8 : i32
      %add3A_162 = vector.broadcast %add3A_161 : i32 to vector<16xi32>
      %add3A_163 = arith.addi %add3A_162, %and3A_160 : vector<16xi32>
      %gather3A_164 = tpu.vector_load_idx %arg5[%add3A_53, %add3A_163] : memref<256x128xf32, #tpu.memory_space<vmem>>[vector<16xi32>, vector<16xi32>], vector<16xf32>,
      %max3A_165 = arith.maximumf %max3A_154, %gather3A_164 : vector<16xf32>
      %add3A_166 = arith.constant 3 : i32
      %add3A_167 = vector.broadcast %add3A_166 : i32 to vector<16xi32>
      %add3A_168 = arith.addi %add3A_167, %iota3A : vector<16xi32>
      %and3A_169 = arith.constant 7 : i32
      %and3A_170 = vector.broadcast %and3A_169 : i32 to vector<16xi32>
      %and3A_171 = arith.andi %add3A_168, %and3A_170 : vector<16xi32>
      %add3A_172 = arith.constant 8 : i32
      %add3A_173 = vector.broadcast %add3A_172 : i32 to vector<16xi32>
      %add3A_174 = arith.addi %add3A_173, %and3A_171 : vector<16xi32>
      %gather3A_175 = tpu.vector_load_idx %arg5[%add3A_53, %add3A_174] : memref<256x128xf32, #tpu.memory_space<vmem>>[vector<16xi32>, vector<16xi32>], vector<16xf32>,
      %max3A_176 = arith.maximumf %max3A_165, %gather3A_175 : vector<16xf32>
      %add3A_177 = arith.constant 4 : i32
      %add3A_178 = vector.broadcast %add3A_177 : i32 to vector<16xi32>
      %add3A_179 = arith.addi %add3A_178, %iota3A : vector<16xi32>
      %and3A_180 = arith.constant 7 : i32
      %and3A_181 = vector.broadcast %and3A_180 : i32 to vector<16xi32>
      %and3A_182 = arith.andi %add3A_179, %and3A_181 : vector<16xi32>
      %add3A_183 = arith.constant 8 : i32
      %add3A_184 = vector.broadcast %add3A_183 : i32 to vector<16xi32>
      %add3A_185 = arith.addi %add3A_184, %and3A_182 : vector<16xi32>
      %gather3A_186 = tpu.vector_load_idx %arg5[%add3A_53, %add3A_185] : memref<256x128xf32, #tpu.memory_space<vmem>>[vector<16xi32>, vector<16xi32>], vector<16xf32>,
      %max3A_187 = arith.maximumf %max3A_176, %gather3A_186 : vector<16xf32>
      %add3A_188 = arith.constant 5 : i32
      %add3A_189 = vector.broadcast %add3A_188 : i32 to vector<16xi32>
      %add3A_190 = arith.addi %add3A_189, %iota3A : vector<16xi32>
      %and3A_191 = arith.constant 7 : i32
      %and3A_192 = vector.broadcast %and3A_191 : i32 to vector<16xi32>
      %and3A_193 = arith.andi %add3A_190, %and3A_192 : vector<16xi32>
      %add3A_194 = arith.constant 8 : i32
      %add3A_195 = vector.broadcast %add3A_194 : i32 to vector<16xi32>
      %add3A_196 = arith.addi %add3A_195, %and3A_193 : vector<16xi32>
      %gather3A_197 = tpu.vector_load_idx %arg5[%add3A_53, %add3A_196] : memref<256x128xf32, #tpu.memory_space<vmem>>[vector<16xi32>, vector<16xi32>], vector<16xf32>,
      %max3A_198 = arith.maximumf %max3A_187, %gather3A_197 : vector<16xf32>
      %add3A_199 = arith.constant 6 : i32
      %add3A_200 = vector.broadcast %add3A_199 : i32 to vector<16xi32>
      %add3A_201 = arith.addi %add3A_200, %iota3A : vector<16xi32>
      %and3A_202 = arith.constant 7 : i32
      %and3A_203 = vector.broadcast %and3A_202 : i32 to vector<16xi32>
      %and3A_204 = arith.andi %add3A_201, %and3A_203 : vector<16xi32>
      %add3A_205 = arith.constant 8 : i32
      %add3A_206 = vector.broadcast %add3A_205 : i32 to vector<16xi32>
      %add3A_207 = arith.addi %add3A_206, %and3A_204 : vector<16xi32>
      %gather3A_208 = tpu.vector_load_idx %arg5[%add3A_53, %add3A_207] : memref<256x128xf32, #tpu.memory_space<vmem>>[vector<16xi32>, vector<16xi32>], vector<16xf32>,
      %max3A_209 = arith.maximumf %max3A_198, %gather3A_208 : vector<16xf32>
      %add3A_210 = arith.constant 7 : i32
      %add3A_211 = vector.broadcast %add3A_210 : i32 to vector<16xi32>
      %add3A_212 = arith.addi %add3A_211, %iota3A : vector<16xi32>
      %and3A_213 = arith.constant 7 : i32
      %and3A_214 = vector.broadcast %and3A_213 : i32 to vector<16xi32>
      %and3A_215 = arith.andi %add3A_212, %and3A_214 : vector<16xi32>
      %add3A_216 = arith.constant 8 : i32
      %add3A_217 = vector.broadcast %add3A_216 : i32 to vector<16xi32>
      %add3A_218 = arith.addi %add3A_217, %and3A_215 : vector<16xi32>
      %gather3A_219 = tpu.vector_load_idx %arg5[%add3A_53, %add3A_218] : memref<256x128xf32, #tpu.memory_space<vmem>>[vector<16xi32>, vector<16xi32>], vector<16xf32>,
      %max3A_220 = arith.maximumf %max3A_209, %gather3A_219 : vector<16xf32>
      %mul3A_221 = arith.mulf %broadcast_in_dim3A_8, %max3A_220 : vector<16xf32>
      %add3A_222 = arith.addf %add3A_136, %mul3A_221 : vector<16xf32>
      %and3A_223 = arith.constant 7 : i32
      %and3A_224 = vector.broadcast %and3A_223 : i32 to vector<16xi32>
      %and3A_225 = arith.andi %iota3A, %and3A_224 : vector<16xi32>
      %add3A_226 = arith.constant 16 : i32
      %add3A_227 = vector.broadcast %add3A_226 : i32 to vector<16xi32>
      %add3A_228 = arith.addi %add3A_227, %and3A_225 : vector<16xi32>
      %gather3A_229 = tpu.vector_load_idx %arg5[%add3A_53, %add3A_228] : memref<256x128xf32, #tpu.memory_space<vmem>>[vector<16xi32>, vector<16xi32>], vector<16xf32>,
      %add3A_230 = arith.constant 1 : i32
      %add3A_231 = vector.broadcast %add3A_230 : i32 to vector<16xi32>
      %add3A_232 = arith.addi %add3A_231, %iota3A : vector<16xi32>
      %and3A_233 = arith.constant 7 : i32
      %and3A_234 = vector.broadcast %and3A_233 : i32 to vector<16xi32>
      %and3A_235 = arith.andi %add3A_232, %and3A_234 : vector<16xi32>
      %add3A_236 = arith.constant 16 : i32
      %add3A_237 = vector.broadcast %add3A_236 : i32 to vector<16xi32>
      %add3A_238 = arith.addi %add3A_237, %and3A_235 : vector<16xi32>
      %gather3A_239 = tpu.vector_load_idx %arg5[%add3A_53, %add3A_238] : memref<256x128xf32, #tpu.memory_space<vmem>>[vector<16xi32>, vector<16xi32>], vector<16xf32>,
      %max3A_240 = arith.maximumf %gather3A_229, %gather3A_239 : vector<16xf32>
      %add3A_241 = arith.constant 2 : i32
      %add3A_242 = vector.broadcast %add3A_241 : i32 to vector<16xi32>
      %add3A_243 = arith.addi %add3A_242, %iota3A : vector<16xi32>
      %and3A_244 = arith.constant 7 : i32
      %and3A_245 = vector.broadcast %and3A_244 : i32 to vector<16xi32>
      %and3A_246 = arith.andi %add3A_243, %and3A_245 : vector<16xi32>
      %add3A_247 = arith.constant 16 : i32
      %add3A_248 = vector.broadcast %add3A_247 : i32 to vector<16xi32>
      %add3A_249 = arith.addi %add3A_248, %and3A_246 : vector<16xi32>
      %gather3A_250 = tpu.vector_load_idx %arg5[%add3A_53, %add3A_249] : memref<256x128xf32, #tpu.memory_space<vmem>>[vector<16xi32>, vector<16xi32>], vector<16xf32>,
      %max3A_251 = arith.maximumf %max3A_240, %gather3A_250 : vector<16xf32>
      %add3A_252 = arith.constant 3 : i32
      %add3A_253 = vector.broadcast %add3A_252 : i32 to vector<16xi32>
      %add3A_254 = arith.addi %add3A_253, %iota3A : vector<16xi32>
      %and3A_255 = arith.constant 7 : i32
      %and3A_256 = vector.broadcast %and3A_255 : i32 to vector<16xi32>
      %and3A_257 = arith.andi %add3A_254, %and3A_256 : vector<16xi32>
      %add3A_258 = arith.constant 16 : i32
      %add3A_259 = vector.broadcast %add3A_258 : i32 to vector<16xi32>
      %add3A_260 = arith.addi %add3A_259, %and3A_257 : vector<16xi32>
      %gather3A_261 = tpu.vector_load_idx %arg5[%add3A_53, %add3A_260] : memref<256x128xf32, #tpu.memory_space<vmem>>[vector<16xi32>, vector<16xi32>], vector<16xf32>,
      %max3A_262 = arith.maximumf %max3A_251, %gather3A_261 : vector<16xf32>
      %add3A_263 = arith.constant 4 : i32
      %add3A_264 = vector.broadcast %add3A_263 : i32 to vector<16xi32>
      %add3A_265 = arith.addi %add3A_264, %iota3A : vector<16xi32>
      %and3A_266 = arith.constant 7 : i32
      %and3A_267 = vector.broadcast %and3A_266 : i32 to vector<16xi32>
      %and3A_268 = arith.andi %add3A_265, %and3A_267 : vector<16xi32>
      %add3A_269 = arith.constant 16 : i32
      %add3A_270 = vector.broadcast %add3A_269 : i32 to vector<16xi32>
      %add3A_271 = arith.addi %add3A_270, %and3A_268 : vector<16xi32>
      %gather3A_272 = tpu.vector_load_idx %arg5[%add3A_53, %add3A_271] : memref<256x128xf32, #tpu.memory_space<vmem>>[vector<16xi32>, vector<16xi32>], vector<16xf32>,
      %max3A_273 = arith.maximumf %max3A_262, %gather3A_272 : vector<16xf32>
      %add3A_274 = arith.constant 5 : i32
      %add3A_275 = vector.broadcast %add3A_274 : i32 to vector<16xi32>
      %add3A_276 = arith.addi %add3A_275, %iota3A : vector<16xi32>
      %and3A_277 = arith.constant 7 : i32
      %and3A_278 = vector.broadcast %and3A_277 : i32 to vector<16xi32>
      %and3A_279 = arith.andi %add3A_276, %and3A_278 : vector<16xi32>
      %add3A_280 = arith.constant 16 : i32
      %add3A_281 = vector.broadcast %add3A_280 : i32 to vector<16xi32>
      %add3A_282 = arith.addi %add3A_281, %and3A_279 : vector<16xi32>
      %gather3A_283 = tpu.vector_load_idx %arg5[%add3A_53, %add3A_282] : memref<256x128xf32, #tpu.memory_space<vmem>>[vector<16xi32>, vector<16xi32>], vector<16xf32>,
      %max3A_284 = arith.maximumf %max3A_273, %gather3A_283 : vector<16xf32>
      %add3A_285 = arith.constant 6 : i32
      %add3A_286 = vector.broadcast %add3A_285 : i32 to vector<16xi32>
      %add3A_287 = arith.addi %add3A_286, %iota3A : vector<16xi32>
      %and3A_288 = arith.constant 7 : i32
      %and3A_289 = vector.broadcast %and3A_288 : i32 to vector<16xi32>
      %and3A_290 = arith.andi %add3A_287, %and3A_289 : vector<16xi32>
      %add3A_291 = arith.constant 16 : i32
      %add3A_292 = vector.broadcast %add3A_291 : i32 to vector<16xi32>
      %add3A_293 = arith.addi %add3A_292, %and3A_290 : vector<16xi32>
      %gather3A_294 = tpu.vector_load_idx %arg5[%add3A_53, %add3A_293] : memref<256x128xf32, #tpu.memory_space<vmem>>[vector<16xi32>, vector<16xi32>], vector<16xf32>,
      %max3A_295 = arith.maximumf %max3A_284, %gather3A_294 : vector<16xf32>
      %add3A_296 = arith.constant 7 : i32
      %add3A_297 = vector.broadcast %add3A_296 : i32 to vector<16xi32>
      %add3A_298 = arith.addi %add3A_297, %iota3A : vector<16xi32>
      %and3A_299 = arith.constant 7 : i32
      %and3A_300 = vector.broadcast %and3A_299 : i32 to vector<16xi32>
      %and3A_301 = arith.andi %add3A_298, %and3A_300 : vector<16xi32>
      %add3A_302 = arith.constant 16 : i32
      %add3A_303 = vector.broadcast %add3A_302 : i32 to vector<16xi32>
      %add3A_304 = arith.addi %add3A_303, %and3A_301 : vector<16xi32>
      %gather3A_305 = tpu.vector_load_idx %arg5[%add3A_53, %add3A_304] : memref<256x128xf32, #tpu.memory_space<vmem>>[vector<16xi32>, vector<16xi32>], vector<16xf32>,
      %max3A_306 = arith.maximumf %max3A_295, %gather3A_305 : vector<16xf32>
      %mul3A_307 = arith.mulf %broadcast_in_dim3A_11, %max3A_306 : vector<16xf32>
      %add3A_308 = arith.addf %add3A_222, %mul3A_307 : vector<16xf32>
      %and3A_309 = arith.constant 7 : i32
      %and3A_310 = vector.broadcast %and3A_309 : i32 to vector<16xi32>
      %and3A_311 = arith.andi %iota3A, %and3A_310 : vector<16xi32>
      %add3A_312 = arith.constant 24 : i32
      %add3A_313 = vector.broadcast %add3A_312 : i32 to vector<16xi32>
      %add3A_314 = arith.addi %add3A_313, %and3A_311 : vector<16xi32>
      %gather3A_315 = tpu.vector_load_idx %arg5[%add3A_53, %add3A_314] : memref<256x128xf32, #tpu.memory_space<vmem>>[vector<16xi32>, vector<16xi32>], vector<16xf32>,
      %add3A_316 = arith.constant 1 : i32
      %add3A_317 = vector.broadcast %add3A_316 : i32 to vector<16xi32>
      %add3A_318 = arith.addi %add3A_317, %iota3A : vector<16xi32>
      %and3A_319 = arith.constant 7 : i32
      %and3A_320 = vector.broadcast %and3A_319 : i32 to vector<16xi32>
      %and3A_321 = arith.andi %add3A_318, %and3A_320 : vector<16xi32>
      %add3A_322 = arith.constant 24 : i32
      %add3A_323 = vector.broadcast %add3A_322 : i32 to vector<16xi32>
      %add3A_324 = arith.addi %add3A_323, %and3A_321 : vector<16xi32>
      %gather3A_325 = tpu.vector_load_idx %arg5[%add3A_53, %add3A_324] : memref<256x128xf32, #tpu.memory_space<vmem>>[vector<16xi32>, vector<16xi32>], vector<16xf32>,
      %max3A_326 = arith.maximumf %gather3A_315, %gather3A_325 : vector<16xf32>
      %add3A_327 = arith.constant 2 : i32
      %add3A_328 = vector.broadcast %add3A_327 : i32 to vector<16xi32>
      %add3A_329 = arith.addi %add3A_328, %iota3A : vector<16xi32>
      %and3A_330 = arith.constant 7 : i32
      %and3A_331 = vector.broadcast %and3A_330 : i32 to vector<16xi32>
      %and3A_332 = arith.andi %add3A_329, %and3A_331 : vector<16xi32>
      %add3A_333 = arith.constant 24 : i32
      %add3A_334 = vector.broadcast %add3A_333 : i32 to vector<16xi32>
      %add3A_335 = arith.addi %add3A_334, %and3A_332 : vector<16xi32>
      %gather3A_336 = tpu.vector_load_idx %arg5[%add3A_53, %add3A_335] : memref<256x128xf32, #tpu.memory_space<vmem>>[vector<16xi32>, vector<16xi32>], vector<16xf32>,
      %max3A_337 = arith.maximumf %max3A_326, %gather3A_336 : vector<16xf32>
      %add3A_338 = arith.constant 3 : i32
      %add3A_339 = vector.broadcast %add3A_338 : i32 to vector<16xi32>
      %add3A_340 = arith.addi %add3A_339, %iota3A : vector<16xi32>
      %and3A_341 = arith.constant 7 : i32
      %and3A_342 = vector.broadcast %and3A_341 : i32 to vector<16xi32>
      %and3A_343 = arith.andi %add3A_340, %and3A_342 : vector<16xi32>
      %add3A_344 = arith.constant 24 : i32
      %add3A_345 = vector.broadcast %add3A_344 : i32 to vector<16xi32>
      %add3A_346 = arith.addi %add3A_345, %and3A_343 : vector<16xi32>
      %gather3A_347 = tpu.vector_load_idx %arg5[%add3A_53, %add3A_346] : memref<256x128xf32, #tpu.memory_space<vmem>>[vector<16xi32>, vector<16xi32>], vector<16xf32>,
      %max3A_348 = arith.maximumf %max3A_337, %gather3A_347 : vector<16xf32>
      %add3A_349 = arith.constant 4 : i32
      %add3A_350 = vector.broadcast %add3A_349 : i32 to vector<16xi32>
      %add3A_351 = arith.addi %add3A_350, %iota3A : vector<16xi32>
      %and3A_352 = arith.constant 7 : i32
      %and3A_353 = vector.broadcast %and3A_352 : i32 to vector<16xi32>
      %and3A_354 = arith.andi %add3A_351, %and3A_353 : vector<16xi32>
      %add3A_355 = arith.constant 24 : i32
      %add3A_356 = vector.broadcast %add3A_355 : i32 to vector<16xi32>
      %add3A_357 = arith.addi %add3A_356, %and3A_354 : vector<16xi32>
      %gather3A_358 = tpu.vector_load_idx %arg5[%add3A_53, %add3A_357] : memref<256x128xf32, #tpu.memory_space<vmem>>[vector<16xi32>, vector<16xi32>], vector<16xf32>,
      %max3A_359 = arith.maximumf %max3A_348, %gather3A_358 : vector<16xf32>
      %add3A_360 = arith.constant 5 : i32
      %add3A_361 = vector.broadcast %add3A_360 : i32 to vector<16xi32>
      %add3A_362 = arith.addi %add3A_361, %iota3A : vector<16xi32>
      %and3A_363 = arith.constant 7 : i32
      %and3A_364 = vector.broadcast %and3A_363 : i32 to vector<16xi32>
      %and3A_365 = arith.andi %add3A_362, %and3A_364 : vector<16xi32>
      %add3A_366 = arith.constant 24 : i32
      %add3A_367 = vector.broadcast %add3A_366 : i32 to vector<16xi32>
      %add3A_368 = arith.addi %add3A_367, %and3A_365 : vector<16xi32>
      %gather3A_369 = tpu.vector_load_idx %arg5[%add3A_53, %add3A_368] : memref<256x128xf32, #tpu.memory_space<vmem>>[vector<16xi32>, vector<16xi32>], vector<16xf32>,
      %max3A_370 = arith.maximumf %max3A_359, %gather3A_369 : vector<16xf32>
      %add3A_371 = arith.constant 6 : i32
      %add3A_372 = vector.broadcast %add3A_371 : i32 to vector<16xi32>
      %add3A_373 = arith.addi %add3A_372, %iota3A : vector<16xi32>
      %and3A_374 = arith.constant 7 : i32
      %and3A_375 = vector.broadcast %and3A_374 : i32 to vector<16xi32>
      %and3A_376 = arith.andi %add3A_373, %and3A_375 : vector<16xi32>
      %add3A_377 = arith.constant 24 : i32
      %add3A_378 = vector.broadcast %add3A_377 : i32 to vector<16xi32>
      %add3A_379 = arith.addi %add3A_378, %and3A_376 : vector<16xi32>
      %gather3A_380 = tpu.vector_load_idx %arg5[%add3A_53, %add3A_379] : memref<256x128xf32, #tpu.memory_space<vmem>>[vector<16xi32>, vector<16xi32>], vector<16xf32>,
      %max3A_381 = arith.maximumf %max3A_370, %gather3A_380 : vector<16xf32>
      %add3A_382 = arith.constant 7 : i32
      %add3A_383 = vector.broadcast %add3A_382 : i32 to vector<16xi32>
      %add3A_384 = arith.addi %add3A_383, %iota3A : vector<16xi32>
      %and3A_385 = arith.constant 7 : i32
      %and3A_386 = vector.broadcast %and3A_385 : i32 to vector<16xi32>
      %and3A_387 = arith.andi %add3A_384, %and3A_386 : vector<16xi32>
      %add3A_388 = arith.constant 24 : i32
      %add3A_389 = vector.broadcast %add3A_388 : i32 to vector<16xi32>
      %add3A_390 = arith.addi %add3A_389, %and3A_387 : vector<16xi32>
      %gather3A_391 = tpu.vector_load_idx %arg5[%add3A_53, %add3A_390] : memref<256x128xf32, #tpu.memory_space<vmem>>[vector<16xi32>, vector<16xi32>], vector<16xf32>,
      %max3A_392 = arith.maximumf %max3A_381, %gather3A_391 : vector<16xf32>
      %mul3A_393 = arith.mulf %broadcast_in_dim3A_14, %max3A_392 : vector<16xf32>
      %add3A_394 = arith.addf %add3A_308, %mul3A_393 : vector<16xf32>
      %and3A_395 = arith.constant 7 : i32
      %and3A_396 = vector.broadcast %and3A_395 : i32 to vector<16xi32>
      %and3A_397 = arith.andi %iota3A, %and3A_396 : vector<16xi32>
      %add3A_398 = arith.constant 32 : i32
      %add3A_399 = vector.broadcast %add3A_398 : i32 to vector<16xi32>
      %add3A_400 = arith.addi %add3A_399, %and3A_397 : vector<16xi32>
      %gather3A_401 = tpu.vector_load_idx %arg5[%add3A_53, %add3A_400] : memref<256x128xf32, #tpu.memory_space<vmem>>[vector<16xi32>, vector<16xi32>], vector<16xf32>,
      %add3A_402 = arith.constant 1 : i32
      %add3A_403 = vector.broadcast %add3A_402 : i32 to vector<16xi32>
      %add3A_404 = arith.addi %add3A_403, %iota3A : vector<16xi32>
      %and3A_405 = arith.constant 7 : i32
      %and3A_406 = vector.broadcast %and3A_405 : i32 to vector<16xi32>
      %and3A_407 = arith.andi %add3A_404, %and3A_406 : vector<16xi32>
      %add3A_408 = arith.constant 32 : i32
      %add3A_409 = vector.broadcast %add3A_408 : i32 to vector<16xi32>
      %add3A_410 = arith.addi %add3A_409, %and3A_407 : vector<16xi32>
      %gather3A_411 = tpu.vector_load_idx %arg5[%add3A_53, %add3A_410] : memref<256x128xf32, #tpu.memory_space<vmem>>[vector<16xi32>, vector<16xi32>], vector<16xf32>,
      %max3A_412 = arith.maximumf %gather3A_401, %gather3A_411 : vector<16xf32>
      %add3A_413 = arith.constant 2 : i32
      %add3A_414 = vector.broadcast %add3A_413 : i32 to vector<16xi32>
      %add3A_415 = arith.addi %add3A_414, %iota3A : vector<16xi32>
      %and3A_416 = arith.constant 7 : i32
      %and3A_417 = vector.broadcast %and3A_416 : i32 to vector<16xi32>
      %and3A_418 = arith.andi %add3A_415, %and3A_417 : vector<16xi32>
      %add3A_419 = arith.constant 32 : i32
      %add3A_420 = vector.broadcast %add3A_419 : i32 to vector<16xi32>
      %add3A_421 = arith.addi %add3A_420, %and3A_418 : vector<16xi32>
      %gather3A_422 = tpu.vector_load_idx %arg5[%add3A_53, %add3A_421] : memref<256x128xf32, #tpu.memory_space<vmem>>[vector<16xi32>, vector<16xi32>], vector<16xf32>,
      %max3A_423 = arith.maximumf %max3A_412, %gather3A_422 : vector<16xf32>
      %add3A_424 = arith.constant 3 : i32
      %add3A_425 = vector.broadcast %add3A_424 : i32 to vector<16xi32>
      %add3A_426 = arith.addi %add3A_425, %iota3A : vector<16xi32>
      %and3A_427 = arith.constant 7 : i32
      %and3A_428 = vector.broadcast %and3A_427 : i32 to vector<16xi32>
      %and3A_429 = arith.andi %add3A_426, %and3A_428 : vector<16xi32>
      %add3A_430 = arith.constant 32 : i32
      %add3A_431 = vector.broadcast %add3A_430 : i32 to vector<16xi32>
      %add3A_432 = arith.addi %add3A_431, %and3A_429 : vector<16xi32>
      %gather3A_433 = tpu.vector_load_idx %arg5[%add3A_53, %add3A_432] : memref<256x128xf32, #tpu.memory_space<vmem>>[vector<16xi32>, vector<16xi32>], vector<16xf32>,
      %max3A_434 = arith.maximumf %max3A_423, %gather3A_433 : vector<16xf32>
      %add3A_435 = arith.constant 4 : i32
      %add3A_436 = vector.broadcast %add3A_435 : i32 to vector<16xi32>
      %add3A_437 = arith.addi %add3A_436, %iota3A : vector<16xi32>
      %and3A_438 = arith.constant 7 : i32
      %and3A_439 = vector.broadcast %and3A_438 : i32 to vector<16xi32>
      %and3A_440 = arith.andi %add3A_437, %and3A_439 : vector<16xi32>
      %add3A_441 = arith.constant 32 : i32
      %add3A_442 = vector.broadcast %add3A_441 : i32 to vector<16xi32>
      %add3A_443 = arith.addi %add3A_442, %and3A_440 : vector<16xi32>
      %gather3A_444 = tpu.vector_load_idx %arg5[%add3A_53, %add3A_443] : memref<256x128xf32, #tpu.memory_space<vmem>>[vector<16xi32>, vector<16xi32>], vector<16xf32>,
      %max3A_445 = arith.maximumf %max3A_434, %gather3A_444 : vector<16xf32>
      %add3A_446 = arith.constant 5 : i32
      %add3A_447 = vector.broadcast %add3A_446 : i32 to vector<16xi32>
      %add3A_448 = arith.addi %add3A_447, %iota3A : vector<16xi32>
      %and3A_449 = arith.constant 7 : i32
      %and3A_450 = vector.broadcast %and3A_449 : i32 to vector<16xi32>
      %and3A_451 = arith.andi %add3A_448, %and3A_450 : vector<16xi32>
      %add3A_452 = arith.constant 32 : i32
      %add3A_453 = vector.broadcast %add3A_452 : i32 to vector<16xi32>
      %add3A_454 = arith.addi %add3A_453, %and3A_451 : vector<16xi32>
      %gather3A_455 = tpu.vector_load_idx %arg5[%add3A_53, %add3A_454] : memref<256x128xf32, #tpu.memory_space<vmem>>[vector<16xi32>, vector<16xi32>], vector<16xf32>,
      %max3A_456 = arith.maximumf %max3A_445, %gather3A_455 : vector<16xf32>
      %add3A_457 = arith.constant 6 : i32
      %add3A_458 = vector.broadcast %add3A_457 : i32 to vector<16xi32>
      %add3A_459 = arith.addi %add3A_458, %iota3A : vector<16xi32>
      %and3A_460 = arith.constant 7 : i32
      %and3A_461 = vector.broadcast %and3A_460 : i32 to vector<16xi32>
      %and3A_462 = arith.andi %add3A_459, %and3A_461 : vector<16xi32>
      %add3A_463 = arith.constant 32 : i32
      %add3A_464 = vector.broadcast %add3A_463 : i32 to vector<16xi32>
      %add3A_465 = arith.addi %add3A_464, %and3A_462 : vector<16xi32>
      %gather3A_466 = tpu.vector_load_idx %arg5[%add3A_53, %add3A_465] : memref<256x128xf32, #tpu.memory_space<vmem>>[vector<16xi32>, vector<16xi32>], vector<16xf32>,
      %max3A_467 = arith.maximumf %max3A_456, %gather3A_466 : vector<16xf32>
      %add3A_468 = arith.constant 7 : i32
      %add3A_469 = vector.broadcast %add3A_468 : i32 to vector<16xi32>
      %add3A_470 = arith.addi %add3A_469, %iota3A : vector<16xi32>
      %and3A_471 = arith.constant 7 : i32
      %and3A_472 = vector.broadcast %and3A_471 : i32 to vector<16xi32>
      %and3A_473 = arith.andi %add3A_470, %and3A_472 : vector<16xi32>
      %add3A_474 = arith.constant 32 : i32
      %add3A_475 = vector.broadcast %add3A_474 : i32 to vector<16xi32>
      %add3A_476 = arith.addi %add3A_475, %and3A_473 : vector<16xi32>
      %gather3A_477 = tpu.vector_load_idx %arg5[%add3A_53, %add3A_476] : memref<256x128xf32, #tpu.memory_space<vmem>>[vector<16xi32>, vector<16xi32>], vector<16xf32>,
      %max3A_478 = arith.maximumf %max3A_467, %gather3A_477 : vector<16xf32>
      %mul3A_479 = arith.mulf %broadcast_in_dim3A_17, %max3A_478 : vector<16xf32>
      %add3A_480 = arith.addf %add3A_394, %mul3A_479 : vector<16xf32>
      %and3A_481 = arith.constant 7 : i32
      %and3A_482 = vector.broadcast %and3A_481 : i32 to vector<16xi32>
      %and3A_483 = arith.andi %iota3A, %and3A_482 : vector<16xi32>
      %add3A_484 = arith.constant 40 : i32
      %add3A_485 = vector.broadcast %add3A_484 : i32 to vector<16xi32>
      %add3A_486 = arith.addi %add3A_485, %and3A_483 : vector<16xi32>
      %gather3A_487 = tpu.vector_load_idx %arg5[%add3A_53, %add3A_486] : memref<256x128xf32, #tpu.memory_space<vmem>>[vector<16xi32>, vector<16xi32>], vector<16xf32>,
      %add3A_488 = arith.constant 1 : i32
      %add3A_489 = vector.broadcast %add3A_488 : i32 to vector<16xi32>
      %add3A_490 = arith.addi %add3A_489, %iota3A : vector<16xi32>
      %and3A_491 = arith.constant 7 : i32
      %and3A_492 = vector.broadcast %and3A_491 : i32 to vector<16xi32>
      %and3A_493 = arith.andi %add3A_490, %and3A_492 : vector<16xi32>
      %add3A_494 = arith.constant 40 : i32
      %add3A_495 = vector.broadcast %add3A_494 : i32 to vector<16xi32>
      %add3A_496 = arith.addi %add3A_495, %and3A_493 : vector<16xi32>
      %gather3A_497 = tpu.vector_load_idx %arg5[%add3A_53, %add3A_496] : memref<256x128xf32, #tpu.memory_space<vmem>>[vector<16xi32>, vector<16xi32>], vector<16xf32>,
      %max3A_498 = arith.maximumf %gather3A_487, %gather3A_497 : vector<16xf32>
      %add3A_499 = arith.constant 2 : i32
      %add3A_500 = vector.broadcast %add3A_499 : i32 to vector<16xi32>
      %add3A_501 = arith.addi %add3A_500, %iota3A : vector<16xi32>
      %and3A_502 = arith.constant 7 : i32
      %and3A_503 = vector.broadcast %and3A_502 : i32 to vector<16xi32>
      %and3A_504 = arith.andi %add3A_501, %and3A_503 : vector<16xi32>
      %add3A_505 = arith.constant 40 : i32
      %add3A_506 = vector.broadcast %add3A_505 : i32 to vector<16xi32>
      %add3A_507 = arith.addi %add3A_506, %and3A_504 : vector<16xi32>
      %gather3A_508 = tpu.vector_load_idx %arg5[%add3A_53, %add3A_507] : memref<256x128xf32, #tpu.memory_space<vmem>>[vector<16xi32>, vector<16xi32>], vector<16xf32>,
      %max3A_509 = arith.maximumf %max3A_498, %gather3A_508 : vector<16xf32>
      %add3A_510 = arith.constant 3 : i32
      %add3A_511 = vector.broadcast %add3A_510 : i32 to vector<16xi32>
      %add3A_512 = arith.addi %add3A_511, %iota3A : vector<16xi32>
      %and3A_513 = arith.constant 7 : i32
      %and3A_514 = vector.broadcast %and3A_513 : i32 to vector<16xi32>
      %and3A_515 = arith.andi %add3A_512, %and3A_514 : vector<16xi32>
      %add3A_516 = arith.constant 40 : i32
      %add3A_517 = vector.broadcast %add3A_516 : i32 to vector<16xi32>
      %add3A_518 = arith.addi %add3A_517, %and3A_515 : vector<16xi32>
      %gather3A_519 = tpu.vector_load_idx %arg5[%add3A_53, %add3A_518] : memref<256x128xf32, #tpu.memory_space<vmem>>[vector<16xi32>, vector<16xi32>], vector<16xf32>,
      %max3A_520 = arith.maximumf %max3A_509, %gather3A_519 : vector<16xf32>
      %add3A_521 = arith.constant 4 : i32
      %add3A_522 = vector.broadcast %add3A_521 : i32 to vector<16xi32>
      %add3A_523 = arith.addi %add3A_522, %iota3A : vector<16xi32>
      %and3A_524 = arith.constant 7 : i32
      %and3A_525 = vector.broadcast %and3A_524 : i32 to vector<16xi32>
      %and3A_526 = arith.andi %add3A_523, %and3A_525 : vector<16xi32>
      %add3A_527 = arith.constant 40 : i32
      %add3A_528 = vector.broadcast %add3A_527 : i32 to vector<16xi32>
      %add3A_529 = arith.addi %add3A_528, %and3A_526 : vector<16xi32>
      %gather3A_530 = tpu.vector_load_idx %arg5[%add3A_53, %add3A_529] : memref<256x128xf32, #tpu.memory_space<vmem>>[vector<16xi32>, vector<16xi32>], vector<16xf32>,
      %max3A_531 = arith.maximumf %max3A_520, %gather3A_530 : vector<16xf32>
      %add3A_532 = arith.constant 5 : i32
      %add3A_533 = vector.broadcast %add3A_532 : i32 to vector<16xi32>
      %add3A_534 = arith.addi %add3A_533, %iota3A : vector<16xi32>
      %and3A_535 = arith.constant 7 : i32
      %and3A_536 = vector.broadcast %and3A_535 : i32 to vector<16xi32>
      %and3A_537 = arith.andi %add3A_534, %and3A_536 : vector<16xi32>
      %add3A_538 = arith.constant 40 : i32
      %add3A_539 = vector.broadcast %add3A_538 : i32 to vector<16xi32>
      %add3A_540 = arith.addi %add3A_539, %and3A_537 : vector<16xi32>
      %gather3A_541 = tpu.vector_load_idx %arg5[%add3A_53, %add3A_540] : memref<256x128xf32, #tpu.memory_space<vmem>>[vector<16xi32>, vector<16xi32>], vector<16xf32>,
      %max3A_542 = arith.maximumf %max3A_531, %gather3A_541 : vector<16xf32>
      %add3A_543 = arith.constant 6 : i32
      %add3A_544 = vector.broadcast %add3A_543 : i32 to vector<16xi32>
      %add3A_545 = arith.addi %add3A_544, %iota3A : vector<16xi32>
      %and3A_546 = arith.constant 7 : i32
      %and3A_547 = vector.broadcast %and3A_546 : i32 to vector<16xi32>
      %and3A_548 = arith.andi %add3A_545, %and3A_547 : vector<16xi32>
      %add3A_549 = arith.constant 40 : i32
      %add3A_550 = vector.broadcast %add3A_549 : i32 to vector<16xi32>
      %add3A_551 = arith.addi %add3A_550, %and3A_548 : vector<16xi32>
      %gather3A_552 = tpu.vector_load_idx %arg5[%add3A_53, %add3A_551] : memref<256x128xf32, #tpu.memory_space<vmem>>[vector<16xi32>, vector<16xi32>], vector<16xf32>,
      %max3A_553 = arith.maximumf %max3A_542, %gather3A_552 : vector<16xf32>
      %add3A_554 = arith.constant 7 : i32
      %add3A_555 = vector.broadcast %add3A_554 : i32 to vector<16xi32>
      %add3A_556 = arith.addi %add3A_555, %iota3A : vector<16xi32>
      %and3A_557 = arith.constant 7 : i32
      %and3A_558 = vector.broadcast %and3A_557 : i32 to vector<16xi32>
      %and3A_559 = arith.andi %add3A_556, %and3A_558 : vector<16xi32>
      %add3A_560 = arith.constant 40 : i32
      %add3A_561 = vector.broadcast %add3A_560 : i32 to vector<16xi32>
      %add3A_562 = arith.addi %add3A_561, %and3A_559 : vector<16xi32>
      %gather3A_563 = tpu.vector_load_idx %arg5[%add3A_53, %add3A_562] : memref<256x128xf32, #tpu.memory_space<vmem>>[vector<16xi32>, vector<16xi32>], vector<16xf32>,
      %max3A_564 = arith.maximumf %max3A_553, %gather3A_563 : vector<16xf32>
      %mul3A_565 = arith.mulf %broadcast_in_dim3A_20, %max3A_564 : vector<16xf32>
      %add3A_566 = arith.addf %add3A_480, %mul3A_565 : vector<16xf32>
      %and3A_567 = arith.constant 7 : i32
      %and3A_568 = vector.broadcast %and3A_567 : i32 to vector<16xi32>
      %and3A_569 = arith.andi %iota3A, %and3A_568 : vector<16xi32>
      %add3A_570 = arith.constant 48 : i32
      %add3A_571 = vector.broadcast %add3A_570 : i32 to vector<16xi32>
      %add3A_572 = arith.addi %add3A_571, %and3A_569 : vector<16xi32>
      %gather3A_573 = tpu.vector_load_idx %arg5[%add3A_53, %add3A_572] : memref<256x128xf32, #tpu.memory_space<vmem>>[vector<16xi32>, vector<16xi32>], vector<16xf32>,
      %add3A_574 = arith.constant 1 : i32
      %add3A_575 = vector.broadcast %add3A_574 : i32 to vector<16xi32>
      %add3A_576 = arith.addi %add3A_575, %iota3A : vector<16xi32>
      %and3A_577 = arith.constant 7 : i32
      %and3A_578 = vector.broadcast %and3A_577 : i32 to vector<16xi32>
      %and3A_579 = arith.andi %add3A_576, %and3A_578 : vector<16xi32>
      %add3A_580 = arith.constant 48 : i32
      %add3A_581 = vector.broadcast %add3A_580 : i32 to vector<16xi32>
      %add3A_582 = arith.addi %add3A_581, %and3A_579 : vector<16xi32>
      %gather3A_583 = tpu.vector_load_idx %arg5[%add3A_53, %add3A_582] : memref<256x128xf32, #tpu.memory_space<vmem>>[vector<16xi32>, vector<16xi32>], vector<16xf32>,
      %max3A_584 = arith.maximumf %gather3A_573, %gather3A_583 : vector<16xf32>
      %add3A_585 = arith.constant 2 : i32
      %add3A_586 = vector.broadcast %add3A_585 : i32 to vector<16xi32>
      %add3A_587 = arith.addi %add3A_586, %iota3A : vector<16xi32>
      %and3A_588 = arith.constant 7 : i32
      %and3A_589 = vector.broadcast %and3A_588 : i32 to vector<16xi32>
      %and3A_590 = arith.andi %add3A_587, %and3A_589 : vector<16xi32>
      %add3A_591 = arith.constant 48 : i32
      %add3A_592 = vector.broadcast %add3A_591 : i32 to vector<16xi32>
      %add3A_593 = arith.addi %add3A_592, %and3A_590 : vector<16xi32>
      %gather3A_594 = tpu.vector_load_idx %arg5[%add3A_53, %add3A_593] : memref<256x128xf32, #tpu.memory_space<vmem>>[vector<16xi32>, vector<16xi32>], vector<16xf32>,
      %max3A_595 = arith.maximumf %max3A_584, %gather3A_594 : vector<16xf32>
      %add3A_596 = arith.constant 3 : i32
      %add3A_597 = vector.broadcast %add3A_596 : i32 to vector<16xi32>
      %add3A_598 = arith.addi %add3A_597, %iota3A : vector<16xi32>
      %and3A_599 = arith.constant 7 : i32
      %and3A_600 = vector.broadcast %and3A_599 : i32 to vector<16xi32>
      %and3A_601 = arith.andi %add3A_598, %and3A_600 : vector<16xi32>
      %add3A_602 = arith.constant 48 : i32
      %add3A_603 = vector.broadcast %add3A_602 : i32 to vector<16xi32>
      %add3A_604 = arith.addi %add3A_603, %and3A_601 : vector<16xi32>
      %gather3A_605 = tpu.vector_load_idx %arg5[%add3A_53, %add3A_604] : memref<256x128xf32, #tpu.memory_space<vmem>>[vector<16xi32>, vector<16xi32>], vector<16xf32>,
      %max3A_606 = arith.maximumf %max3A_595, %gather3A_605 : vector<16xf32>
      %add3A_607 = arith.constant 4 : i32
      %add3A_608 = vector.broadcast %add3A_607 : i32 to vector<16xi32>
      %add3A_609 = arith.addi %add3A_608, %iota3A : vector<16xi32>
      %and3A_610 = arith.constant 7 : i32
      %and3A_611 = vector.broadcast %and3A_610 : i32 to vector<16xi32>
      %and3A_612 = arith.andi %add3A_609, %and3A_611 : vector<16xi32>
      %add3A_613 = arith.constant 48 : i32
      %add3A_614 = vector.broadcast %add3A_613 : i32 to vector<16xi32>
      %add3A_615 = arith.addi %add3A_614, %and3A_612 : vector<16xi32>
      %gather3A_616 = tpu.vector_load_idx %arg5[%add3A_53, %add3A_615] : memref<256x128xf32, #tpu.memory_space<vmem>>[vector<16xi32>, vector<16xi32>], vector<16xf32>,
      %max3A_617 = arith.maximumf %max3A_606, %gather3A_616 : vector<16xf32>
      %add3A_618 = arith.constant 5 : i32
      %add3A_619 = vector.broadcast %add3A_618 : i32 to vector<16xi32>
      %add3A_620 = arith.addi %add3A_619, %iota3A : vector<16xi32>
      %and3A_621 = arith.constant 7 : i32
      %and3A_622 = vector.broadcast %and3A_621 : i32 to vector<16xi32>
      %and3A_623 = arith.andi %add3A_620, %and3A_622 : vector<16xi32>
      %add3A_624 = arith.constant 48 : i32
      %add3A_625 = vector.broadcast %add3A_624 : i32 to vector<16xi32>
      %add3A_626 = arith.addi %add3A_625, %and3A_623 : vector<16xi32>
      %gather3A_627 = tpu.vector_load_idx %arg5[%add3A_53, %add3A_626] : memref<256x128xf32, #tpu.memory_space<vmem>>[vector<16xi32>, vector<16xi32>], vector<16xf32>,
      %max3A_628 = arith.maximumf %max3A_617, %gather3A_627 : vector<16xf32>
      %add3A_629 = arith.constant 6 : i32
      %add3A_630 = vector.broadcast %add3A_629 : i32 to vector<16xi32>
      %add3A_631 = arith.addi %add3A_630, %iota3A : vector<16xi32>
      %and3A_632 = arith.constant 7 : i32
      %and3A_633 = vector.broadcast %and3A_632 : i32 to vector<16xi32>
      %and3A_634 = arith.andi %add3A_631, %and3A_633 : vector<16xi32>
      %add3A_635 = arith.constant 48 : i32
      %add3A_636 = vector.broadcast %add3A_635 : i32 to vector<16xi32>
      %add3A_637 = arith.addi %add3A_636, %and3A_634 : vector<16xi32>
      %gather3A_638 = tpu.vector_load_idx %arg5[%add3A_53, %add3A_637] : memref<256x128xf32, #tpu.memory_space<vmem>>[vector<16xi32>, vector<16xi32>], vector<16xf32>,
      %max3A_639 = arith.maximumf %max3A_628, %gather3A_638 : vector<16xf32>
      %add3A_640 = arith.constant 7 : i32
      %add3A_641 = vector.broadcast %add3A_640 : i32 to vector<16xi32>
      %add3A_642 = arith.addi %add3A_641, %iota3A : vector<16xi32>
      %and3A_643 = arith.constant 7 : i32
      %and3A_644 = vector.broadcast %and3A_643 : i32 to vector<16xi32>
      %and3A_645 = arith.andi %add3A_642, %and3A_644 : vector<16xi32>
      %add3A_646 = arith.constant 48 : i32
      %add3A_647 = vector.broadcast %add3A_646 : i32 to vector<16xi32>
      %add3A_648 = arith.addi %add3A_647, %and3A_645 : vector<16xi32>
      %gather3A_649 = tpu.vector_load_idx %arg5[%add3A_53, %add3A_648] : memref<256x128xf32, #tpu.memory_space<vmem>>[vector<16xi32>, vector<16xi32>], vector<16xf32>,
      %max3A_650 = arith.maximumf %max3A_639, %gather3A_649 : vector<16xf32>
      %mul3A_651 = arith.mulf %broadcast_in_dim3A_23, %max3A_650 : vector<16xf32>
      %add3A_652 = arith.addf %add3A_566, %mul3A_651 : vector<16xf32>
      %and3A_653 = arith.constant 7 : i32
      %and3A_654 = vector.broadcast %and3A_653 : i32 to vector<16xi32>
      %and3A_655 = arith.andi %iota3A, %and3A_654 : vector<16xi32>
      %add3A_656 = arith.constant 56 : i32
      %add3A_657 = vector.broadcast %add3A_656 : i32 to vector<16xi32>
      %add3A_658 = arith.addi %add3A_657, %and3A_655 : vector<16xi32>
      %gather3A_659 = tpu.vector_load_idx %arg5[%add3A_53, %add3A_658] : memref<256x128xf32, #tpu.memory_space<vmem>>[vector<16xi32>, vector<16xi32>], vector<16xf32>,
      %add3A_660 = arith.constant 1 : i32
      %add3A_661 = vector.broadcast %add3A_660 : i32 to vector<16xi32>
      %add3A_662 = arith.addi %add3A_661, %iota3A : vector<16xi32>
      %and3A_663 = arith.constant 7 : i32
      %and3A_664 = vector.broadcast %and3A_663 : i32 to vector<16xi32>
      %and3A_665 = arith.andi %add3A_662, %and3A_664 : vector<16xi32>
      %add3A_666 = arith.constant 56 : i32
      %add3A_667 = vector.broadcast %add3A_666 : i32 to vector<16xi32>
      %add3A_668 = arith.addi %add3A_667, %and3A_665 : vector<16xi32>
      %gather3A_669 = tpu.vector_load_idx %arg5[%add3A_53, %add3A_668] : memref<256x128xf32, #tpu.memory_space<vmem>>[vector<16xi32>, vector<16xi32>], vector<16xf32>,
      %max3A_670 = arith.maximumf %gather3A_659, %gather3A_669 : vector<16xf32>
      %add3A_671 = arith.constant 2 : i32
      %add3A_672 = vector.broadcast %add3A_671 : i32 to vector<16xi32>
      %add3A_673 = arith.addi %add3A_672, %iota3A : vector<16xi32>
      %and3A_674 = arith.constant 7 : i32
      %and3A_675 = vector.broadcast %and3A_674 : i32 to vector<16xi32>
      %and3A_676 = arith.andi %add3A_673, %and3A_675 : vector<16xi32>
      %add3A_677 = arith.constant 56 : i32
      %add3A_678 = vector.broadcast %add3A_677 : i32 to vector<16xi32>
      %add3A_679 = arith.addi %add3A_678, %and3A_676 : vector<16xi32>
      %gather3A_680 = tpu.vector_load_idx %arg5[%add3A_53, %add3A_679] : memref<256x128xf32, #tpu.memory_space<vmem>>[vector<16xi32>, vector<16xi32>], vector<16xf32>,
      %max3A_681 = arith.maximumf %max3A_670, %gather3A_680 : vector<16xf32>
      %add3A_682 = arith.constant 3 : i32
      %add3A_683 = vector.broadcast %add3A_682 : i32 to vector<16xi32>
      %add3A_684 = arith.addi %add3A_683, %iota3A : vector<16xi32>
      %and3A_685 = arith.constant 7 : i32
      %and3A_686 = vector.broadcast %and3A_685 : i32 to vector<16xi32>
      %and3A_687 = arith.andi %add3A_684, %and3A_686 : vector<16xi32>
      %add3A_688 = arith.constant 56 : i32
      %add3A_689 = vector.broadcast %add3A_688 : i32 to vector<16xi32>
      %add3A_690 = arith.addi %add3A_689, %and3A_687 : vector<16xi32>
      %gather3A_691 = tpu.vector_load_idx %arg5[%add3A_53, %add3A_690] : memref<256x128xf32, #tpu.memory_space<vmem>>[vector<16xi32>, vector<16xi32>], vector<16xf32>,
      %max3A_692 = arith.maximumf %max3A_681, %gather3A_691 : vector<16xf32>
      %add3A_693 = arith.constant 4 : i32
      %add3A_694 = vector.broadcast %add3A_693 : i32 to vector<16xi32>
      %add3A_695 = arith.addi %add3A_694, %iota3A : vector<16xi32>
      %and3A_696 = arith.constant 7 : i32
      %and3A_697 = vector.broadcast %and3A_696 : i32 to vector<16xi32>
      %and3A_698 = arith.andi %add3A_695, %and3A_697 : vector<16xi32>
      %add3A_699 = arith.constant 56 : i32
      %add3A_700 = vector.broadcast %add3A_699 : i32 to vector<16xi32>
      %add3A_701 = arith.addi %add3A_700, %and3A_698 : vector<16xi32>
      %gather3A_702 = tpu.vector_load_idx %arg5[%add3A_53, %add3A_701] : memref<256x128xf32, #tpu.memory_space<vmem>>[vector<16xi32>, vector<16xi32>], vector<16xf32>,
      %max3A_703 = arith.maximumf %max3A_692, %gather3A_702 : vector<16xf32>
      %add3A_704 = arith.constant 5 : i32
      %add3A_705 = vector.broadcast %add3A_704 : i32 to vector<16xi32>
      %add3A_706 = arith.addi %add3A_705, %iota3A : vector<16xi32>
      %and3A_707 = arith.constant 7 : i32
      %and3A_708 = vector.broadcast %and3A_707 : i32 to vector<16xi32>
      %and3A_709 = arith.andi %add3A_706, %and3A_708 : vector<16xi32>
      %add3A_710 = arith.constant 56 : i32
      %add3A_711 = vector.broadcast %add3A_710 : i32 to vector<16xi32>
      %add3A_712 = arith.addi %add3A_711, %and3A_709 : vector<16xi32>
      %gather3A_713 = tpu.vector_load_idx %arg5[%add3A_53, %add3A_712] : memref<256x128xf32, #tpu.memory_space<vmem>>[vector<16xi32>, vector<16xi32>], vector<16xf32>,
      %max3A_714 = arith.maximumf %max3A_703, %gather3A_713 : vector<16xf32>
      %add3A_715 = arith.constant 6 : i32
      %add3A_716 = vector.broadcast %add3A_715 : i32 to vector<16xi32>
      %add3A_717 = arith.addi %add3A_716, %iota3A : vector<16xi32>
      %and3A_718 = arith.constant 7 : i32
      %and3A_719 = vector.broadcast %and3A_718 : i32 to vector<16xi32>
      %and3A_720 = arith.andi %add3A_717, %and3A_719 : vector<16xi32>
      %add3A_721 = arith.constant 56 : i32
      %add3A_722 = vector.broadcast %add3A_721 : i32 to vector<16xi32>
      %add3A_723 = arith.addi %add3A_722, %and3A_720 : vector<16xi32>
      %gather3A_724 = tpu.vector_load_idx %arg5[%add3A_53, %add3A_723] : memref<256x128xf32, #tpu.memory_space<vmem>>[vector<16xi32>, vector<16xi32>], vector<16xf32>,
      %max3A_725 = arith.maximumf %max3A_714, %gather3A_724 : vector<16xf32>
      %add3A_726 = arith.constant 7 : i32
      %add3A_727 = vector.broadcast %add3A_726 : i32 to vector<16xi32>
      %add3A_728 = arith.addi %add3A_727, %iota3A : vector<16xi32>
      %and3A_729 = arith.constant 7 : i32
      %and3A_730 = vector.broadcast %and3A_729 : i32 to vector<16xi32>
      %and3A_731 = arith.andi %add3A_728, %and3A_730 : vector<16xi32>
      %add3A_732 = arith.constant 56 : i32
      %add3A_733 = vector.broadcast %add3A_732 : i32 to vector<16xi32>
      %add3A_734 = arith.addi %add3A_733, %and3A_731 : vector<16xi32>
      %gather3A_735 = tpu.vector_load_idx %arg5[%add3A_53, %add3A_734] : memref<256x128xf32, #tpu.memory_space<vmem>>[vector<16xi32>, vector<16xi32>], vector<16xf32>,
      %max3A_736 = arith.maximumf %max3A_725, %gather3A_735 : vector<16xf32>
      %mul3A_737 = arith.mulf %broadcast_in_dim3A_26, %max3A_736 : vector<16xf32>
      %add3A_738 = arith.addf %add3A_652, %mul3A_737 : vector<16xf32>
      %and3A_739 = arith.constant 7 : i32
      %and3A_740 = vector.broadcast %and3A_739 : i32 to vector<16xi32>
      %and3A_741 = arith.andi %iota3A, %and3A_740 : vector<16xi32>
      %add3A_742 = arith.constant 64 : i32
      %add3A_743 = vector.broadcast %add3A_742 : i32 to vector<16xi32>
      %add3A_744 = arith.addi %add3A_743, %and3A_741 : vector<16xi32>
      %gather3A_745 = tpu.vector_load_idx %arg5[%add3A_53, %add3A_744] : memref<256x128xf32, #tpu.memory_space<vmem>>[vector<16xi32>, vector<16xi32>], vector<16xf32>,
      %add3A_746 = arith.constant 1 : i32
      %add3A_747 = vector.broadcast %add3A_746 : i32 to vector<16xi32>
      %add3A_748 = arith.addi %add3A_747, %iota3A : vector<16xi32>
      %and3A_749 = arith.constant 7 : i32
      %and3A_750 = vector.broadcast %and3A_749 : i32 to vector<16xi32>
      %and3A_751 = arith.andi %add3A_748, %and3A_750 : vector<16xi32>
      %add3A_752 = arith.constant 64 : i32
      %add3A_753 = vector.broadcast %add3A_752 : i32 to vector<16xi32>
      %add3A_754 = arith.addi %add3A_753, %and3A_751 : vector<16xi32>
      %gather3A_755 = tpu.vector_load_idx %arg5[%add3A_53, %add3A_754] : memref<256x128xf32, #tpu.memory_space<vmem>>[vector<16xi32>, vector<16xi32>], vector<16xf32>,
      %max3A_756 = arith.maximumf %gather3A_745, %gather3A_755 : vector<16xf32>
      %add3A_757 = arith.constant 2 : i32
      %add3A_758 = vector.broadcast %add3A_757 : i32 to vector<16xi32>
      %add3A_759 = arith.addi %add3A_758, %iota3A : vector<16xi32>
      %and3A_760 = arith.constant 7 : i32
      %and3A_761 = vector.broadcast %and3A_760 : i32 to vector<16xi32>
      %and3A_762 = arith.andi %add3A_759, %and3A_761 : vector<16xi32>
      %add3A_763 = arith.constant 64 : i32
      %add3A_764 = vector.broadcast %add3A_763 : i32 to vector<16xi32>
      %add3A_765 = arith.addi %add3A_764, %and3A_762 : vector<16xi32>
      %gather3A_766 = tpu.vector_load_idx %arg5[%add3A_53, %add3A_765] : memref<256x128xf32, #tpu.memory_space<vmem>>[vector<16xi32>, vector<16xi32>], vector<16xf32>,
      %max3A_767 = arith.maximumf %max3A_756, %gather3A_766 : vector<16xf32>
      %add3A_768 = arith.constant 3 : i32
      %add3A_769 = vector.broadcast %add3A_768 : i32 to vector<16xi32>
      %add3A_770 = arith.addi %add3A_769, %iota3A : vector<16xi32>
      %and3A_771 = arith.constant 7 : i32
      %and3A_772 = vector.broadcast %and3A_771 : i32 to vector<16xi32>
      %and3A_773 = arith.andi %add3A_770, %and3A_772 : vector<16xi32>
      %add3A_774 = arith.constant 64 : i32
      %add3A_775 = vector.broadcast %add3A_774 : i32 to vector<16xi32>
      %add3A_776 = arith.addi %add3A_775, %and3A_773 : vector<16xi32>
      %gather3A_777 = tpu.vector_load_idx %arg5[%add3A_53, %add3A_776] : memref<256x128xf32, #tpu.memory_space<vmem>>[vector<16xi32>, vector<16xi32>], vector<16xf32>,
      %max3A_778 = arith.maximumf %max3A_767, %gather3A_777 : vector<16xf32>
      %add3A_779 = arith.constant 4 : i32
      %add3A_780 = vector.broadcast %add3A_779 : i32 to vector<16xi32>
      %add3A_781 = arith.addi %add3A_780, %iota3A : vector<16xi32>
      %and3A_782 = arith.constant 7 : i32
      %and3A_783 = vector.broadcast %and3A_782 : i32 to vector<16xi32>
      %and3A_784 = arith.andi %add3A_781, %and3A_783 : vector<16xi32>
      %add3A_785 = arith.constant 64 : i32
      %add3A_786 = vector.broadcast %add3A_785 : i32 to vector<16xi32>
      %add3A_787 = arith.addi %add3A_786, %and3A_784 : vector<16xi32>
      %gather3A_788 = tpu.vector_load_idx %arg5[%add3A_53, %add3A_787] : memref<256x128xf32, #tpu.memory_space<vmem>>[vector<16xi32>, vector<16xi32>], vector<16xf32>,
      %max3A_789 = arith.maximumf %max3A_778, %gather3A_788 : vector<16xf32>
      %add3A_790 = arith.constant 5 : i32
      %add3A_791 = vector.broadcast %add3A_790 : i32 to vector<16xi32>
      %add3A_792 = arith.addi %add3A_791, %iota3A : vector<16xi32>
      %and3A_793 = arith.constant 7 : i32
      %and3A_794 = vector.broadcast %and3A_793 : i32 to vector<16xi32>
      %and3A_795 = arith.andi %add3A_792, %and3A_794 : vector<16xi32>
      %add3A_796 = arith.constant 64 : i32
      %add3A_797 = vector.broadcast %add3A_796 : i32 to vector<16xi32>
      %add3A_798 = arith.addi %add3A_797, %and3A_795 : vector<16xi32>
      %gather3A_799 = tpu.vector_load_idx %arg5[%add3A_53, %add3A_798] : memref<256x128xf32, #tpu.memory_space<vmem>>[vector<16xi32>, vector<16xi32>], vector<16xf32>,
      %max3A_800 = arith.maximumf %max3A_789, %gather3A_799 : vector<16xf32>
      %add3A_801 = arith.constant 6 : i32
      %add3A_802 = vector.broadcast %add3A_801 : i32 to vector<16xi32>
      %add3A_803 = arith.addi %add3A_802, %iota3A : vector<16xi32>
      %and3A_804 = arith.constant 7 : i32
      %and3A_805 = vector.broadcast %and3A_804 : i32 to vector<16xi32>
      %and3A_806 = arith.andi %add3A_803, %and3A_805 : vector<16xi32>
      %add3A_807 = arith.constant 64 : i32
      %add3A_808 = vector.broadcast %add3A_807 : i32 to vector<16xi32>
      %add3A_809 = arith.addi %add3A_808, %and3A_806 : vector<16xi32>
      %gather3A_810 = tpu.vector_load_idx %arg5[%add3A_53, %add3A_809] : memref<256x128xf32, #tpu.memory_space<vmem>>[vector<16xi32>, vector<16xi32>], vector<16xf32>,
      %max3A_811 = arith.maximumf %max3A_800, %gather3A_810 : vector<16xf32>
      %add3A_812 = arith.constant 7 : i32
      %add3A_813 = vector.broadcast %add3A_812 : i32 to vector<16xi32>
      %add3A_814 = arith.addi %add3A_813, %iota3A : vector<16xi32>
      %and3A_815 = arith.constant 7 : i32
      %and3A_816 = vector.broadcast %and3A_815 : i32 to vector<16xi32>
      %and3A_817 = arith.andi %add3A_814, %and3A_816 : vector<16xi32>
      %add3A_818 = arith.constant 64 : i32
      %add3A_819 = vector.broadcast %add3A_818 : i32 to vector<16xi32>
      %add3A_820 = arith.addi %add3A_819, %and3A_817 : vector<16xi32>
      %gather3A_821 = tpu.vector_load_idx %arg5[%add3A_53, %add3A_820] : memref<256x128xf32, #tpu.memory_space<vmem>>[vector<16xi32>, vector<16xi32>], vector<16xf32>,
      %max3A_822 = arith.maximumf %max3A_811, %gather3A_821 : vector<16xf32>
      %mul3A_823 = arith.mulf %broadcast_in_dim3A_29, %max3A_822 : vector<16xf32>
      %add3A_824 = arith.addf %add3A_738, %mul3A_823 : vector<16xf32>
      %and3A_825 = arith.constant 7 : i32
      %and3A_826 = vector.broadcast %and3A_825 : i32 to vector<16xi32>
      %and3A_827 = arith.andi %iota3A, %and3A_826 : vector<16xi32>
      %add3A_828 = arith.constant 72 : i32
      %add3A_829 = vector.broadcast %add3A_828 : i32 to vector<16xi32>
      %add3A_830 = arith.addi %add3A_829, %and3A_827 : vector<16xi32>
      %gather3A_831 = tpu.vector_load_idx %arg5[%add3A_53, %add3A_830] : memref<256x128xf32, #tpu.memory_space<vmem>>[vector<16xi32>, vector<16xi32>], vector<16xf32>,
      %add3A_832 = arith.constant 1 : i32
      %add3A_833 = vector.broadcast %add3A_832 : i32 to vector<16xi32>
      %add3A_834 = arith.addi %add3A_833, %iota3A : vector<16xi32>
      %and3A_835 = arith.constant 7 : i32
      %and3A_836 = vector.broadcast %and3A_835 : i32 to vector<16xi32>
      %and3A_837 = arith.andi %add3A_834, %and3A_836 : vector<16xi32>
      %add3A_838 = arith.constant 72 : i32
      %add3A_839 = vector.broadcast %add3A_838 : i32 to vector<16xi32>
      %add3A_840 = arith.addi %add3A_839, %and3A_837 : vector<16xi32>
      %gather3A_841 = tpu.vector_load_idx %arg5[%add3A_53, %add3A_840] : memref<256x128xf32, #tpu.memory_space<vmem>>[vector<16xi32>, vector<16xi32>], vector<16xf32>,
      %max3A_842 = arith.maximumf %gather3A_831, %gather3A_841 : vector<16xf32>
      %add3A_843 = arith.constant 2 : i32
      %add3A_844 = vector.broadcast %add3A_843 : i32 to vector<16xi32>
      %add3A_845 = arith.addi %add3A_844, %iota3A : vector<16xi32>
      %and3A_846 = arith.constant 7 : i32
      %and3A_847 = vector.broadcast %and3A_846 : i32 to vector<16xi32>
      %and3A_848 = arith.andi %add3A_845, %and3A_847 : vector<16xi32>
      %add3A_849 = arith.constant 72 : i32
      %add3A_850 = vector.broadcast %add3A_849 : i32 to vector<16xi32>
      %add3A_851 = arith.addi %add3A_850, %and3A_848 : vector<16xi32>
      %gather3A_852 = tpu.vector_load_idx %arg5[%add3A_53, %add3A_851] : memref<256x128xf32, #tpu.memory_space<vmem>>[vector<16xi32>, vector<16xi32>], vector<16xf32>,
      %max3A_853 = arith.maximumf %max3A_842, %gather3A_852 : vector<16xf32>
      %add3A_854 = arith.constant 3 : i32
      %add3A_855 = vector.broadcast %add3A_854 : i32 to vector<16xi32>
      %add3A_856 = arith.addi %add3A_855, %iota3A : vector<16xi32>
      %and3A_857 = arith.constant 7 : i32
      %and3A_858 = vector.broadcast %and3A_857 : i32 to vector<16xi32>
      %and3A_859 = arith.andi %add3A_856, %and3A_858 : vector<16xi32>
      %add3A_860 = arith.constant 72 : i32
      %add3A_861 = vector.broadcast %add3A_860 : i32 to vector<16xi32>
      %add3A_862 = arith.addi %add3A_861, %and3A_859 : vector<16xi32>
      %gather3A_863 = tpu.vector_load_idx %arg5[%add3A_53, %add3A_862] : memref<256x128xf32, #tpu.memory_space<vmem>>[vector<16xi32>, vector<16xi32>], vector<16xf32>,
      %max3A_864 = arith.maximumf %max3A_853, %gather3A_863 : vector<16xf32>
      %add3A_865 = arith.constant 4 : i32
      %add3A_866 = vector.broadcast %add3A_865 : i32 to vector<16xi32>
      %add3A_867 = arith.addi %add3A_866, %iota3A : vector<16xi32>
      %and3A_868 = arith.constant 7 : i32
      %and3A_869 = vector.broadcast %and3A_868 : i32 to vector<16xi32>
      %and3A_870 = arith.andi %add3A_867, %and3A_869 : vector<16xi32>
      %add3A_871 = arith.constant 72 : i32
      %add3A_872 = vector.broadcast %add3A_871 : i32 to vector<16xi32>
      %add3A_873 = arith.addi %add3A_872, %and3A_870 : vector<16xi32>
      %gather3A_874 = tpu.vector_load_idx %arg5[%add3A_53, %add3A_873] : memref<256x128xf32, #tpu.memory_space<vmem>>[vector<16xi32>, vector<16xi32>], vector<16xf32>,
      %max3A_875 = arith.maximumf %max3A_864, %gather3A_874 : vector<16xf32>
      %add3A_876 = arith.constant 5 : i32
      %add3A_877 = vector.broadcast %add3A_876 : i32 to vector<16xi32>
      %add3A_878 = arith.addi %add3A_877, %iota3A : vector<16xi32>
      %and3A_879 = arith.constant 7 : i32
      %and3A_880 = vector.broadcast %and3A_879 : i32 to vector<16xi32>
      %and3A_881 = arith.andi %add3A_878, %and3A_880 : vector<16xi32>
      %add3A_882 = arith.constant 72 : i32
      %add3A_883 = vector.broadcast %add3A_882 : i32 to vector<16xi32>
      %add3A_884 = arith.addi %add3A_883, %and3A_881 : vector<16xi32>
      %gather3A_885 = tpu.vector_load_idx %arg5[%add3A_53, %add3A_884] : memref<256x128xf32, #tpu.memory_space<vmem>>[vector<16xi32>, vector<16xi32>], vector<16xf32>,
      %max3A_886 = arith.maximumf %max3A_875, %gather3A_885 : vector<16xf32>
      %add3A_887 = arith.constant 6 : i32
      %add3A_888 = vector.broadcast %add3A_887 : i32 to vector<16xi32>
      %add3A_889 = arith.addi %add3A_888, %iota3A : vector<16xi32>
      %and3A_890 = arith.constant 7 : i32
      %and3A_891 = vector.broadcast %and3A_890 : i32 to vector<16xi32>
      %and3A_892 = arith.andi %add3A_889, %and3A_891 : vector<16xi32>
      %add3A_893 = arith.constant 72 : i32
      %add3A_894 = vector.broadcast %add3A_893 : i32 to vector<16xi32>
      %add3A_895 = arith.addi %add3A_894, %and3A_892 : vector<16xi32>
      %gather3A_896 = tpu.vector_load_idx %arg5[%add3A_53, %add3A_895] : memref<256x128xf32, #tpu.memory_space<vmem>>[vector<16xi32>, vector<16xi32>], vector<16xf32>,
      %max3A_897 = arith.maximumf %max3A_886, %gather3A_896 : vector<16xf32>
      %add3A_898 = arith.constant 7 : i32
      %add3A_899 = vector.broadcast %add3A_898 : i32 to vector<16xi32>
      %add3A_900 = arith.addi %add3A_899, %iota3A : vector<16xi32>
      %and3A_901 = arith.constant 7 : i32
      %and3A_902 = vector.broadcast %and3A_901 : i32 to vector<16xi32>
      %and3A_903 = arith.andi %add3A_900, %and3A_902 : vector<16xi32>
      %add3A_904 = arith.constant 72 : i32
      %add3A_905 = vector.broadcast %add3A_904 : i32 to vector<16xi32>
      %add3A_906 = arith.addi %add3A_905, %and3A_903 : vector<16xi32>
      %gather3A_907 = tpu.vector_load_idx %arg5[%add3A_53, %add3A_906] : memref<256x128xf32, #tpu.memory_space<vmem>>[vector<16xi32>, vector<16xi32>], vector<16xf32>,
      %max3A_908 = arith.maximumf %max3A_897, %gather3A_907 : vector<16xf32>
      %mul3A_909 = arith.mulf %broadcast_in_dim3A_32, %max3A_908 : vector<16xf32>
      %add3A_910 = arith.addf %add3A_824, %mul3A_909 : vector<16xf32>
      %and3A_911 = arith.constant 7 : i32
      %and3A_912 = vector.broadcast %and3A_911 : i32 to vector<16xi32>
      %and3A_913 = arith.andi %iota3A, %and3A_912 : vector<16xi32>
      %add3A_914 = arith.constant 80 : i32
      %add3A_915 = vector.broadcast %add3A_914 : i32 to vector<16xi32>
      %add3A_916 = arith.addi %add3A_915, %and3A_913 : vector<16xi32>
      %gather3A_917 = tpu.vector_load_idx %arg5[%add3A_53, %add3A_916] : memref<256x128xf32, #tpu.memory_space<vmem>>[vector<16xi32>, vector<16xi32>], vector<16xf32>,
      %add3A_918 = arith.constant 1 : i32
      %add3A_919 = vector.broadcast %add3A_918 : i32 to vector<16xi32>
      %add3A_920 = arith.addi %add3A_919, %iota3A : vector<16xi32>
      %and3A_921 = arith.constant 7 : i32
      %and3A_922 = vector.broadcast %and3A_921 : i32 to vector<16xi32>
      %and3A_923 = arith.andi %add3A_920, %and3A_922 : vector<16xi32>
      %add3A_924 = arith.constant 80 : i32
      %add3A_925 = vector.broadcast %add3A_924 : i32 to vector<16xi32>
      %add3A_926 = arith.addi %add3A_925, %and3A_923 : vector<16xi32>
      %gather3A_927 = tpu.vector_load_idx %arg5[%add3A_53, %add3A_926] : memref<256x128xf32, #tpu.memory_space<vmem>>[vector<16xi32>, vector<16xi32>], vector<16xf32>,
      %max3A_928 = arith.maximumf %gather3A_917, %gather3A_927 : vector<16xf32>
      %add3A_929 = arith.constant 2 : i32
      %add3A_930 = vector.broadcast %add3A_929 : i32 to vector<16xi32>
      %add3A_931 = arith.addi %add3A_930, %iota3A : vector<16xi32>
      %and3A_932 = arith.constant 7 : i32
      %and3A_933 = vector.broadcast %and3A_932 : i32 to vector<16xi32>
      %and3A_934 = arith.andi %add3A_931, %and3A_933 : vector<16xi32>
      %add3A_935 = arith.constant 80 : i32
      %add3A_936 = vector.broadcast %add3A_935 : i32 to vector<16xi32>
      %add3A_937 = arith.addi %add3A_936, %and3A_934 : vector<16xi32>
      %gather3A_938 = tpu.vector_load_idx %arg5[%add3A_53, %add3A_937] : memref<256x128xf32, #tpu.memory_space<vmem>>[vector<16xi32>, vector<16xi32>], vector<16xf32>,
      %max3A_939 = arith.maximumf %max3A_928, %gather3A_938 : vector<16xf32>
      %add3A_940 = arith.constant 3 : i32
      %add3A_941 = vector.broadcast %add3A_940 : i32 to vector<16xi32>
      %add3A_942 = arith.addi %add3A_941, %iota3A : vector<16xi32>
      %and3A_943 = arith.constant 7 : i32
      %and3A_944 = vector.broadcast %and3A_943 : i32 to vector<16xi32>
      %and3A_945 = arith.andi %add3A_942, %and3A_944 : vector<16xi32>
      %add3A_946 = arith.constant 80 : i32
      %add3A_947 = vector.broadcast %add3A_946 : i32 to vector<16xi32>
      %add3A_948 = arith.addi %add3A_947, %and3A_945 : vector<16xi32>
      %gather3A_949 = tpu.vector_load_idx %arg5[%add3A_53, %add3A_948] : memref<256x128xf32, #tpu.memory_space<vmem>>[vector<16xi32>, vector<16xi32>], vector<16xf32>,
      %max3A_950 = arith.maximumf %max3A_939, %gather3A_949 : vector<16xf32>
      %add3A_951 = arith.constant 4 : i32
      %add3A_952 = vector.broadcast %add3A_951 : i32 to vector<16xi32>
      %add3A_953 = arith.addi %add3A_952, %iota3A : vector<16xi32>
      %and3A_954 = arith.constant 7 : i32
      %and3A_955 = vector.broadcast %and3A_954 : i32 to vector<16xi32>
      %and3A_956 = arith.andi %add3A_953, %and3A_955 : vector<16xi32>
      %add3A_957 = arith.constant 80 : i32
      %add3A_958 = vector.broadcast %add3A_957 : i32 to vector<16xi32>
      %add3A_959 = arith.addi %add3A_958, %and3A_956 : vector<16xi32>
      %gather3A_960 = tpu.vector_load_idx %arg5[%add3A_53, %add3A_959] : memref<256x128xf32, #tpu.memory_space<vmem>>[vector<16xi32>, vector<16xi32>], vector<16xf32>,
      %max3A_961 = arith.maximumf %max3A_950, %gather3A_960 : vector<16xf32>
      %add3A_962 = arith.constant 5 : i32
      %add3A_963 = vector.broadcast %add3A_962 : i32 to vector<16xi32>
      %add3A_964 = arith.addi %add3A_963, %iota3A : vector<16xi32>
      %and3A_965 = arith.constant 7 : i32
      %and3A_966 = vector.broadcast %and3A_965 : i32 to vector<16xi32>
      %and3A_967 = arith.andi %add3A_964, %and3A_966 : vector<16xi32>
      %add3A_968 = arith.constant 80 : i32
      %add3A_969 = vector.broadcast %add3A_968 : i32 to vector<16xi32>
      %add3A_970 = arith.addi %add3A_969, %and3A_967 : vector<16xi32>
      %gather3A_971 = tpu.vector_load_idx %arg5[%add3A_53, %add3A_970] : memref<256x128xf32, #tpu.memory_space<vmem>>[vector<16xi32>, vector<16xi32>], vector<16xf32>,
      %max3A_972 = arith.maximumf %max3A_961, %gather3A_971 : vector<16xf32>
      %add3A_973 = arith.constant 6 : i32
      %add3A_974 = vector.broadcast %add3A_973 : i32 to vector<16xi32>
      %add3A_975 = arith.addi %add3A_974, %iota3A : vector<16xi32>
      %and3A_976 = arith.constant 7 : i32
      %and3A_977 = vector.broadcast %and3A_976 : i32 to vector<16xi32>
      %and3A_978 = arith.andi %add3A_975, %and3A_977 : vector<16xi32>
      %add3A_979 = arith.constant 80 : i32
      %add3A_980 = vector.broadcast %add3A_979 : i32 to vector<16xi32>
      %add3A_981 = arith.addi %add3A_980, %and3A_978 : vector<16xi32>
      %gather3A_982 = tpu.vector_load_idx %arg5[%add3A_53, %add3A_981] : memref<256x128xf32, #tpu.memory_space<vmem>>[vector<16xi32>, vector<16xi32>], vector<16xf32>,
      %max3A_983 = arith.maximumf %max3A_972, %gather3A_982 : vector<16xf32>
      %add3A_984 = arith.constant 7 : i32
      %add3A_985 = vector.broadcast %add3A_984 : i32 to vector<16xi32>
      %add3A_986 = arith.addi %add3A_985, %iota3A : vector<16xi32>
      %and3A_987 = arith.constant 7 : i32
      %and3A_988 = vector.broadcast %and3A_987 : i32 to vector<16xi32>
      %and3A_989 = arith.andi %add3A_986, %and3A_988 : vector<16xi32>
      %add3A_990 = arith.constant 80 : i32
      %add3A_991 = vector.broadcast %add3A_990 : i32 to vector<16xi32>
      %add3A_992 = arith.addi %add3A_991, %and3A_989 : vector<16xi32>
      %gather3A_993 = tpu.vector_load_idx %arg5[%add3A_53, %add3A_992] : memref<256x128xf32, #tpu.memory_space<vmem>>[vector<16xi32>, vector<16xi32>], vector<16xf32>,
      %max3A_994 = arith.maximumf %max3A_983, %gather3A_993 : vector<16xf32>
      %mul3A_995 = arith.mulf %broadcast_in_dim3A_35, %max3A_994 : vector<16xf32>
      %add3A_996 = arith.addf %add3A_910, %mul3A_995 : vector<16xf32>
      %and3A_997 = arith.constant 7 : i32
      %and3A_998 = vector.broadcast %and3A_997 : i32 to vector<16xi32>
      %and3A_999 = arith.andi %iota3A, %and3A_998 : vector<16xi32>
      %add3A_1000 = arith.constant 88 : i32
      %add3A_1001 = vector.broadcast %add3A_1000 : i32 to vector<16xi32>
      %add3A_1002 = arith.addi %add3A_1001, %and3A_999 : vector<16xi32>
      %gather3A_1003 = tpu.vector_load_idx %arg5[%add3A_53, %add3A_1002] : memref<256x128xf32, #tpu.memory_space<vmem>>[vector<16xi32>, vector<16xi32>], vector<16xf32>,
      %add3A_1004 = arith.constant 1 : i32
      %add3A_1005 = vector.broadcast %add3A_1004 : i32 to vector<16xi32>
      %add3A_1006 = arith.addi %add3A_1005, %iota3A : vector<16xi32>
      %and3A_1007 = arith.constant 7 : i32
      %and3A_1008 = vector.broadcast %and3A_1007 : i32 to vector<16xi32>
      %and3A_1009 = arith.andi %add3A_1006, %and3A_1008 : vector<16xi32>
      %add3A_1010 = arith.constant 88 : i32
      %add3A_1011 = vector.broadcast %add3A_1010 : i32 to vector<16xi32>
      %add3A_1012 = arith.addi %add3A_1011, %and3A_1009 : vector<16xi32>
      %gather3A_1013 = tpu.vector_load_idx %arg5[%add3A_53, %add3A_1012] : memref<256x128xf32, #tpu.memory_space<vmem>>[vector<16xi32>, vector<16xi32>], vector<16xf32>,
      %max3A_1014 = arith.maximumf %gather3A_1003, %gather3A_1013 : vector<16xf32>
      %add3A_1015 = arith.constant 2 : i32
      %add3A_1016 = vector.broadcast %add3A_1015 : i32 to vector<16xi32>
      %add3A_1017 = arith.addi %add3A_1016, %iota3A : vector<16xi32>
      %and3A_1018 = arith.constant 7 : i32
      %and3A_1019 = vector.broadcast %and3A_1018 : i32 to vector<16xi32>
      %and3A_1020 = arith.andi %add3A_1017, %and3A_1019 : vector<16xi32>
      %add3A_1021 = arith.constant 88 : i32
      %add3A_1022 = vector.broadcast %add3A_1021 : i32 to vector<16xi32>
      %add3A_1023 = arith.addi %add3A_1022, %and3A_1020 : vector<16xi32>
      %gather3A_1024 = tpu.vector_load_idx %arg5[%add3A_53, %add3A_1023] : memref<256x128xf32, #tpu.memory_space<vmem>>[vector<16xi32>, vector<16xi32>], vector<16xf32>,
      %max3A_1025 = arith.maximumf %max3A_1014, %gather3A_1024 : vector<16xf32>
      %add3A_1026 = arith.constant 3 : i32
      %add3A_1027 = vector.broadcast %add3A_1026 : i32 to vector<16xi32>
      %add3A_1028 = arith.addi %add3A_1027, %iota3A : vector<16xi32>
      %and3A_1029 = arith.constant 7 : i32
      %and3A_1030 = vector.broadcast %and3A_1029 : i32 to vector<16xi32>
      %and3A_1031 = arith.andi %add3A_1028, %and3A_1030 : vector<16xi32>
      %add3A_1032 = arith.constant 88 : i32
      %add3A_1033 = vector.broadcast %add3A_1032 : i32 to vector<16xi32>
      %add3A_1034 = arith.addi %add3A_1033, %and3A_1031 : vector<16xi32>
      %gather3A_1035 = tpu.vector_load_idx %arg5[%add3A_53, %add3A_1034] : memref<256x128xf32, #tpu.memory_space<vmem>>[vector<16xi32>, vector<16xi32>], vector<16xf32>,
      %max3A_1036 = arith.maximumf %max3A_1025, %gather3A_1035 : vector<16xf32>
      %add3A_1037 = arith.constant 4 : i32
      %add3A_1038 = vector.broadcast %add3A_1037 : i32 to vector<16xi32>
      %add3A_1039 = arith.addi %add3A_1038, %iota3A : vector<16xi32>
      %and3A_1040 = arith.constant 7 : i32
      %and3A_1041 = vector.broadcast %and3A_1040 : i32 to vector<16xi32>
      %and3A_1042 = arith.andi %add3A_1039, %and3A_1041 : vector<16xi32>
      %add3A_1043 = arith.constant 88 : i32
      %add3A_1044 = vector.broadcast %add3A_1043 : i32 to vector<16xi32>
      %add3A_1045 = arith.addi %add3A_1044, %and3A_1042 : vector<16xi32>
      %gather3A_1046 = tpu.vector_load_idx %arg5[%add3A_53, %add3A_1045] : memref<256x128xf32, #tpu.memory_space<vmem>>[vector<16xi32>, vector<16xi32>], vector<16xf32>,
      %max3A_1047 = arith.maximumf %max3A_1036, %gather3A_1046 : vector<16xf32>
      %add3A_1048 = arith.constant 5 : i32
      %add3A_1049 = vector.broadcast %add3A_1048 : i32 to vector<16xi32>
      %add3A_1050 = arith.addi %add3A_1049, %iota3A : vector<16xi32>
      %and3A_1051 = arith.constant 7 : i32
      %and3A_1052 = vector.broadcast %and3A_1051 : i32 to vector<16xi32>
      %and3A_1053 = arith.andi %add3A_1050, %and3A_1052 : vector<16xi32>
      %add3A_1054 = arith.constant 88 : i32
      %add3A_1055 = vector.broadcast %add3A_1054 : i32 to vector<16xi32>
      %add3A_1056 = arith.addi %add3A_1055, %and3A_1053 : vector<16xi32>
      %gather3A_1057 = tpu.vector_load_idx %arg5[%add3A_53, %add3A_1056] : memref<256x128xf32, #tpu.memory_space<vmem>>[vector<16xi32>, vector<16xi32>], vector<16xf32>,
      %max3A_1058 = arith.maximumf %max3A_1047, %gather3A_1057 : vector<16xf32>
      %add3A_1059 = arith.constant 6 : i32
      %add3A_1060 = vector.broadcast %add3A_1059 : i32 to vector<16xi32>
      %add3A_1061 = arith.addi %add3A_1060, %iota3A : vector<16xi32>
      %and3A_1062 = arith.constant 7 : i32
      %and3A_1063 = vector.broadcast %and3A_1062 : i32 to vector<16xi32>
      %and3A_1064 = arith.andi %add3A_1061, %and3A_1063 : vector<16xi32>
      %add3A_1065 = arith.constant 88 : i32
      %add3A_1066 = vector.broadcast %add3A_1065 : i32 to vector<16xi32>
      %add3A_1067 = arith.addi %add3A_1066, %and3A_1064 : vector<16xi32>
      %gather3A_1068 = tpu.vector_load_idx %arg5[%add3A_53, %add3A_1067] : memref<256x128xf32, #tpu.memory_space<vmem>>[vector<16xi32>, vector<16xi32>], vector<16xf32>,
      %max3A_1069 = arith.maximumf %max3A_1058, %gather3A_1068 : vector<16xf32>
      %add3A_1070 = arith.constant 7 : i32
      %add3A_1071 = vector.broadcast %add3A_1070 : i32 to vector<16xi32>
      %add3A_1072 = arith.addi %add3A_1071, %iota3A : vector<16xi32>
      %and3A_1073 = arith.constant 7 : i32
      %and3A_1074 = vector.broadcast %and3A_1073 : i32 to vector<16xi32>
      %and3A_1075 = arith.andi %add3A_1072, %and3A_1074 : vector<16xi32>
      %add3A_1076 = arith.constant 88 : i32
      %add3A_1077 = vector.broadcast %add3A_1076 : i32 to vector<16xi32>
      %add3A_1078 = arith.addi %add3A_1077, %and3A_1075 : vector<16xi32>
      %gather3A_1079 = tpu.vector_load_idx %arg5[%add3A_53, %add3A_1078] : memref<256x128xf32, #tpu.memory_space<vmem>>[vector<16xi32>, vector<16xi32>], vector<16xf32>,
      %max3A_1080 = arith.maximumf %max3A_1069, %gather3A_1079 : vector<16xf32>
      %mul3A_1081 = arith.mulf %broadcast_in_dim3A_38, %max3A_1080 : vector<16xf32>
      %add3A_1082 = arith.addf %add3A_996, %mul3A_1081 : vector<16xf32>
      %add3A_1083 = arith.constant 0 : i32
      %add3A_1084 = vector.broadcast %add3A_1083 : i32 to vector<16xi32>
      %add3A_1085 = arith.addi %add3A_1084, %iota3A : vector<16xi32>
      %and3A_1086 = arith.constant 15 : i32
      %and3A_1087 = vector.broadcast %and3A_1086 : i32 to vector<16xi32>
      %and3A_1088 = arith.andi %add3A_1085, %and3A_1087 : vector<16xi32>
      %add3A_1089 = arith.constant 12 : i32
      %add3A_1090 = vector.broadcast %add3A_1089 : i32 to vector<16xi32>
      %add3A_1091 = arith.addi %add3A_1090, %and3A_1088 : vector<16xi32>
      %gather3A_1092 = tpu.vector_load_idx %arg6[%add3A_1091] : memref<48xf32, #tpu.memory_space<vmem>>[vector<16xi32>], vector<16xf32>,
      %add3A_1093 = arith.constant 96 : i32
      %add3A_1094 = vector.broadcast %add3A_1093 : i32 to vector<16xi32>
      %add3A_1095 = arith.addi %add3A_1094, %and3A_1088 : vector<16xi32>
      %gather3A_1096 = tpu.vector_load_idx %arg5[%add3A_53, %add3A_1095] : memref<256x128xf32, #tpu.memory_space<vmem>>[vector<16xi32>, vector<16xi32>], vector<16xf32>,
      %mul3A_1097 = arith.mulf %gather3A_1092, %gather3A_1096 : vector<16xf32>
      %add3A_1098 = arith.addf %add3A_1082, %mul3A_1097 : vector<16xf32>
      %add3A_1099 = arith.constant 1 : i32
      %add3A_1100 = vector.broadcast %add3A_1099 : i32 to vector<16xi32>
      %add3A_1101 = arith.addi %add3A_1100, %iota3A : vector<16xi32>
      %and3A_1102 = arith.constant 15 : i32
      %and3A_1103 = vector.broadcast %and3A_1102 : i32 to vector<16xi32>
      %and3A_1104 = arith.andi %add3A_1101, %and3A_1103 : vector<16xi32>
      %add3A_1105 = arith.constant 12 : i32
      %add3A_1106 = vector.broadcast %add3A_1105 : i32 to vector<16xi32>
      %add3A_1107 = arith.addi %add3A_1106, %and3A_1104 : vector<16xi32>
      %gather3A_1108 = tpu.vector_load_idx %arg6[%add3A_1107] : memref<48xf32, #tpu.memory_space<vmem>>[vector<16xi32>], vector<16xf32>,
      %add3A_1109 = arith.constant 96 : i32
      %add3A_1110 = vector.broadcast %add3A_1109 : i32 to vector<16xi32>
      %add3A_1111 = arith.addi %add3A_1110, %and3A_1104 : vector<16xi32>
      %gather3A_1112 = tpu.vector_load_idx %arg5[%add3A_53, %add3A_1111] : memref<256x128xf32, #tpu.memory_space<vmem>>[vector<16xi32>, vector<16xi32>], vector<16xf32>,
      %mul3A_1113 = arith.mulf %gather3A_1108, %gather3A_1112 : vector<16xf32>
      %add3A_1114 = arith.addf %add3A_1098, %mul3A_1113 : vector<16xf32>
      %add3A_1115 = arith.constant 2 : i32
      %add3A_1116 = vector.broadcast %add3A_1115 : i32 to vector<16xi32>
      %add3A_1117 = arith.addi %add3A_1116, %iota3A : vector<16xi32>
      %and3A_1118 = arith.constant 15 : i32
      %and3A_1119 = vector.broadcast %and3A_1118 : i32 to vector<16xi32>
      %and3A_1120 = arith.andi %add3A_1117, %and3A_1119 : vector<16xi32>
      %add3A_1121 = arith.constant 12 : i32
      %add3A_1122 = vector.broadcast %add3A_1121 : i32 to vector<16xi32>
      %add3A_1123 = arith.addi %add3A_1122, %and3A_1120 : vector<16xi32>
      %gather3A_1124 = tpu.vector_load_idx %arg6[%add3A_1123] : memref<48xf32, #tpu.memory_space<vmem>>[vector<16xi32>], vector<16xf32>,
      %add3A_1125 = arith.constant 96 : i32
      %add3A_1126 = vector.broadcast %add3A_1125 : i32 to vector<16xi32>
      %add3A_1127 = arith.addi %add3A_1126, %and3A_1120 : vector<16xi32>
      %gather3A_1128 = tpu.vector_load_idx %arg5[%add3A_53, %add3A_1127] : memref<256x128xf32, #tpu.memory_space<vmem>>[vector<16xi32>, vector<16xi32>], vector<16xf32>,
      %mul3A_1129 = arith.mulf %gather3A_1124, %gather3A_1128 : vector<16xf32>
      %add3A_1130 = arith.addf %add3A_1114, %mul3A_1129 : vector<16xf32>
      %add3A_1131 = arith.constant 3 : i32
      %add3A_1132 = vector.broadcast %add3A_1131 : i32 to vector<16xi32>
      %add3A_1133 = arith.addi %add3A_1132, %iota3A : vector<16xi32>
      %and3A_1134 = arith.constant 15 : i32
      %and3A_1135 = vector.broadcast %and3A_1134 : i32 to vector<16xi32>
      %and3A_1136 = arith.andi %add3A_1133, %and3A_1135 : vector<16xi32>
      %add3A_1137 = arith.constant 12 : i32
      %add3A_1138 = vector.broadcast %add3A_1137 : i32 to vector<16xi32>
      %add3A_1139 = arith.addi %add3A_1138, %and3A_1136 : vector<16xi32>
      %gather3A_1140 = tpu.vector_load_idx %arg6[%add3A_1139] : memref<48xf32, #tpu.memory_space<vmem>>[vector<16xi32>], vector<16xf32>,
      %add3A_1141 = arith.constant 96 : i32
      %add3A_1142 = vector.broadcast %add3A_1141 : i32 to vector<16xi32>
      %add3A_1143 = arith.addi %add3A_1142, %and3A_1136 : vector<16xi32>
      %gather3A_1144 = tpu.vector_load_idx %arg5[%add3A_53, %add3A_1143] : memref<256x128xf32, #tpu.memory_space<vmem>>[vector<16xi32>, vector<16xi32>], vector<16xf32>,
      %mul3A_1145 = arith.mulf %gather3A_1140, %gather3A_1144 : vector<16xf32>
      %add3A_1146 = arith.addf %add3A_1130, %mul3A_1145 : vector<16xf32>
      %add3A_1147 = arith.constant 4 : i32
      %add3A_1148 = vector.broadcast %add3A_1147 : i32 to vector<16xi32>
      %add3A_1149 = arith.addi %add3A_1148, %iota3A : vector<16xi32>
      %and3A_1150 = arith.constant 15 : i32
      %and3A_1151 = vector.broadcast %and3A_1150 : i32 to vector<16xi32>
      %and3A_1152 = arith.andi %add3A_1149, %and3A_1151 : vector<16xi32>
      %add3A_1153 = arith.constant 12 : i32
      %add3A_1154 = vector.broadcast %add3A_1153 : i32 to vector<16xi32>
      %add3A_1155 = arith.addi %add3A_1154, %and3A_1152 : vector<16xi32>
      %gather3A_1156 = tpu.vector_load_idx %arg6[%add3A_1155] : memref<48xf32, #tpu.memory_space<vmem>>[vector<16xi32>], vector<16xf32>,
      %add3A_1157 = arith.constant 96 : i32
      %add3A_1158 = vector.broadcast %add3A_1157 : i32 to vector<16xi32>
      %add3A_1159 = arith.addi %add3A_1158, %and3A_1152 : vector<16xi32>
      %gather3A_1160 = tpu.vector_load_idx %arg5[%add3A_53, %add3A_1159] : memref<256x128xf32, #tpu.memory_space<vmem>>[vector<16xi32>, vector<16xi32>], vector<16xf32>,
      %mul3A_1161 = arith.mulf %gather3A_1156, %gather3A_1160 : vector<16xf32>
      %add3A_1162 = arith.addf %add3A_1146, %mul3A_1161 : vector<16xf32>
      %add3A_1163 = arith.constant 5 : i32
      %add3A_1164 = vector.broadcast %add3A_1163 : i32 to vector<16xi32>
      %add3A_1165 = arith.addi %add3A_1164, %iota3A : vector<16xi32>
      %and3A_1166 = arith.constant 15 : i32
      %and3A_1167 = vector.broadcast %and3A_1166 : i32 to vector<16xi32>
      %and3A_1168 = arith.andi %add3A_1165, %and3A_1167 : vector<16xi32>
      %add3A_1169 = arith.constant 12 : i32
      %add3A_1170 = vector.broadcast %add3A_1169 : i32 to vector<16xi32>
      %add3A_1171 = arith.addi %add3A_1170, %and3A_1168 : vector<16xi32>
      %gather3A_1172 = tpu.vector_load_idx %arg6[%add3A_1171] : memref<48xf32, #tpu.memory_space<vmem>>[vector<16xi32>], vector<16xf32>,
      %add3A_1173 = arith.constant 96 : i32
      %add3A_1174 = vector.broadcast %add3A_1173 : i32 to vector<16xi32>
      %add3A_1175 = arith.addi %add3A_1174, %and3A_1168 : vector<16xi32>
      %gather3A_1176 = tpu.vector_load_idx %arg5[%add3A_53, %add3A_1175] : memref<256x128xf32, #tpu.memory_space<vmem>>[vector<16xi32>, vector<16xi32>], vector<16xf32>,
      %mul3A_1177 = arith.mulf %gather3A_1172, %gather3A_1176 : vector<16xf32>
      %add3A_1178 = arith.addf %add3A_1162, %mul3A_1177 : vector<16xf32>
      %add3A_1179 = arith.constant 6 : i32
      %add3A_1180 = vector.broadcast %add3A_1179 : i32 to vector<16xi32>
      %add3A_1181 = arith.addi %add3A_1180, %iota3A : vector<16xi32>
      %and3A_1182 = arith.constant 15 : i32
      %and3A_1183 = vector.broadcast %and3A_1182 : i32 to vector<16xi32>
      %and3A_1184 = arith.andi %add3A_1181, %and3A_1183 : vector<16xi32>
      %add3A_1185 = arith.constant 12 : i32
      %add3A_1186 = vector.broadcast %add3A_1185 : i32 to vector<16xi32>
      %add3A_1187 = arith.addi %add3A_1186, %and3A_1184 : vector<16xi32>
      %gather3A_1188 = tpu.vector_load_idx %arg6[%add3A_1187] : memref<48xf32, #tpu.memory_space<vmem>>[vector<16xi32>], vector<16xf32>,
      %add3A_1189 = arith.constant 96 : i32
      %add3A_1190 = vector.broadcast %add3A_1189 : i32 to vector<16xi32>
      %add3A_1191 = arith.addi %add3A_1190, %and3A_1184 : vector<16xi32>
      %gather3A_1192 = tpu.vector_load_idx %arg5[%add3A_53, %add3A_1191] : memref<256x128xf32, #tpu.memory_space<vmem>>[vector<16xi32>, vector<16xi32>], vector<16xf32>,
      %mul3A_1193 = arith.mulf %gather3A_1188, %gather3A_1192 : vector<16xf32>
      %add3A_1194 = arith.addf %add3A_1178, %mul3A_1193 : vector<16xf32>
      %add3A_1195 = arith.constant 7 : i32
      %add3A_1196 = vector.broadcast %add3A_1195 : i32 to vector<16xi32>
      %add3A_1197 = arith.addi %add3A_1196, %iota3A : vector<16xi32>
      %and3A_1198 = arith.constant 15 : i32
      %and3A_1199 = vector.broadcast %and3A_1198 : i32 to vector<16xi32>
      %and3A_1200 = arith.andi %add3A_1197, %and3A_1199 : vector<16xi32>
      %add3A_1201 = arith.constant 12 : i32
      %add3A_1202 = vector.broadcast %add3A_1201 : i32 to vector<16xi32>
      %add3A_1203 = arith.addi %add3A_1202, %and3A_1200 : vector<16xi32>
      %gather3A_1204 = tpu.vector_load_idx %arg6[%add3A_1203] : memref<48xf32, #tpu.memory_space<vmem>>[vector<16xi32>], vector<16xf32>,
      %add3A_1205 = arith.constant 96 : i32
      %add3A_1206 = vector.broadcast %add3A_1205 : i32 to vector<16xi32>
      %add3A_1207 = arith.addi %add3A_1206, %and3A_1200 : vector<16xi32>
      %gather3A_1208 = tpu.vector_load_idx %arg5[%add3A_53, %add3A_1207] : memref<256x128xf32, #tpu.memory_space<vmem>>[vector<16xi32>, vector<16xi32>], vector<16xf32>,
      %mul3A_1209 = arith.mulf %gather3A_1204, %gather3A_1208 : vector<16xf32>
      %add3A_1210 = arith.addf %add3A_1194, %mul3A_1209 : vector<16xf32>
      %add3A_1211 = arith.constant 8 : i32
      %add3A_1212 = vector.broadcast %add3A_1211 : i32 to vector<16xi32>
      %add3A_1213 = arith.addi %add3A_1212, %iota3A : vector<16xi32>
      %and3A_1214 = arith.constant 15 : i32
      %and3A_1215 = vector.broadcast %and3A_1214 : i32 to vector<16xi32>
      %and3A_1216 = arith.andi %add3A_1213, %and3A_1215 : vector<16xi32>
      %add3A_1217 = arith.constant 12 : i32
      %add3A_1218 = vector.broadcast %add3A_1217 : i32 to vector<16xi32>
      %add3A_1219 = arith.addi %add3A_1218, %and3A_1216 : vector<16xi32>
      %gather3A_1220 = tpu.vector_load_idx %arg6[%add3A_1219] : memref<48xf32, #tpu.memory_space<vmem>>[vector<16xi32>], vector<16xf32>,
      %add3A_1221 = arith.constant 96 : i32
      %add3A_1222 = vector.broadcast %add3A_1221 : i32 to vector<16xi32>
      %add3A_1223 = arith.addi %add3A_1222, %and3A_1216 : vector<16xi32>
      %gather3A_1224 = tpu.vector_load_idx %arg5[%add3A_53, %add3A_1223] : memref<256x128xf32, #tpu.memory_space<vmem>>[vector<16xi32>, vector<16xi32>], vector<16xf32>,
      %mul3A_1225 = arith.mulf %gather3A_1220, %gather3A_1224 : vector<16xf32>
      %add3A_1226 = arith.addf %add3A_1210, %mul3A_1225 : vector<16xf32>
      %add3A_1227 = arith.constant 9 : i32
      %add3A_1228 = vector.broadcast %add3A_1227 : i32 to vector<16xi32>
      %add3A_1229 = arith.addi %add3A_1228, %iota3A : vector<16xi32>
      %and3A_1230 = arith.constant 15 : i32
      %and3A_1231 = vector.broadcast %and3A_1230 : i32 to vector<16xi32>
      %and3A_1232 = arith.andi %add3A_1229, %and3A_1231 : vector<16xi32>
      %add3A_1233 = arith.constant 12 : i32
      %add3A_1234 = vector.broadcast %add3A_1233 : i32 to vector<16xi32>
      %add3A_1235 = arith.addi %add3A_1234, %and3A_1232 : vector<16xi32>
      %gather3A_1236 = tpu.vector_load_idx %arg6[%add3A_1235] : memref<48xf32, #tpu.memory_space<vmem>>[vector<16xi32>], vector<16xf32>,
      %add3A_1237 = arith.constant 96 : i32
      %add3A_1238 = vector.broadcast %add3A_1237 : i32 to vector<16xi32>
      %add3A_1239 = arith.addi %add3A_1238, %and3A_1232 : vector<16xi32>
      %gather3A_1240 = tpu.vector_load_idx %arg5[%add3A_53, %add3A_1239] : memref<256x128xf32, #tpu.memory_space<vmem>>[vector<16xi32>, vector<16xi32>], vector<16xf32>,
      %mul3A_1241 = arith.mulf %gather3A_1236, %gather3A_1240 : vector<16xf32>
      %add3A_1242 = arith.addf %add3A_1226, %mul3A_1241 : vector<16xf32>
      %add3A_1243 = arith.constant 10 : i32
      %add3A_1244 = vector.broadcast %add3A_1243 : i32 to vector<16xi32>
      %add3A_1245 = arith.addi %add3A_1244, %iota3A : vector<16xi32>
      %and3A_1246 = arith.constant 15 : i32
      %and3A_1247 = vector.broadcast %and3A_1246 : i32 to vector<16xi32>
      %and3A_1248 = arith.andi %add3A_1245, %and3A_1247 : vector<16xi32>
      %add3A_1249 = arith.constant 12 : i32
      %add3A_1250 = vector.broadcast %add3A_1249 : i32 to vector<16xi32>
      %add3A_1251 = arith.addi %add3A_1250, %and3A_1248 : vector<16xi32>
      %gather3A_1252 = tpu.vector_load_idx %arg6[%add3A_1251] : memref<48xf32, #tpu.memory_space<vmem>>[vector<16xi32>], vector<16xf32>,
      %add3A_1253 = arith.constant 96 : i32
      %add3A_1254 = vector.broadcast %add3A_1253 : i32 to vector<16xi32>
      %add3A_1255 = arith.addi %add3A_1254, %and3A_1248 : vector<16xi32>
      %gather3A_1256 = tpu.vector_load_idx %arg5[%add3A_53, %add3A_1255] : memref<256x128xf32, #tpu.memory_space<vmem>>[vector<16xi32>, vector<16xi32>], vector<16xf32>,
      %mul3A_1257 = arith.mulf %gather3A_1252, %gather3A_1256 : vector<16xf32>
      %add3A_1258 = arith.addf %add3A_1242, %mul3A_1257 : vector<16xf32>
      %add3A_1259 = arith.constant 11 : i32
      %add3A_1260 = vector.broadcast %add3A_1259 : i32 to vector<16xi32>
      %add3A_1261 = arith.addi %add3A_1260, %iota3A : vector<16xi32>
      %and3A_1262 = arith.constant 15 : i32
      %and3A_1263 = vector.broadcast %and3A_1262 : i32 to vector<16xi32>
      %and3A_1264 = arith.andi %add3A_1261, %and3A_1263 : vector<16xi32>
      %add3A_1265 = arith.constant 12 : i32
      %add3A_1266 = vector.broadcast %add3A_1265 : i32 to vector<16xi32>
      %add3A_1267 = arith.addi %add3A_1266, %and3A_1264 : vector<16xi32>
      %gather3A_1268 = tpu.vector_load_idx %arg6[%add3A_1267] : memref<48xf32, #tpu.memory_space<vmem>>[vector<16xi32>], vector<16xf32>,
      %add3A_1269 = arith.constant 96 : i32
      %add3A_1270 = vector.broadcast %add3A_1269 : i32 to vector<16xi32>
      %add3A_1271 = arith.addi %add3A_1270, %and3A_1264 : vector<16xi32>
      %gather3A_1272 = tpu.vector_load_idx %arg5[%add3A_53, %add3A_1271] : memref<256x128xf32, #tpu.memory_space<vmem>>[vector<16xi32>, vector<16xi32>], vector<16xf32>,
      %mul3A_1273 = arith.mulf %gather3A_1268, %gather3A_1272 : vector<16xf32>
      %add3A_1274 = arith.addf %add3A_1258, %mul3A_1273 : vector<16xf32>
      %add3A_1275 = arith.constant 12 : i32
      %add3A_1276 = vector.broadcast %add3A_1275 : i32 to vector<16xi32>
      %add3A_1277 = arith.addi %add3A_1276, %iota3A : vector<16xi32>
      %and3A_1278 = arith.constant 15 : i32
      %and3A_1279 = vector.broadcast %and3A_1278 : i32 to vector<16xi32>
      %and3A_1280 = arith.andi %add3A_1277, %and3A_1279 : vector<16xi32>
      %add3A_1281 = arith.constant 12 : i32
      %add3A_1282 = vector.broadcast %add3A_1281 : i32 to vector<16xi32>
      %add3A_1283 = arith.addi %add3A_1282, %and3A_1280 : vector<16xi32>
      %gather3A_1284 = tpu.vector_load_idx %arg6[%add3A_1283] : memref<48xf32, #tpu.memory_space<vmem>>[vector<16xi32>], vector<16xf32>,
      %add3A_1285 = arith.constant 96 : i32
      %add3A_1286 = vector.broadcast %add3A_1285 : i32 to vector<16xi32>
      %add3A_1287 = arith.addi %add3A_1286, %and3A_1280 : vector<16xi32>
      %gather3A_1288 = tpu.vector_load_idx %arg5[%add3A_53, %add3A_1287] : memref<256x128xf32, #tpu.memory_space<vmem>>[vector<16xi32>, vector<16xi32>], vector<16xf32>,
      %mul3A_1289 = arith.mulf %gather3A_1284, %gather3A_1288 : vector<16xf32>
      %add3A_1290 = arith.addf %add3A_1274, %mul3A_1289 : vector<16xf32>
      %add3A_1291 = arith.constant 13 : i32
      %add3A_1292 = vector.broadcast %add3A_1291 : i32 to vector<16xi32>
      %add3A_1293 = arith.addi %add3A_1292, %iota3A : vector<16xi32>
      %and3A_1294 = arith.constant 15 : i32
      %and3A_1295 = vector.broadcast %and3A_1294 : i32 to vector<16xi32>
      %and3A_1296 = arith.andi %add3A_1293, %and3A_1295 : vector<16xi32>
      %add3A_1297 = arith.constant 12 : i32
      %add3A_1298 = vector.broadcast %add3A_1297 : i32 to vector<16xi32>
      %add3A_1299 = arith.addi %add3A_1298, %and3A_1296 : vector<16xi32>
      %gather3A_1300 = tpu.vector_load_idx %arg6[%add3A_1299] : memref<48xf32, #tpu.memory_space<vmem>>[vector<16xi32>], vector<16xf32>,
      %add3A_1301 = arith.constant 96 : i32
      %add3A_1302 = vector.broadcast %add3A_1301 : i32 to vector<16xi32>
      %add3A_1303 = arith.addi %add3A_1302, %and3A_1296 : vector<16xi32>
      %gather3A_1304 = tpu.vector_load_idx %arg5[%add3A_53, %add3A_1303] : memref<256x128xf32, #tpu.memory_space<vmem>>[vector<16xi32>, vector<16xi32>], vector<16xf32>,
      %mul3A_1305 = arith.mulf %gather3A_1300, %gather3A_1304 : vector<16xf32>
      %add3A_1306 = arith.addf %add3A_1290, %mul3A_1305 : vector<16xf32>
      %add3A_1307 = arith.constant 14 : i32
      %add3A_1308 = vector.broadcast %add3A_1307 : i32 to vector<16xi32>
      %add3A_1309 = arith.addi %add3A_1308, %iota3A : vector<16xi32>
      %and3A_1310 = arith.constant 15 : i32
      %and3A_1311 = vector.broadcast %and3A_1310 : i32 to vector<16xi32>
      %and3A_1312 = arith.andi %add3A_1309, %and3A_1311 : vector<16xi32>
      %add3A_1313 = arith.constant 12 : i32
      %add3A_1314 = vector.broadcast %add3A_1313 : i32 to vector<16xi32>
      %add3A_1315 = arith.addi %add3A_1314, %and3A_1312 : vector<16xi32>
      %gather3A_1316 = tpu.vector_load_idx %arg6[%add3A_1315] : memref<48xf32, #tpu.memory_space<vmem>>[vector<16xi32>], vector<16xf32>,
      %add3A_1317 = arith.constant 96 : i32
      %add3A_1318 = vector.broadcast %add3A_1317 : i32 to vector<16xi32>
      %add3A_1319 = arith.addi %add3A_1318, %and3A_1312 : vector<16xi32>
      %gather3A_1320 = tpu.vector_load_idx %arg5[%add3A_53, %add3A_1319] : memref<256x128xf32, #tpu.memory_space<vmem>>[vector<16xi32>, vector<16xi32>], vector<16xf32>,
      %mul3A_1321 = arith.mulf %gather3A_1316, %gather3A_1320 : vector<16xf32>
      %add3A_1322 = arith.addf %add3A_1306, %mul3A_1321 : vector<16xf32>
      %add3A_1323 = arith.constant 15 : i32
      %add3A_1324 = vector.broadcast %add3A_1323 : i32 to vector<16xi32>
      %add3A_1325 = arith.addi %add3A_1324, %iota3A : vector<16xi32>
      %and3A_1326 = arith.constant 15 : i32
      %and3A_1327 = vector.broadcast %and3A_1326 : i32 to vector<16xi32>
      %and3A_1328 = arith.andi %add3A_1325, %and3A_1327 : vector<16xi32>
      %add3A_1329 = arith.constant 12 : i32
      %add3A_1330 = vector.broadcast %add3A_1329 : i32 to vector<16xi32>
      %add3A_1331 = arith.addi %add3A_1330, %and3A_1328 : vector<16xi32>
      %gather3A_1332 = tpu.vector_load_idx %arg6[%add3A_1331] : memref<48xf32, #tpu.memory_space<vmem>>[vector<16xi32>], vector<16xf32>,
      %add3A_1333 = arith.constant 96 : i32
      %add3A_1334 = vector.broadcast %add3A_1333 : i32 to vector<16xi32>
      %add3A_1335 = arith.addi %add3A_1334, %and3A_1328 : vector<16xi32>
      %gather3A_1336 = tpu.vector_load_idx %arg5[%add3A_53, %add3A_1335] : memref<256x128xf32, #tpu.memory_space<vmem>>[vector<16xi32>, vector<16xi32>], vector<16xf32>,
      %mul3A_1337 = arith.mulf %gather3A_1332, %gather3A_1336 : vector<16xf32>
      %add3A_1338 = arith.addf %add3A_1322, %mul3A_1337 : vector<16xf32>
      %add3A_1339 = arith.constant 0 : i32
      %add3A_1340 = vector.broadcast %add3A_1339 : i32 to vector<16xi32>
      %add3A_1341 = arith.addi %add3A_1340, %iota3A : vector<16xi32>
      %and3A_1342 = arith.constant 3 : i32
      %and3A_1343 = vector.broadcast %and3A_1342 : i32 to vector<16xi32>
      %and3A_1344 = arith.andi %add3A_1341, %and3A_1343 : vector<16xi32>
      %add3A_1345 = arith.constant 28 : i32
      %add3A_1346 = vector.broadcast %add3A_1345 : i32 to vector<16xi32>
      %add3A_1347 = arith.addi %add3A_1346, %and3A_1344 : vector<16xi32>
      %gather3A_1348 = tpu.vector_load_idx %arg6[%add3A_1347] : memref<48xf32, #tpu.memory_space<vmem>>[vector<16xi32>], vector<16xf32>,
      %add3A_1349 = arith.constant 112 : i32
      %add3A_1350 = vector.broadcast %add3A_1349 : i32 to vector<16xi32>
      %add3A_1351 = arith.addi %add3A_1350, %and3A_1344 : vector<16xi32>
      %gather3A_1352 = tpu.vector_load_idx %arg5[%add3A_53, %add3A_1351] : memref<256x128xf32, #tpu.memory_space<vmem>>[vector<16xi32>, vector<16xi32>], vector<16xf32>,
      %mul3A_1353 = arith.mulf %gather3A_1348, %gather3A_1352 : vector<16xf32>
      %add3A_1354 = arith.addf %add3A_1338, %mul3A_1353 : vector<16xf32>
      %add3A_1355 = arith.constant 1 : i32
      %add3A_1356 = vector.broadcast %add3A_1355 : i32 to vector<16xi32>
      %add3A_1357 = arith.addi %add3A_1356, %iota3A : vector<16xi32>
      %and3A_1358 = arith.constant 3 : i32
      %and3A_1359 = vector.broadcast %and3A_1358 : i32 to vector<16xi32>
      %and3A_1360 = arith.andi %add3A_1357, %and3A_1359 : vector<16xi32>
      %add3A_1361 = arith.constant 28 : i32
      %add3A_1362 = vector.broadcast %add3A_1361 : i32 to vector<16xi32>
      %add3A_1363 = arith.addi %add3A_1362, %and3A_1360 : vector<16xi32>
      %gather3A_1364 = tpu.vector_load_idx %arg6[%add3A_1363] : memref<48xf32, #tpu.memory_space<vmem>>[vector<16xi32>], vector<16xf32>,
      %add3A_1365 = arith.constant 112 : i32
      %add3A_1366 = vector.broadcast %add3A_1365 : i32 to vector<16xi32>
      %add3A_1367 = arith.addi %add3A_1366, %and3A_1360 : vector<16xi32>
      %gather3A_1368 = tpu.vector_load_idx %arg5[%add3A_53, %add3A_1367] : memref<256x128xf32, #tpu.memory_space<vmem>>[vector<16xi32>, vector<16xi32>], vector<16xf32>,
      %mul3A_1369 = arith.mulf %gather3A_1364, %gather3A_1368 : vector<16xf32>
      %add3A_1370 = arith.addf %add3A_1354, %mul3A_1369 : vector<16xf32>
      %add3A_1371 = arith.constant 2 : i32
      %add3A_1372 = vector.broadcast %add3A_1371 : i32 to vector<16xi32>
      %add3A_1373 = arith.addi %add3A_1372, %iota3A : vector<16xi32>
      %and3A_1374 = arith.constant 3 : i32
      %and3A_1375 = vector.broadcast %and3A_1374 : i32 to vector<16xi32>
      %and3A_1376 = arith.andi %add3A_1373, %and3A_1375 : vector<16xi32>
      %add3A_1377 = arith.constant 28 : i32
      %add3A_1378 = vector.broadcast %add3A_1377 : i32 to vector<16xi32>
      %add3A_1379 = arith.addi %add3A_1378, %and3A_1376 : vector<16xi32>
      %gather3A_1380 = tpu.vector_load_idx %arg6[%add3A_1379] : memref<48xf32, #tpu.memory_space<vmem>>[vector<16xi32>], vector<16xf32>,
      %add3A_1381 = arith.constant 112 : i32
      %add3A_1382 = vector.broadcast %add3A_1381 : i32 to vector<16xi32>
      %add3A_1383 = arith.addi %add3A_1382, %and3A_1376 : vector<16xi32>
      %gather3A_1384 = tpu.vector_load_idx %arg5[%add3A_53, %add3A_1383] : memref<256x128xf32, #tpu.memory_space<vmem>>[vector<16xi32>, vector<16xi32>], vector<16xf32>,
      %mul3A_1385 = arith.mulf %gather3A_1380, %gather3A_1384 : vector<16xf32>
      %add3A_1386 = arith.addf %add3A_1370, %mul3A_1385 : vector<16xf32>
      %add3A_1387 = arith.constant 3 : i32
      %add3A_1388 = vector.broadcast %add3A_1387 : i32 to vector<16xi32>
      %add3A_1389 = arith.addi %add3A_1388, %iota3A : vector<16xi32>
      %and3A_1390 = arith.constant 3 : i32
      %and3A_1391 = vector.broadcast %and3A_1390 : i32 to vector<16xi32>
      %and3A_1392 = arith.andi %add3A_1389, %and3A_1391 : vector<16xi32>
      %add3A_1393 = arith.constant 28 : i32
      %add3A_1394 = vector.broadcast %add3A_1393 : i32 to vector<16xi32>
      %add3A_1395 = arith.addi %add3A_1394, %and3A_1392 : vector<16xi32>
      %gather3A_1396 = tpu.vector_load_idx %arg6[%add3A_1395] : memref<48xf32, #tpu.memory_space<vmem>>[vector<16xi32>], vector<16xf32>,
      %add3A_1397 = arith.constant 112 : i32
      %add3A_1398 = vector.broadcast %add3A_1397 : i32 to vector<16xi32>
      %add3A_1399 = arith.addi %add3A_1398, %and3A_1392 : vector<16xi32>
      %gather3A_1400 = tpu.vector_load_idx %arg5[%add3A_53, %add3A_1399] : memref<256x128xf32, #tpu.memory_space<vmem>>[vector<16xi32>, vector<16xi32>], vector<16xf32>,
      %mul3A_1401 = arith.mulf %gather3A_1396, %gather3A_1400 : vector<16xf32>
      %add3A_1402 = arith.addf %add3A_1386, %mul3A_1401 : vector<16xf32>
      %mul3A_1403 = arith.constant 16 : i32
      %mul3A_1404 = arith.muli %mul3A_49, %mul3A_1403 : i32
      %swap3A = arith.index_cast %mul3A_1404 : i32 to index
      %swap3A_1405 = tpu.vector_load %arg7[%swap3A] {strides = array<i32>} : memref<256xf32, #tpu.memory_space<vmem>>, vector<16xf32>,
      tpu.vector_store %arg7[%swap3A], %add3A_1402 {strides = array<i32>} : memref<256xf32, #tpu.memory_space<vmem>>, vector<16xf32>,
      %mul3A_1406 = arith.constant 2 : i32
      %mul3A_1407 = arith.muli %mul3A_1406, %scan3A_47 : i32
      %add3A_1408 = arith.constant 1 : i32
      %add3A_1409 = arith.addi %mul3A_1407, %add3A_1408 : i32
      %mul3A_1410 = arith.constant 16 : i32
      %mul3A_1411 = arith.muli %add3A_1409, %mul3A_1410 : i32
      %add3A_1412 = vector.broadcast %mul3A_1411 : i32 to vector<16xi32>
      %add3A_1413 = arith.addi %add3A_1412, %iota3A : vector<16xi32>
      %and3A_1414 = arith.constant 7 : i32
      %and3A_1415 = vector.broadcast %and3A_1414 : i32 to vector<16xi32>
      %and3A_1416 = arith.andi %iota3A, %and3A_1415 : vector<16xi32>
      %add3A_1417 = arith.constant 0 : i32
      %add3A_1418 = vector.broadcast %add3A_1417 : i32 to vector<16xi32>
      %add3A_1419 = arith.addi %add3A_1418, %and3A_1416 : vector<16xi32>
      %gather3A_1420 = tpu.vector_load_idx %arg5[%add3A_1413, %add3A_1419] : memref<256x128xf32, #tpu.memory_space<vmem>>[vector<16xi32>, vector<16xi32>], vector<16xf32>,
      %add3A_1421 = arith.constant 1 : i32
      %add3A_1422 = vector.broadcast %add3A_1421 : i32 to vector<16xi32>
      %add3A_1423 = arith.addi %add3A_1422, %iota3A : vector<16xi32>
      %and3A_1424 = arith.constant 7 : i32
      %and3A_1425 = vector.broadcast %and3A_1424 : i32 to vector<16xi32>
      %and3A_1426 = arith.andi %add3A_1423, %and3A_1425 : vector<16xi32>
      %add3A_1427 = arith.constant 0 : i32
      %add3A_1428 = vector.broadcast %add3A_1427 : i32 to vector<16xi32>
      %add3A_1429 = arith.addi %add3A_1428, %and3A_1426 : vector<16xi32>
      %gather3A_1430 = tpu.vector_load_idx %arg5[%add3A_1413, %add3A_1429] : memref<256x128xf32, #tpu.memory_space<vmem>>[vector<16xi32>, vector<16xi32>], vector<16xf32>,
      %max3A_1431 = arith.maximumf %gather3A_1420, %gather3A_1430 : vector<16xf32>
      %add3A_1432 = arith.constant 2 : i32
      %add3A_1433 = vector.broadcast %add3A_1432 : i32 to vector<16xi32>
      %add3A_1434 = arith.addi %add3A_1433, %iota3A : vector<16xi32>
      %and3A_1435 = arith.constant 7 : i32
      %and3A_1436 = vector.broadcast %and3A_1435 : i32 to vector<16xi32>
      %and3A_1437 = arith.andi %add3A_1434, %and3A_1436 : vector<16xi32>
      %add3A_1438 = arith.constant 0 : i32
      %add3A_1439 = vector.broadcast %add3A_1438 : i32 to vector<16xi32>
      %add3A_1440 = arith.addi %add3A_1439, %and3A_1437 : vector<16xi32>
      %gather3A_1441 = tpu.vector_load_idx %arg5[%add3A_1413, %add3A_1440] : memref<256x128xf32, #tpu.memory_space<vmem>>[vector<16xi32>, vector<16xi32>], vector<16xf32>,
      %max3A_1442 = arith.maximumf %max3A_1431, %gather3A_1441 : vector<16xf32>
      %add3A_1443 = arith.constant 3 : i32
      %add3A_1444 = vector.broadcast %add3A_1443 : i32 to vector<16xi32>
      %add3A_1445 = arith.addi %add3A_1444, %iota3A : vector<16xi32>
      %and3A_1446 = arith.constant 7 : i32
      %and3A_1447 = vector.broadcast %and3A_1446 : i32 to vector<16xi32>
      %and3A_1448 = arith.andi %add3A_1445, %and3A_1447 : vector<16xi32>
      %add3A_1449 = arith.constant 0 : i32
      %add3A_1450 = vector.broadcast %add3A_1449 : i32 to vector<16xi32>
      %add3A_1451 = arith.addi %add3A_1450, %and3A_1448 : vector<16xi32>
      %gather3A_1452 = tpu.vector_load_idx %arg5[%add3A_1413, %add3A_1451] : memref<256x128xf32, #tpu.memory_space<vmem>>[vector<16xi32>, vector<16xi32>], vector<16xf32>,
      %max3A_1453 = arith.maximumf %max3A_1442, %gather3A_1452 : vector<16xf32>
      %add3A_1454 = arith.constant 4 : i32
      %add3A_1455 = vector.broadcast %add3A_1454 : i32 to vector<16xi32>
      %add3A_1456 = arith.addi %add3A_1455, %iota3A : vector<16xi32>
      %and3A_1457 = arith.constant 7 : i32
      %and3A_1458 = vector.broadcast %and3A_1457 : i32 to vector<16xi32>
      %and3A_1459 = arith.andi %add3A_1456, %and3A_1458 : vector<16xi32>
      %add3A_1460 = arith.constant 0 : i32
      %add3A_1461 = vector.broadcast %add3A_1460 : i32 to vector<16xi32>
      %add3A_1462 = arith.addi %add3A_1461, %and3A_1459 : vector<16xi32>
      %gather3A_1463 = tpu.vector_load_idx %arg5[%add3A_1413, %add3A_1462] : memref<256x128xf32, #tpu.memory_space<vmem>>[vector<16xi32>, vector<16xi32>], vector<16xf32>,
      %max3A_1464 = arith.maximumf %max3A_1453, %gather3A_1463 : vector<16xf32>
      %add3A_1465 = arith.constant 5 : i32
      %add3A_1466 = vector.broadcast %add3A_1465 : i32 to vector<16xi32>
      %add3A_1467 = arith.addi %add3A_1466, %iota3A : vector<16xi32>
      %and3A_1468 = arith.constant 7 : i32
      %and3A_1469 = vector.broadcast %and3A_1468 : i32 to vector<16xi32>
      %and3A_1470 = arith.andi %add3A_1467, %and3A_1469 : vector<16xi32>
      %add3A_1471 = arith.constant 0 : i32
      %add3A_1472 = vector.broadcast %add3A_1471 : i32 to vector<16xi32>
      %add3A_1473 = arith.addi %add3A_1472, %and3A_1470 : vector<16xi32>
      %gather3A_1474 = tpu.vector_load_idx %arg5[%add3A_1413, %add3A_1473] : memref<256x128xf32, #tpu.memory_space<vmem>>[vector<16xi32>, vector<16xi32>], vector<16xf32>,
      %max3A_1475 = arith.maximumf %max3A_1464, %gather3A_1474 : vector<16xf32>
      %add3A_1476 = arith.constant 6 : i32
      %add3A_1477 = vector.broadcast %add3A_1476 : i32 to vector<16xi32>
      %add3A_1478 = arith.addi %add3A_1477, %iota3A : vector<16xi32>
      %and3A_1479 = arith.constant 7 : i32
      %and3A_1480 = vector.broadcast %and3A_1479 : i32 to vector<16xi32>
      %and3A_1481 = arith.andi %add3A_1478, %and3A_1480 : vector<16xi32>
      %add3A_1482 = arith.constant 0 : i32
      %add3A_1483 = vector.broadcast %add3A_1482 : i32 to vector<16xi32>
      %add3A_1484 = arith.addi %add3A_1483, %and3A_1481 : vector<16xi32>
      %gather3A_1485 = tpu.vector_load_idx %arg5[%add3A_1413, %add3A_1484] : memref<256x128xf32, #tpu.memory_space<vmem>>[vector<16xi32>, vector<16xi32>], vector<16xf32>,
      %max3A_1486 = arith.maximumf %max3A_1475, %gather3A_1485 : vector<16xf32>
      %add3A_1487 = arith.constant 7 : i32
      %add3A_1488 = vector.broadcast %add3A_1487 : i32 to vector<16xi32>
      %add3A_1489 = arith.addi %add3A_1488, %iota3A : vector<16xi32>
      %and3A_1490 = arith.constant 7 : i32
      %and3A_1491 = vector.broadcast %and3A_1490 : i32 to vector<16xi32>
      %and3A_1492 = arith.andi %add3A_1489, %and3A_1491 : vector<16xi32>
      %add3A_1493 = arith.constant 0 : i32
      %add3A_1494 = vector.broadcast %add3A_1493 : i32 to vector<16xi32>
      %add3A_1495 = arith.addi %add3A_1494, %and3A_1492 : vector<16xi32>
      %gather3A_1496 = tpu.vector_load_idx %arg5[%add3A_1413, %add3A_1495] : memref<256x128xf32, #tpu.memory_space<vmem>>[vector<16xi32>, vector<16xi32>], vector<16xf32>,
      %max3A_1497 = arith.maximumf %max3A_1486, %gather3A_1496 : vector<16xf32>
      %mul3A_1498 = arith.mulf %broadcast_in_dim3A, %max3A_1497 : vector<16xf32>
      %add3A_1499 = arith.addf %broadcast_in_dim3A_41, %mul3A_1498 : vector<16xf32>
      %and3A_1500 = arith.constant 7 : i32
      %and3A_1501 = vector.broadcast %and3A_1500 : i32 to vector<16xi32>
      %and3A_1502 = arith.andi %iota3A, %and3A_1501 : vector<16xi32>
      %add3A_1503 = arith.constant 8 : i32
      %add3A_1504 = vector.broadcast %add3A_1503 : i32 to vector<16xi32>
      %add3A_1505 = arith.addi %add3A_1504, %and3A_1502 : vector<16xi32>
      %gather3A_1506 = tpu.vector_load_idx %arg5[%add3A_1413, %add3A_1505] : memref<256x128xf32, #tpu.memory_space<vmem>>[vector<16xi32>, vector<16xi32>], vector<16xf32>,
      %add3A_1507 = arith.constant 1 : i32
      %add3A_1508 = vector.broadcast %add3A_1507 : i32 to vector<16xi32>
      %add3A_1509 = arith.addi %add3A_1508, %iota3A : vector<16xi32>
      %and3A_1510 = arith.constant 7 : i32
      %and3A_1511 = vector.broadcast %and3A_1510 : i32 to vector<16xi32>
      %and3A_1512 = arith.andi %add3A_1509, %and3A_1511 : vector<16xi32>
      %add3A_1513 = arith.constant 8 : i32
      %add3A_1514 = vector.broadcast %add3A_1513 : i32 to vector<16xi32>
      %add3A_1515 = arith.addi %add3A_1514, %and3A_1512 : vector<16xi32>
      %gather3A_1516 = tpu.vector_load_idx %arg5[%add3A_1413, %add3A_1515] : memref<256x128xf32, #tpu.memory_space<vmem>>[vector<16xi32>, vector<16xi32>], vector<16xf32>,
      %max3A_1517 = arith.maximumf %gather3A_1506, %gather3A_1516 : vector<16xf32>
      %add3A_1518 = arith.constant 2 : i32
      %add3A_1519 = vector.broadcast %add3A_1518 : i32 to vector<16xi32>
      %add3A_1520 = arith.addi %add3A_1519, %iota3A : vector<16xi32>
      %and3A_1521 = arith.constant 7 : i32
      %and3A_1522 = vector.broadcast %and3A_1521 : i32 to vector<16xi32>
      %and3A_1523 = arith.andi %add3A_1520, %and3A_1522 : vector<16xi32>
      %add3A_1524 = arith.constant 8 : i32
      %add3A_1525 = vector.broadcast %add3A_1524 : i32 to vector<16xi32>
      %add3A_1526 = arith.addi %add3A_1525, %and3A_1523 : vector<16xi32>
      %gather3A_1527 = tpu.vector_load_idx %arg5[%add3A_1413, %add3A_1526] : memref<256x128xf32, #tpu.memory_space<vmem>>[vector<16xi32>, vector<16xi32>], vector<16xf32>,
      %max3A_1528 = arith.maximumf %max3A_1517, %gather3A_1527 : vector<16xf32>
      %add3A_1529 = arith.constant 3 : i32
      %add3A_1530 = vector.broadcast %add3A_1529 : i32 to vector<16xi32>
      %add3A_1531 = arith.addi %add3A_1530, %iota3A : vector<16xi32>
      %and3A_1532 = arith.constant 7 : i32
      %and3A_1533 = vector.broadcast %and3A_1532 : i32 to vector<16xi32>
      %and3A_1534 = arith.andi %add3A_1531, %and3A_1533 : vector<16xi32>
      %add3A_1535 = arith.constant 8 : i32
      %add3A_1536 = vector.broadcast %add3A_1535 : i32 to vector<16xi32>
      %add3A_1537 = arith.addi %add3A_1536, %and3A_1534 : vector<16xi32>
      %gather3A_1538 = tpu.vector_load_idx %arg5[%add3A_1413, %add3A_1537] : memref<256x128xf32, #tpu.memory_space<vmem>>[vector<16xi32>, vector<16xi32>], vector<16xf32>,
      %max3A_1539 = arith.maximumf %max3A_1528, %gather3A_1538 : vector<16xf32>
      %add3A_1540 = arith.constant 4 : i32
      %add3A_1541 = vector.broadcast %add3A_1540 : i32 to vector<16xi32>
      %add3A_1542 = arith.addi %add3A_1541, %iota3A : vector<16xi32>
      %and3A_1543 = arith.constant 7 : i32
      %and3A_1544 = vector.broadcast %and3A_1543 : i32 to vector<16xi32>
      %and3A_1545 = arith.andi %add3A_1542, %and3A_1544 : vector<16xi32>
      %add3A_1546 = arith.constant 8 : i32
      %add3A_1547 = vector.broadcast %add3A_1546 : i32 to vector<16xi32>
      %add3A_1548 = arith.addi %add3A_1547, %and3A_1545 : vector<16xi32>
      %gather3A_1549 = tpu.vector_load_idx %arg5[%add3A_1413, %add3A_1548] : memref<256x128xf32, #tpu.memory_space<vmem>>[vector<16xi32>, vector<16xi32>], vector<16xf32>,
      %max3A_1550 = arith.maximumf %max3A_1539, %gather3A_1549 : vector<16xf32>
      %add3A_1551 = arith.constant 5 : i32
      %add3A_1552 = vector.broadcast %add3A_1551 : i32 to vector<16xi32>
      %add3A_1553 = arith.addi %add3A_1552, %iota3A : vector<16xi32>
      %and3A_1554 = arith.constant 7 : i32
      %and3A_1555 = vector.broadcast %and3A_1554 : i32 to vector<16xi32>
      %and3A_1556 = arith.andi %add3A_1553, %and3A_1555 : vector<16xi32>
      %add3A_1557 = arith.constant 8 : i32
      %add3A_1558 = vector.broadcast %add3A_1557 : i32 to vector<16xi32>
      %add3A_1559 = arith.addi %add3A_1558, %and3A_1556 : vector<16xi32>
      %gather3A_1560 = tpu.vector_load_idx %arg5[%add3A_1413, %add3A_1559] : memref<256x128xf32, #tpu.memory_space<vmem>>[vector<16xi32>, vector<16xi32>], vector<16xf32>,
      %max3A_1561 = arith.maximumf %max3A_1550, %gather3A_1560 : vector<16xf32>
      %add3A_1562 = arith.constant 6 : i32
      %add3A_1563 = vector.broadcast %add3A_1562 : i32 to vector<16xi32>
      %add3A_1564 = arith.addi %add3A_1563, %iota3A : vector<16xi32>
      %and3A_1565 = arith.constant 7 : i32
      %and3A_1566 = vector.broadcast %and3A_1565 : i32 to vector<16xi32>
      %and3A_1567 = arith.andi %add3A_1564, %and3A_1566 : vector<16xi32>
      %add3A_1568 = arith.constant 8 : i32
      %add3A_1569 = vector.broadcast %add3A_1568 : i32 to vector<16xi32>
      %add3A_1570 = arith.addi %add3A_1569, %and3A_1567 : vector<16xi32>
      %gather3A_1571 = tpu.vector_load_idx %arg5[%add3A_1413, %add3A_1570] : memref<256x128xf32, #tpu.memory_space<vmem>>[vector<16xi32>, vector<16xi32>], vector<16xf32>,
      %max3A_1572 = arith.maximumf %max3A_1561, %gather3A_1571 : vector<16xf32>
      %add3A_1573 = arith.constant 7 : i32
      %add3A_1574 = vector.broadcast %add3A_1573 : i32 to vector<16xi32>
      %add3A_1575 = arith.addi %add3A_1574, %iota3A : vector<16xi32>
      %and3A_1576 = arith.constant 7 : i32
      %and3A_1577 = vector.broadcast %and3A_1576 : i32 to vector<16xi32>
      %and3A_1578 = arith.andi %add3A_1575, %and3A_1577 : vector<16xi32>
      %add3A_1579 = arith.constant 8 : i32
      %add3A_1580 = vector.broadcast %add3A_1579 : i32 to vector<16xi32>
      %add3A_1581 = arith.addi %add3A_1580, %and3A_1578 : vector<16xi32>
      %gather3A_1582 = tpu.vector_load_idx %arg5[%add3A_1413, %add3A_1581] : memref<256x128xf32, #tpu.memory_space<vmem>>[vector<16xi32>, vector<16xi32>], vector<16xf32>,
      %max3A_1583 = arith.maximumf %max3A_1572, %gather3A_1582 : vector<16xf32>
      %mul3A_1584 = arith.mulf %broadcast_in_dim3A_8, %max3A_1583 : vector<16xf32>
      %add3A_1585 = arith.addf %add3A_1499, %mul3A_1584 : vector<16xf32>
      %and3A_1586 = arith.constant 7 : i32
      %and3A_1587 = vector.broadcast %and3A_1586 : i32 to vector<16xi32>
      %and3A_1588 = arith.andi %iota3A, %and3A_1587 : vector<16xi32>
      %add3A_1589 = arith.constant 16 : i32
      %add3A_1590 = vector.broadcast %add3A_1589 : i32 to vector<16xi32>
      %add3A_1591 = arith.addi %add3A_1590, %and3A_1588 : vector<16xi32>
      %gather3A_1592 = tpu.vector_load_idx %arg5[%add3A_1413, %add3A_1591] : memref<256x128xf32, #tpu.memory_space<vmem>>[vector<16xi32>, vector<16xi32>], vector<16xf32>,
      %add3A_1593 = arith.constant 1 : i32
      %add3A_1594 = vector.broadcast %add3A_1593 : i32 to vector<16xi32>
      %add3A_1595 = arith.addi %add3A_1594, %iota3A : vector<16xi32>
      %and3A_1596 = arith.constant 7 : i32
      %and3A_1597 = vector.broadcast %and3A_1596 : i32 to vector<16xi32>
      %and3A_1598 = arith.andi %add3A_1595, %and3A_1597 : vector<16xi32>
      %add3A_1599 = arith.constant 16 : i32
      %add3A_1600 = vector.broadcast %add3A_1599 : i32 to vector<16xi32>
      %add3A_1601 = arith.addi %add3A_1600, %and3A_1598 : vector<16xi32>
      %gather3A_1602 = tpu.vector_load_idx %arg5[%add3A_1413, %add3A_1601] : memref<256x128xf32, #tpu.memory_space<vmem>>[vector<16xi32>, vector<16xi32>], vector<16xf32>,
      %max3A_1603 = arith.maximumf %gather3A_1592, %gather3A_1602 : vector<16xf32>
      %add3A_1604 = arith.constant 2 : i32
      %add3A_1605 = vector.broadcast %add3A_1604 : i32 to vector<16xi32>
      %add3A_1606 = arith.addi %add3A_1605, %iota3A : vector<16xi32>
      %and3A_1607 = arith.constant 7 : i32
      %and3A_1608 = vector.broadcast %and3A_1607 : i32 to vector<16xi32>
      %and3A_1609 = arith.andi %add3A_1606, %and3A_1608 : vector<16xi32>
      %add3A_1610 = arith.constant 16 : i32
      %add3A_1611 = vector.broadcast %add3A_1610 : i32 to vector<16xi32>
      %add3A_1612 = arith.addi %add3A_1611, %and3A_1609 : vector<16xi32>
      %gather3A_1613 = tpu.vector_load_idx %arg5[%add3A_1413, %add3A_1612] : memref<256x128xf32, #tpu.memory_space<vmem>>[vector<16xi32>, vector<16xi32>], vector<16xf32>,
      %max3A_1614 = arith.maximumf %max3A_1603, %gather3A_1613 : vector<16xf32>
      %add3A_1615 = arith.constant 3 : i32
      %add3A_1616 = vector.broadcast %add3A_1615 : i32 to vector<16xi32>
      %add3A_1617 = arith.addi %add3A_1616, %iota3A : vector<16xi32>
      %and3A_1618 = arith.constant 7 : i32
      %and3A_1619 = vector.broadcast %and3A_1618 : i32 to vector<16xi32>
      %and3A_1620 = arith.andi %add3A_1617, %and3A_1619 : vector<16xi32>
      %add3A_1621 = arith.constant 16 : i32
      %add3A_1622 = vector.broadcast %add3A_1621 : i32 to vector<16xi32>
      %add3A_1623 = arith.addi %add3A_1622, %and3A_1620 : vector<16xi32>
      %gather3A_1624 = tpu.vector_load_idx %arg5[%add3A_1413, %add3A_1623] : memref<256x128xf32, #tpu.memory_space<vmem>>[vector<16xi32>, vector<16xi32>], vector<16xf32>,
      %max3A_1625 = arith.maximumf %max3A_1614, %gather3A_1624 : vector<16xf32>
      %add3A_1626 = arith.constant 4 : i32
      %add3A_1627 = vector.broadcast %add3A_1626 : i32 to vector<16xi32>
      %add3A_1628 = arith.addi %add3A_1627, %iota3A : vector<16xi32>
      %and3A_1629 = arith.constant 7 : i32
      %and3A_1630 = vector.broadcast %and3A_1629 : i32 to vector<16xi32>
      %and3A_1631 = arith.andi %add3A_1628, %and3A_1630 : vector<16xi32>
      %add3A_1632 = arith.constant 16 : i32
      %add3A_1633 = vector.broadcast %add3A_1632 : i32 to vector<16xi32>
      %add3A_1634 = arith.addi %add3A_1633, %and3A_1631 : vector<16xi32>
      %gather3A_1635 = tpu.vector_load_idx %arg5[%add3A_1413, %add3A_1634] : memref<256x128xf32, #tpu.memory_space<vmem>>[vector<16xi32>, vector<16xi32>], vector<16xf32>,
      %max3A_1636 = arith.maximumf %max3A_1625, %gather3A_1635 : vector<16xf32>
      %add3A_1637 = arith.constant 5 : i32
      %add3A_1638 = vector.broadcast %add3A_1637 : i32 to vector<16xi32>
      %add3A_1639 = arith.addi %add3A_1638, %iota3A : vector<16xi32>
      %and3A_1640 = arith.constant 7 : i32
      %and3A_1641 = vector.broadcast %and3A_1640 : i32 to vector<16xi32>
      %and3A_1642 = arith.andi %add3A_1639, %and3A_1641 : vector<16xi32>
      %add3A_1643 = arith.constant 16 : i32
      %add3A_1644 = vector.broadcast %add3A_1643 : i32 to vector<16xi32>
      %add3A_1645 = arith.addi %add3A_1644, %and3A_1642 : vector<16xi32>
      %gather3A_1646 = tpu.vector_load_idx %arg5[%add3A_1413, %add3A_1645] : memref<256x128xf32, #tpu.memory_space<vmem>>[vector<16xi32>, vector<16xi32>], vector<16xf32>,
      %max3A_1647 = arith.maximumf %max3A_1636, %gather3A_1646 : vector<16xf32>
      %add3A_1648 = arith.constant 6 : i32
      %add3A_1649 = vector.broadcast %add3A_1648 : i32 to vector<16xi32>
      %add3A_1650 = arith.addi %add3A_1649, %iota3A : vector<16xi32>
      %and3A_1651 = arith.constant 7 : i32
      %and3A_1652 = vector.broadcast %and3A_1651 : i32 to vector<16xi32>
      %and3A_1653 = arith.andi %add3A_1650, %and3A_1652 : vector<16xi32>
      %add3A_1654 = arith.constant 16 : i32
      %add3A_1655 = vector.broadcast %add3A_1654 : i32 to vector<16xi32>
      %add3A_1656 = arith.addi %add3A_1655, %and3A_1653 : vector<16xi32>
      %gather3A_1657 = tpu.vector_load_idx %arg5[%add3A_1413, %add3A_1656] : memref<256x128xf32, #tpu.memory_space<vmem>>[vector<16xi32>, vector<16xi32>], vector<16xf32>,
      %max3A_1658 = arith.maximumf %max3A_1647, %gather3A_1657 : vector<16xf32>
      %add3A_1659 = arith.constant 7 : i32
      %add3A_1660 = vector.broadcast %add3A_1659 : i32 to vector<16xi32>
      %add3A_1661 = arith.addi %add3A_1660, %iota3A : vector<16xi32>
      %and3A_1662 = arith.constant 7 : i32
      %and3A_1663 = vector.broadcast %and3A_1662 : i32 to vector<16xi32>
      %and3A_1664 = arith.andi %add3A_1661, %and3A_1663 : vector<16xi32>
      %add3A_1665 = arith.constant 16 : i32
      %add3A_1666 = vector.broadcast %add3A_1665 : i32 to vector<16xi32>
      %add3A_1667 = arith.addi %add3A_1666, %and3A_1664 : vector<16xi32>
      %gather3A_1668 = tpu.vector_load_idx %arg5[%add3A_1413, %add3A_1667] : memref<256x128xf32, #tpu.memory_space<vmem>>[vector<16xi32>, vector<16xi32>], vector<16xf32>,
      %max3A_1669 = arith.maximumf %max3A_1658, %gather3A_1668 : vector<16xf32>
      %mul3A_1670 = arith.mulf %broadcast_in_dim3A_11, %max3A_1669 : vector<16xf32>
      %add3A_1671 = arith.addf %add3A_1585, %mul3A_1670 : vector<16xf32>
      %and3A_1672 = arith.constant 7 : i32
      %and3A_1673 = vector.broadcast %and3A_1672 : i32 to vector<16xi32>
      %and3A_1674 = arith.andi %iota3A, %and3A_1673 : vector<16xi32>
      %add3A_1675 = arith.constant 24 : i32
      %add3A_1676 = vector.broadcast %add3A_1675 : i32 to vector<16xi32>
      %add3A_1677 = arith.addi %add3A_1676, %and3A_1674 : vector<16xi32>
      %gather3A_1678 = tpu.vector_load_idx %arg5[%add3A_1413, %add3A_1677] : memref<256x128xf32, #tpu.memory_space<vmem>>[vector<16xi32>, vector<16xi32>], vector<16xf32>,
      %add3A_1679 = arith.constant 1 : i32
      %add3A_1680 = vector.broadcast %add3A_1679 : i32 to vector<16xi32>
      %add3A_1681 = arith.addi %add3A_1680, %iota3A : vector<16xi32>
      %and3A_1682 = arith.constant 7 : i32
      %and3A_1683 = vector.broadcast %and3A_1682 : i32 to vector<16xi32>
      %and3A_1684 = arith.andi %add3A_1681, %and3A_1683 : vector<16xi32>
      %add3A_1685 = arith.constant 24 : i32
      %add3A_1686 = vector.broadcast %add3A_1685 : i32 to vector<16xi32>
      %add3A_1687 = arith.addi %add3A_1686, %and3A_1684 : vector<16xi32>
      %gather3A_1688 = tpu.vector_load_idx %arg5[%add3A_1413, %add3A_1687] : memref<256x128xf32, #tpu.memory_space<vmem>>[vector<16xi32>, vector<16xi32>], vector<16xf32>,
      %max3A_1689 = arith.maximumf %gather3A_1678, %gather3A_1688 : vector<16xf32>
      %add3A_1690 = arith.constant 2 : i32
      %add3A_1691 = vector.broadcast %add3A_1690 : i32 to vector<16xi32>
      %add3A_1692 = arith.addi %add3A_1691, %iota3A : vector<16xi32>
      %and3A_1693 = arith.constant 7 : i32
      %and3A_1694 = vector.broadcast %and3A_1693 : i32 to vector<16xi32>
      %and3A_1695 = arith.andi %add3A_1692, %and3A_1694 : vector<16xi32>
      %add3A_1696 = arith.constant 24 : i32
      %add3A_1697 = vector.broadcast %add3A_1696 : i32 to vector<16xi32>
      %add3A_1698 = arith.addi %add3A_1697, %and3A_1695 : vector<16xi32>
      %gather3A_1699 = tpu.vector_load_idx %arg5[%add3A_1413, %add3A_1698] : memref<256x128xf32, #tpu.memory_space<vmem>>[vector<16xi32>, vector<16xi32>], vector<16xf32>,
      %max3A_1700 = arith.maximumf %max3A_1689, %gather3A_1699 : vector<16xf32>
      %add3A_1701 = arith.constant 3 : i32
      %add3A_1702 = vector.broadcast %add3A_1701 : i32 to vector<16xi32>
      %add3A_1703 = arith.addi %add3A_1702, %iota3A : vector<16xi32>
      %and3A_1704 = arith.constant 7 : i32
      %and3A_1705 = vector.broadcast %and3A_1704 : i32 to vector<16xi32>
      %and3A_1706 = arith.andi %add3A_1703, %and3A_1705 : vector<16xi32>
      %add3A_1707 = arith.constant 24 : i32
      %add3A_1708 = vector.broadcast %add3A_1707 : i32 to vector<16xi32>
      %add3A_1709 = arith.addi %add3A_1708, %and3A_1706 : vector<16xi32>
      %gather3A_1710 = tpu.vector_load_idx %arg5[%add3A_1413, %add3A_1709] : memref<256x128xf32, #tpu.memory_space<vmem>>[vector<16xi32>, vector<16xi32>], vector<16xf32>,
      %max3A_1711 = arith.maximumf %max3A_1700, %gather3A_1710 : vector<16xf32>
      %add3A_1712 = arith.constant 4 : i32
      %add3A_1713 = vector.broadcast %add3A_1712 : i32 to vector<16xi32>
      %add3A_1714 = arith.addi %add3A_1713, %iota3A : vector<16xi32>
      %and3A_1715 = arith.constant 7 : i32
      %and3A_1716 = vector.broadcast %and3A_1715 : i32 to vector<16xi32>
      %and3A_1717 = arith.andi %add3A_1714, %and3A_1716 : vector<16xi32>
      %add3A_1718 = arith.constant 24 : i32
      %add3A_1719 = vector.broadcast %add3A_1718 : i32 to vector<16xi32>
      %add3A_1720 = arith.addi %add3A_1719, %and3A_1717 : vector<16xi32>
      %gather3A_1721 = tpu.vector_load_idx %arg5[%add3A_1413, %add3A_1720] : memref<256x128xf32, #tpu.memory_space<vmem>>[vector<16xi32>, vector<16xi32>], vector<16xf32>,
      %max3A_1722 = arith.maximumf %max3A_1711, %gather3A_1721 : vector<16xf32>
      %add3A_1723 = arith.constant 5 : i32
      %add3A_1724 = vector.broadcast %add3A_1723 : i32 to vector<16xi32>
      %add3A_1725 = arith.addi %add3A_1724, %iota3A : vector<16xi32>
      %and3A_1726 = arith.constant 7 : i32
      %and3A_1727 = vector.broadcast %and3A_1726 : i32 to vector<16xi32>
      %and3A_1728 = arith.andi %add3A_1725, %and3A_1727 : vector<16xi32>
      %add3A_1729 = arith.constant 24 : i32
      %add3A_1730 = vector.broadcast %add3A_1729 : i32 to vector<16xi32>
      %add3A_1731 = arith.addi %add3A_1730, %and3A_1728 : vector<16xi32>
      %gather3A_1732 = tpu.vector_load_idx %arg5[%add3A_1413, %add3A_1731] : memref<256x128xf32, #tpu.memory_space<vmem>>[vector<16xi32>, vector<16xi32>], vector<16xf32>,
      %max3A_1733 = arith.maximumf %max3A_1722, %gather3A_1732 : vector<16xf32>
      %add3A_1734 = arith.constant 6 : i32
      %add3A_1735 = vector.broadcast %add3A_1734 : i32 to vector<16xi32>
      %add3A_1736 = arith.addi %add3A_1735, %iota3A : vector<16xi32>
      %and3A_1737 = arith.constant 7 : i32
      %and3A_1738 = vector.broadcast %and3A_1737 : i32 to vector<16xi32>
      %and3A_1739 = arith.andi %add3A_1736, %and3A_1738 : vector<16xi32>
      %add3A_1740 = arith.constant 24 : i32
      %add3A_1741 = vector.broadcast %add3A_1740 : i32 to vector<16xi32>
      %add3A_1742 = arith.addi %add3A_1741, %and3A_1739 : vector<16xi32>
      %gather3A_1743 = tpu.vector_load_idx %arg5[%add3A_1413, %add3A_1742] : memref<256x128xf32, #tpu.memory_space<vmem>>[vector<16xi32>, vector<16xi32>], vector<16xf32>,
      %max3A_1744 = arith.maximumf %max3A_1733, %gather3A_1743 : vector<16xf32>
      %add3A_1745 = arith.constant 7 : i32
      %add3A_1746 = vector.broadcast %add3A_1745 : i32 to vector<16xi32>
      %add3A_1747 = arith.addi %add3A_1746, %iota3A : vector<16xi32>
      %and3A_1748 = arith.constant 7 : i32
      %and3A_1749 = vector.broadcast %and3A_1748 : i32 to vector<16xi32>
      %and3A_1750 = arith.andi %add3A_1747, %and3A_1749 : vector<16xi32>
      %add3A_1751 = arith.constant 24 : i32
      %add3A_1752 = vector.broadcast %add3A_1751 : i32 to vector<16xi32>
      %add3A_1753 = arith.addi %add3A_1752, %and3A_1750 : vector<16xi32>
      %gather3A_1754 = tpu.vector_load_idx %arg5[%add3A_1413, %add3A_1753] : memref<256x128xf32, #tpu.memory_space<vmem>>[vector<16xi32>, vector<16xi32>], vector<16xf32>,
      %max3A_1755 = arith.maximumf %max3A_1744, %gather3A_1754 : vector<16xf32>
      %mul3A_1756 = arith.mulf %broadcast_in_dim3A_14, %max3A_1755 : vector<16xf32>
      %add3A_1757 = arith.addf %add3A_1671, %mul3A_1756 : vector<16xf32>
      %and3A_1758 = arith.constant 7 : i32
      %and3A_1759 = vector.broadcast %and3A_1758 : i32 to vector<16xi32>
      %and3A_1760 = arith.andi %iota3A, %and3A_1759 : vector<16xi32>
      %add3A_1761 = arith.constant 32 : i32
      %add3A_1762 = vector.broadcast %add3A_1761 : i32 to vector<16xi32>
      %add3A_1763 = arith.addi %add3A_1762, %and3A_1760 : vector<16xi32>
      %gather3A_1764 = tpu.vector_load_idx %arg5[%add3A_1413, %add3A_1763] : memref<256x128xf32, #tpu.memory_space<vmem>>[vector<16xi32>, vector<16xi32>], vector<16xf32>,
      %add3A_1765 = arith.constant 1 : i32
      %add3A_1766 = vector.broadcast %add3A_1765 : i32 to vector<16xi32>
      %add3A_1767 = arith.addi %add3A_1766, %iota3A : vector<16xi32>
      %and3A_1768 = arith.constant 7 : i32
      %and3A_1769 = vector.broadcast %and3A_1768 : i32 to vector<16xi32>
      %and3A_1770 = arith.andi %add3A_1767, %and3A_1769 : vector<16xi32>
      %add3A_1771 = arith.constant 32 : i32
      %add3A_1772 = vector.broadcast %add3A_1771 : i32 to vector<16xi32>
      %add3A_1773 = arith.addi %add3A_1772, %and3A_1770 : vector<16xi32>
      %gather3A_1774 = tpu.vector_load_idx %arg5[%add3A_1413, %add3A_1773] : memref<256x128xf32, #tpu.memory_space<vmem>>[vector<16xi32>, vector<16xi32>], vector<16xf32>,
      %max3A_1775 = arith.maximumf %gather3A_1764, %gather3A_1774 : vector<16xf32>
      %add3A_1776 = arith.constant 2 : i32
      %add3A_1777 = vector.broadcast %add3A_1776 : i32 to vector<16xi32>
      %add3A_1778 = arith.addi %add3A_1777, %iota3A : vector<16xi32>
      %and3A_1779 = arith.constant 7 : i32
      %and3A_1780 = vector.broadcast %and3A_1779 : i32 to vector<16xi32>
      %and3A_1781 = arith.andi %add3A_1778, %and3A_1780 : vector<16xi32>
      %add3A_1782 = arith.constant 32 : i32
      %add3A_1783 = vector.broadcast %add3A_1782 : i32 to vector<16xi32>
      %add3A_1784 = arith.addi %add3A_1783, %and3A_1781 : vector<16xi32>
      %gather3A_1785 = tpu.vector_load_idx %arg5[%add3A_1413, %add3A_1784] : memref<256x128xf32, #tpu.memory_space<vmem>>[vector<16xi32>, vector<16xi32>], vector<16xf32>,
      %max3A_1786 = arith.maximumf %max3A_1775, %gather3A_1785 : vector<16xf32>
      %add3A_1787 = arith.constant 3 : i32
      %add3A_1788 = vector.broadcast %add3A_1787 : i32 to vector<16xi32>
      %add3A_1789 = arith.addi %add3A_1788, %iota3A : vector<16xi32>
      %and3A_1790 = arith.constant 7 : i32
      %and3A_1791 = vector.broadcast %and3A_1790 : i32 to vector<16xi32>
      %and3A_1792 = arith.andi %add3A_1789, %and3A_1791 : vector<16xi32>
      %add3A_1793 = arith.constant 32 : i32
      %add3A_1794 = vector.broadcast %add3A_1793 : i32 to vector<16xi32>
      %add3A_1795 = arith.addi %add3A_1794, %and3A_1792 : vector<16xi32>
      %gather3A_1796 = tpu.vector_load_idx %arg5[%add3A_1413, %add3A_1795] : memref<256x128xf32, #tpu.memory_space<vmem>>[vector<16xi32>, vector<16xi32>], vector<16xf32>,
      %max3A_1797 = arith.maximumf %max3A_1786, %gather3A_1796 : vector<16xf32>
      %add3A_1798 = arith.constant 4 : i32
      %add3A_1799 = vector.broadcast %add3A_1798 : i32 to vector<16xi32>
      %add3A_1800 = arith.addi %add3A_1799, %iota3A : vector<16xi32>
      %and3A_1801 = arith.constant 7 : i32
      %and3A_1802 = vector.broadcast %and3A_1801 : i32 to vector<16xi32>
      %and3A_1803 = arith.andi %add3A_1800, %and3A_1802 : vector<16xi32>
      %add3A_1804 = arith.constant 32 : i32
      %add3A_1805 = vector.broadcast %add3A_1804 : i32 to vector<16xi32>
      %add3A_1806 = arith.addi %add3A_1805, %and3A_1803 : vector<16xi32>
      %gather3A_1807 = tpu.vector_load_idx %arg5[%add3A_1413, %add3A_1806] : memref<256x128xf32, #tpu.memory_space<vmem>>[vector<16xi32>, vector<16xi32>], vector<16xf32>,
      %max3A_1808 = arith.maximumf %max3A_1797, %gather3A_1807 : vector<16xf32>
      %add3A_1809 = arith.constant 5 : i32
      %add3A_1810 = vector.broadcast %add3A_1809 : i32 to vector<16xi32>
      %add3A_1811 = arith.addi %add3A_1810, %iota3A : vector<16xi32>
      %and3A_1812 = arith.constant 7 : i32
      %and3A_1813 = vector.broadcast %and3A_1812 : i32 to vector<16xi32>
      %and3A_1814 = arith.andi %add3A_1811, %and3A_1813 : vector<16xi32>
      %add3A_1815 = arith.constant 32 : i32
      %add3A_1816 = vector.broadcast %add3A_1815 : i32 to vector<16xi32>
      %add3A_1817 = arith.addi %add3A_1816, %and3A_1814 : vector<16xi32>
      %gather3A_1818 = tpu.vector_load_idx %arg5[%add3A_1413, %add3A_1817] : memref<256x128xf32, #tpu.memory_space<vmem>>[vector<16xi32>, vector<16xi32>], vector<16xf32>,
      %max3A_1819 = arith.maximumf %max3A_1808, %gather3A_1818 : vector<16xf32>
      %add3A_1820 = arith.constant 6 : i32
      %add3A_1821 = vector.broadcast %add3A_1820 : i32 to vector<16xi32>
      %add3A_1822 = arith.addi %add3A_1821, %iota3A : vector<16xi32>
      %and3A_1823 = arith.constant 7 : i32
      %and3A_1824 = vector.broadcast %and3A_1823 : i32 to vector<16xi32>
      %and3A_1825 = arith.andi %add3A_1822, %and3A_1824 : vector<16xi32>
      %add3A_1826 = arith.constant 32 : i32
      %add3A_1827 = vector.broadcast %add3A_1826 : i32 to vector<16xi32>
      %add3A_1828 = arith.addi %add3A_1827, %and3A_1825 : vector<16xi32>
      %gather3A_1829 = tpu.vector_load_idx %arg5[%add3A_1413, %add3A_1828] : memref<256x128xf32, #tpu.memory_space<vmem>>[vector<16xi32>, vector<16xi32>], vector<16xf32>,
      %max3A_1830 = arith.maximumf %max3A_1819, %gather3A_1829 : vector<16xf32>
      %add3A_1831 = arith.constant 7 : i32
      %add3A_1832 = vector.broadcast %add3A_1831 : i32 to vector<16xi32>
      %add3A_1833 = arith.addi %add3A_1832, %iota3A : vector<16xi32>
      %and3A_1834 = arith.constant 7 : i32
      %and3A_1835 = vector.broadcast %and3A_1834 : i32 to vector<16xi32>
      %and3A_1836 = arith.andi %add3A_1833, %and3A_1835 : vector<16xi32>
      %add3A_1837 = arith.constant 32 : i32
      %add3A_1838 = vector.broadcast %add3A_1837 : i32 to vector<16xi32>
      %add3A_1839 = arith.addi %add3A_1838, %and3A_1836 : vector<16xi32>
      %gather3A_1840 = tpu.vector_load_idx %arg5[%add3A_1413, %add3A_1839] : memref<256x128xf32, #tpu.memory_space<vmem>>[vector<16xi32>, vector<16xi32>], vector<16xf32>,
      %max3A_1841 = arith.maximumf %max3A_1830, %gather3A_1840 : vector<16xf32>
      %mul3A_1842 = arith.mulf %broadcast_in_dim3A_17, %max3A_1841 : vector<16xf32>
      %add3A_1843 = arith.addf %add3A_1757, %mul3A_1842 : vector<16xf32>
      %and3A_1844 = arith.constant 7 : i32
      %and3A_1845 = vector.broadcast %and3A_1844 : i32 to vector<16xi32>
      %and3A_1846 = arith.andi %iota3A, %and3A_1845 : vector<16xi32>
      %add3A_1847 = arith.constant 40 : i32
      %add3A_1848 = vector.broadcast %add3A_1847 : i32 to vector<16xi32>
      %add3A_1849 = arith.addi %add3A_1848, %and3A_1846 : vector<16xi32>
      %gather3A_1850 = tpu.vector_load_idx %arg5[%add3A_1413, %add3A_1849] : memref<256x128xf32, #tpu.memory_space<vmem>>[vector<16xi32>, vector<16xi32>], vector<16xf32>,
      %add3A_1851 = arith.constant 1 : i32
      %add3A_1852 = vector.broadcast %add3A_1851 : i32 to vector<16xi32>
      %add3A_1853 = arith.addi %add3A_1852, %iota3A : vector<16xi32>
      %and3A_1854 = arith.constant 7 : i32
      %and3A_1855 = vector.broadcast %and3A_1854 : i32 to vector<16xi32>
      %and3A_1856 = arith.andi %add3A_1853, %and3A_1855 : vector<16xi32>
      %add3A_1857 = arith.constant 40 : i32
      %add3A_1858 = vector.broadcast %add3A_1857 : i32 to vector<16xi32>
      %add3A_1859 = arith.addi %add3A_1858, %and3A_1856 : vector<16xi32>
      %gather3A_1860 = tpu.vector_load_idx %arg5[%add3A_1413, %add3A_1859] : memref<256x128xf32, #tpu.memory_space<vmem>>[vector<16xi32>, vector<16xi32>], vector<16xf32>,
      %max3A_1861 = arith.maximumf %gather3A_1850, %gather3A_1860 : vector<16xf32>
      %add3A_1862 = arith.constant 2 : i32
      %add3A_1863 = vector.broadcast %add3A_1862 : i32 to vector<16xi32>
      %add3A_1864 = arith.addi %add3A_1863, %iota3A : vector<16xi32>
      %and3A_1865 = arith.constant 7 : i32
      %and3A_1866 = vector.broadcast %and3A_1865 : i32 to vector<16xi32>
      %and3A_1867 = arith.andi %add3A_1864, %and3A_1866 : vector<16xi32>
      %add3A_1868 = arith.constant 40 : i32
      %add3A_1869 = vector.broadcast %add3A_1868 : i32 to vector<16xi32>
      %add3A_1870 = arith.addi %add3A_1869, %and3A_1867 : vector<16xi32>
      %gather3A_1871 = tpu.vector_load_idx %arg5[%add3A_1413, %add3A_1870] : memref<256x128xf32, #tpu.memory_space<vmem>>[vector<16xi32>, vector<16xi32>], vector<16xf32>,
      %max3A_1872 = arith.maximumf %max3A_1861, %gather3A_1871 : vector<16xf32>
      %add3A_1873 = arith.constant 3 : i32
      %add3A_1874 = vector.broadcast %add3A_1873 : i32 to vector<16xi32>
      %add3A_1875 = arith.addi %add3A_1874, %iota3A : vector<16xi32>
      %and3A_1876 = arith.constant 7 : i32
      %and3A_1877 = vector.broadcast %and3A_1876 : i32 to vector<16xi32>
      %and3A_1878 = arith.andi %add3A_1875, %and3A_1877 : vector<16xi32>
      %add3A_1879 = arith.constant 40 : i32
      %add3A_1880 = vector.broadcast %add3A_1879 : i32 to vector<16xi32>
      %add3A_1881 = arith.addi %add3A_1880, %and3A_1878 : vector<16xi32>
      %gather3A_1882 = tpu.vector_load_idx %arg5[%add3A_1413, %add3A_1881] : memref<256x128xf32, #tpu.memory_space<vmem>>[vector<16xi32>, vector<16xi32>], vector<16xf32>,
      %max3A_1883 = arith.maximumf %max3A_1872, %gather3A_1882 : vector<16xf32>
      %add3A_1884 = arith.constant 4 : i32
      %add3A_1885 = vector.broadcast %add3A_1884 : i32 to vector<16xi32>
      %add3A_1886 = arith.addi %add3A_1885, %iota3A : vector<16xi32>
      %and3A_1887 = arith.constant 7 : i32
      %and3A_1888 = vector.broadcast %and3A_1887 : i32 to vector<16xi32>
      %and3A_1889 = arith.andi %add3A_1886, %and3A_1888 : vector<16xi32>
      %add3A_1890 = arith.constant 40 : i32
      %add3A_1891 = vector.broadcast %add3A_1890 : i32 to vector<16xi32>
      %add3A_1892 = arith.addi %add3A_1891, %and3A_1889 : vector<16xi32>
      %gather3A_1893 = tpu.vector_load_idx %arg5[%add3A_1413, %add3A_1892] : memref<256x128xf32, #tpu.memory_space<vmem>>[vector<16xi32>, vector<16xi32>], vector<16xf32>,
      %max3A_1894 = arith.maximumf %max3A_1883, %gather3A_1893 : vector<16xf32>
      %add3A_1895 = arith.constant 5 : i32
      %add3A_1896 = vector.broadcast %add3A_1895 : i32 to vector<16xi32>
      %add3A_1897 = arith.addi %add3A_1896, %iota3A : vector<16xi32>
      %and3A_1898 = arith.constant 7 : i32
      %and3A_1899 = vector.broadcast %and3A_1898 : i32 to vector<16xi32>
      %and3A_1900 = arith.andi %add3A_1897, %and3A_1899 : vector<16xi32>
      %add3A_1901 = arith.constant 40 : i32
      %add3A_1902 = vector.broadcast %add3A_1901 : i32 to vector<16xi32>
      %add3A_1903 = arith.addi %add3A_1902, %and3A_1900 : vector<16xi32>
      %gather3A_1904 = tpu.vector_load_idx %arg5[%add3A_1413, %add3A_1903] : memref<256x128xf32, #tpu.memory_space<vmem>>[vector<16xi32>, vector<16xi32>], vector<16xf32>,
      %max3A_1905 = arith.maximumf %max3A_1894, %gather3A_1904 : vector<16xf32>
      %add3A_1906 = arith.constant 6 : i32
      %add3A_1907 = vector.broadcast %add3A_1906 : i32 to vector<16xi32>
      %add3A_1908 = arith.addi %add3A_1907, %iota3A : vector<16xi32>
      %and3A_1909 = arith.constant 7 : i32
      %and3A_1910 = vector.broadcast %and3A_1909 : i32 to vector<16xi32>
      %and3A_1911 = arith.andi %add3A_1908, %and3A_1910 : vector<16xi32>
      %add3A_1912 = arith.constant 40 : i32
      %add3A_1913 = vector.broadcast %add3A_1912 : i32 to vector<16xi32>
      %add3A_1914 = arith.addi %add3A_1913, %and3A_1911 : vector<16xi32>
      %gather3A_1915 = tpu.vector_load_idx %arg5[%add3A_1413, %add3A_1914] : memref<256x128xf32, #tpu.memory_space<vmem>>[vector<16xi32>, vector<16xi32>], vector<16xf32>,
      %max3A_1916 = arith.maximumf %max3A_1905, %gather3A_1915 : vector<16xf32>
      %add3A_1917 = arith.constant 7 : i32
      %add3A_1918 = vector.broadcast %add3A_1917 : i32 to vector<16xi32>
      %add3A_1919 = arith.addi %add3A_1918, %iota3A : vector<16xi32>
      %and3A_1920 = arith.constant 7 : i32
      %and3A_1921 = vector.broadcast %and3A_1920 : i32 to vector<16xi32>
      %and3A_1922 = arith.andi %add3A_1919, %and3A_1921 : vector<16xi32>
      %add3A_1923 = arith.constant 40 : i32
      %add3A_1924 = vector.broadcast %add3A_1923 : i32 to vector<16xi32>
      %add3A_1925 = arith.addi %add3A_1924, %and3A_1922 : vector<16xi32>
      %gather3A_1926 = tpu.vector_load_idx %arg5[%add3A_1413, %add3A_1925] : memref<256x128xf32, #tpu.memory_space<vmem>>[vector<16xi32>, vector<16xi32>], vector<16xf32>,
      %max3A_1927 = arith.maximumf %max3A_1916, %gather3A_1926 : vector<16xf32>
      %mul3A_1928 = arith.mulf %broadcast_in_dim3A_20, %max3A_1927 : vector<16xf32>
      %add3A_1929 = arith.addf %add3A_1843, %mul3A_1928 : vector<16xf32>
      %and3A_1930 = arith.constant 7 : i32
      %and3A_1931 = vector.broadcast %and3A_1930 : i32 to vector<16xi32>
      %and3A_1932 = arith.andi %iota3A, %and3A_1931 : vector<16xi32>
      %add3A_1933 = arith.constant 48 : i32
      %add3A_1934 = vector.broadcast %add3A_1933 : i32 to vector<16xi32>
      %add3A_1935 = arith.addi %add3A_1934, %and3A_1932 : vector<16xi32>
      %gather3A_1936 = tpu.vector_load_idx %arg5[%add3A_1413, %add3A_1935] : memref<256x128xf32, #tpu.memory_space<vmem>>[vector<16xi32>, vector<16xi32>], vector<16xf32>,
      %add3A_1937 = arith.constant 1 : i32
      %add3A_1938 = vector.broadcast %add3A_1937 : i32 to vector<16xi32>
      %add3A_1939 = arith.addi %add3A_1938, %iota3A : vector<16xi32>
      %and3A_1940 = arith.constant 7 : i32
      %and3A_1941 = vector.broadcast %and3A_1940 : i32 to vector<16xi32>
      %and3A_1942 = arith.andi %add3A_1939, %and3A_1941 : vector<16xi32>
      %add3A_1943 = arith.constant 48 : i32
      %add3A_1944 = vector.broadcast %add3A_1943 : i32 to vector<16xi32>
      %add3A_1945 = arith.addi %add3A_1944, %and3A_1942 : vector<16xi32>
      %gather3A_1946 = tpu.vector_load_idx %arg5[%add3A_1413, %add3A_1945] : memref<256x128xf32, #tpu.memory_space<vmem>>[vector<16xi32>, vector<16xi32>], vector<16xf32>,
      %max3A_1947 = arith.maximumf %gather3A_1936, %gather3A_1946 : vector<16xf32>
      %add3A_1948 = arith.constant 2 : i32
      %add3A_1949 = vector.broadcast %add3A_1948 : i32 to vector<16xi32>
      %add3A_1950 = arith.addi %add3A_1949, %iota3A : vector<16xi32>
      %and3A_1951 = arith.constant 7 : i32
      %and3A_1952 = vector.broadcast %and3A_1951 : i32 to vector<16xi32>
      %and3A_1953 = arith.andi %add3A_1950, %and3A_1952 : vector<16xi32>
      %add3A_1954 = arith.constant 48 : i32
      %add3A_1955 = vector.broadcast %add3A_1954 : i32 to vector<16xi32>
      %add3A_1956 = arith.addi %add3A_1955, %and3A_1953 : vector<16xi32>
      %gather3A_1957 = tpu.vector_load_idx %arg5[%add3A_1413, %add3A_1956] : memref<256x128xf32, #tpu.memory_space<vmem>>[vector<16xi32>, vector<16xi32>], vector<16xf32>,
      %max3A_1958 = arith.maximumf %max3A_1947, %gather3A_1957 : vector<16xf32>
      %add3A_1959 = arith.constant 3 : i32
      %add3A_1960 = vector.broadcast %add3A_1959 : i32 to vector<16xi32>
      %add3A_1961 = arith.addi %add3A_1960, %iota3A : vector<16xi32>
      %and3A_1962 = arith.constant 7 : i32
      %and3A_1963 = vector.broadcast %and3A_1962 : i32 to vector<16xi32>
      %and3A_1964 = arith.andi %add3A_1961, %and3A_1963 : vector<16xi32>
      %add3A_1965 = arith.constant 48 : i32
      %add3A_1966 = vector.broadcast %add3A_1965 : i32 to vector<16xi32>
      %add3A_1967 = arith.addi %add3A_1966, %and3A_1964 : vector<16xi32>
      %gather3A_1968 = tpu.vector_load_idx %arg5[%add3A_1413, %add3A_1967] : memref<256x128xf32, #tpu.memory_space<vmem>>[vector<16xi32>, vector<16xi32>], vector<16xf32>,
      %max3A_1969 = arith.maximumf %max3A_1958, %gather3A_1968 : vector<16xf32>
      %add3A_1970 = arith.constant 4 : i32
      %add3A_1971 = vector.broadcast %add3A_1970 : i32 to vector<16xi32>
      %add3A_1972 = arith.addi %add3A_1971, %iota3A : vector<16xi32>
      %and3A_1973 = arith.constant 7 : i32
      %and3A_1974 = vector.broadcast %and3A_1973 : i32 to vector<16xi32>
      %and3A_1975 = arith.andi %add3A_1972, %and3A_1974 : vector<16xi32>
      %add3A_1976 = arith.constant 48 : i32
      %add3A_1977 = vector.broadcast %add3A_1976 : i32 to vector<16xi32>
      %add3A_1978 = arith.addi %add3A_1977, %and3A_1975 : vector<16xi32>
      %gather3A_1979 = tpu.vector_load_idx %arg5[%add3A_1413, %add3A_1978] : memref<256x128xf32, #tpu.memory_space<vmem>>[vector<16xi32>, vector<16xi32>], vector<16xf32>,
      %max3A_1980 = arith.maximumf %max3A_1969, %gather3A_1979 : vector<16xf32>
      %add3A_1981 = arith.constant 5 : i32
      %add3A_1982 = vector.broadcast %add3A_1981 : i32 to vector<16xi32>
      %add3A_1983 = arith.addi %add3A_1982, %iota3A : vector<16xi32>
      %and3A_1984 = arith.constant 7 : i32
      %and3A_1985 = vector.broadcast %and3A_1984 : i32 to vector<16xi32>
      %and3A_1986 = arith.andi %add3A_1983, %and3A_1985 : vector<16xi32>
      %add3A_1987 = arith.constant 48 : i32
      %add3A_1988 = vector.broadcast %add3A_1987 : i32 to vector<16xi32>
      %add3A_1989 = arith.addi %add3A_1988, %and3A_1986 : vector<16xi32>
      %gather3A_1990 = tpu.vector_load_idx %arg5[%add3A_1413, %add3A_1989] : memref<256x128xf32, #tpu.memory_space<vmem>>[vector<16xi32>, vector<16xi32>], vector<16xf32>,
      %max3A_1991 = arith.maximumf %max3A_1980, %gather3A_1990 : vector<16xf32>
      %add3A_1992 = arith.constant 6 : i32
      %add3A_1993 = vector.broadcast %add3A_1992 : i32 to vector<16xi32>
      %add3A_1994 = arith.addi %add3A_1993, %iota3A : vector<16xi32>
      %and3A_1995 = arith.constant 7 : i32
      %and3A_1996 = vector.broadcast %and3A_1995 : i32 to vector<16xi32>
      %and3A_1997 = arith.andi %add3A_1994, %and3A_1996 : vector<16xi32>
      %add3A_1998 = arith.constant 48 : i32
      %add3A_1999 = vector.broadcast %add3A_1998 : i32 to vector<16xi32>
      %add3A_2000 = arith.addi %add3A_1999, %and3A_1997 : vector<16xi32>
      %gather3A_2001 = tpu.vector_load_idx %arg5[%add3A_1413, %add3A_2000] : memref<256x128xf32, #tpu.memory_space<vmem>>[vector<16xi32>, vector<16xi32>], vector<16xf32>,
      %max3A_2002 = arith.maximumf %max3A_1991, %gather3A_2001 : vector<16xf32>
      %add3A_2003 = arith.constant 7 : i32
      %add3A_2004 = vector.broadcast %add3A_2003 : i32 to vector<16xi32>
      %add3A_2005 = arith.addi %add3A_2004, %iota3A : vector<16xi32>
      %and3A_2006 = arith.constant 7 : i32
      %and3A_2007 = vector.broadcast %and3A_2006 : i32 to vector<16xi32>
      %and3A_2008 = arith.andi %add3A_2005, %and3A_2007 : vector<16xi32>
      %add3A_2009 = arith.constant 48 : i32
      %add3A_2010 = vector.broadcast %add3A_2009 : i32 to vector<16xi32>
      %add3A_2011 = arith.addi %add3A_2010, %and3A_2008 : vector<16xi32>
      %gather3A_2012 = tpu.vector_load_idx %arg5[%add3A_1413, %add3A_2011] : memref<256x128xf32, #tpu.memory_space<vmem>>[vector<16xi32>, vector<16xi32>], vector<16xf32>,
      %max3A_2013 = arith.maximumf %max3A_2002, %gather3A_2012 : vector<16xf32>
      %mul3A_2014 = arith.mulf %broadcast_in_dim3A_23, %max3A_2013 : vector<16xf32>
      %add3A_2015 = arith.addf %add3A_1929, %mul3A_2014 : vector<16xf32>
      %and3A_2016 = arith.constant 7 : i32
      %and3A_2017 = vector.broadcast %and3A_2016 : i32 to vector<16xi32>
      %and3A_2018 = arith.andi %iota3A, %and3A_2017 : vector<16xi32>
      %add3A_2019 = arith.constant 56 : i32
      %add3A_2020 = vector.broadcast %add3A_2019 : i32 to vector<16xi32>
      %add3A_2021 = arith.addi %add3A_2020, %and3A_2018 : vector<16xi32>
      %gather3A_2022 = tpu.vector_load_idx %arg5[%add3A_1413, %add3A_2021] : memref<256x128xf32, #tpu.memory_space<vmem>>[vector<16xi32>, vector<16xi32>], vector<16xf32>,
      %add3A_2023 = arith.constant 1 : i32
      %add3A_2024 = vector.broadcast %add3A_2023 : i32 to vector<16xi32>
      %add3A_2025 = arith.addi %add3A_2024, %iota3A : vector<16xi32>
      %and3A_2026 = arith.constant 7 : i32
      %and3A_2027 = vector.broadcast %and3A_2026 : i32 to vector<16xi32>
      %and3A_2028 = arith.andi %add3A_2025, %and3A_2027 : vector<16xi32>
      %add3A_2029 = arith.constant 56 : i32
      %add3A_2030 = vector.broadcast %add3A_2029 : i32 to vector<16xi32>
      %add3A_2031 = arith.addi %add3A_2030, %and3A_2028 : vector<16xi32>
      %gather3A_2032 = tpu.vector_load_idx %arg5[%add3A_1413, %add3A_2031] : memref<256x128xf32, #tpu.memory_space<vmem>>[vector<16xi32>, vector<16xi32>], vector<16xf32>,
      %max3A_2033 = arith.maximumf %gather3A_2022, %gather3A_2032 : vector<16xf32>
      %add3A_2034 = arith.constant 2 : i32
      %add3A_2035 = vector.broadcast %add3A_2034 : i32 to vector<16xi32>
      %add3A_2036 = arith.addi %add3A_2035, %iota3A : vector<16xi32>
      %and3A_2037 = arith.constant 7 : i32
      %and3A_2038 = vector.broadcast %and3A_2037 : i32 to vector<16xi32>
      %and3A_2039 = arith.andi %add3A_2036, %and3A_2038 : vector<16xi32>
      %add3A_2040 = arith.constant 56 : i32
      %add3A_2041 = vector.broadcast %add3A_2040 : i32 to vector<16xi32>
      %add3A_2042 = arith.addi %add3A_2041, %and3A_2039 : vector<16xi32>
      %gather3A_2043 = tpu.vector_load_idx %arg5[%add3A_1413, %add3A_2042] : memref<256x128xf32, #tpu.memory_space<vmem>>[vector<16xi32>, vector<16xi32>], vector<16xf32>,
      %max3A_2044 = arith.maximumf %max3A_2033, %gather3A_2043 : vector<16xf32>
      %add3A_2045 = arith.constant 3 : i32
      %add3A_2046 = vector.broadcast %add3A_2045 : i32 to vector<16xi32>
      %add3A_2047 = arith.addi %add3A_2046, %iota3A : vector<16xi32>
      %and3A_2048 = arith.constant 7 : i32
      %and3A_2049 = vector.broadcast %and3A_2048 : i32 to vector<16xi32>
      %and3A_2050 = arith.andi %add3A_2047, %and3A_2049 : vector<16xi32>
      %add3A_2051 = arith.constant 56 : i32
      %add3A_2052 = vector.broadcast %add3A_2051 : i32 to vector<16xi32>
      %add3A_2053 = arith.addi %add3A_2052, %and3A_2050 : vector<16xi32>
      %gather3A_2054 = tpu.vector_load_idx %arg5[%add3A_1413, %add3A_2053] : memref<256x128xf32, #tpu.memory_space<vmem>>[vector<16xi32>, vector<16xi32>], vector<16xf32>,
      %max3A_2055 = arith.maximumf %max3A_2044, %gather3A_2054 : vector<16xf32>
      %add3A_2056 = arith.constant 4 : i32
      %add3A_2057 = vector.broadcast %add3A_2056 : i32 to vector<16xi32>
      %add3A_2058 = arith.addi %add3A_2057, %iota3A : vector<16xi32>
      %and3A_2059 = arith.constant 7 : i32
      %and3A_2060 = vector.broadcast %and3A_2059 : i32 to vector<16xi32>
      %and3A_2061 = arith.andi %add3A_2058, %and3A_2060 : vector<16xi32>
      %add3A_2062 = arith.constant 56 : i32
      %add3A_2063 = vector.broadcast %add3A_2062 : i32 to vector<16xi32>
      %add3A_2064 = arith.addi %add3A_2063, %and3A_2061 : vector<16xi32>
      %gather3A_2065 = tpu.vector_load_idx %arg5[%add3A_1413, %add3A_2064] : memref<256x128xf32, #tpu.memory_space<vmem>>[vector<16xi32>, vector<16xi32>], vector<16xf32>,
      %max3A_2066 = arith.maximumf %max3A_2055, %gather3A_2065 : vector<16xf32>
      %add3A_2067 = arith.constant 5 : i32
      %add3A_2068 = vector.broadcast %add3A_2067 : i32 to vector<16xi32>
      %add3A_2069 = arith.addi %add3A_2068, %iota3A : vector<16xi32>
      %and3A_2070 = arith.constant 7 : i32
      %and3A_2071 = vector.broadcast %and3A_2070 : i32 to vector<16xi32>
      %and3A_2072 = arith.andi %add3A_2069, %and3A_2071 : vector<16xi32>
      %add3A_2073 = arith.constant 56 : i32
      %add3A_2074 = vector.broadcast %add3A_2073 : i32 to vector<16xi32>
      %add3A_2075 = arith.addi %add3A_2074, %and3A_2072 : vector<16xi32>
      %gather3A_2076 = tpu.vector_load_idx %arg5[%add3A_1413, %add3A_2075] : memref<256x128xf32, #tpu.memory_space<vmem>>[vector<16xi32>, vector<16xi32>], vector<16xf32>,
      %max3A_2077 = arith.maximumf %max3A_2066, %gather3A_2076 : vector<16xf32>
      %add3A_2078 = arith.constant 6 : i32
      %add3A_2079 = vector.broadcast %add3A_2078 : i32 to vector<16xi32>
      %add3A_2080 = arith.addi %add3A_2079, %iota3A : vector<16xi32>
      %and3A_2081 = arith.constant 7 : i32
      %and3A_2082 = vector.broadcast %and3A_2081 : i32 to vector<16xi32>
      %and3A_2083 = arith.andi %add3A_2080, %and3A_2082 : vector<16xi32>
      %add3A_2084 = arith.constant 56 : i32
      %add3A_2085 = vector.broadcast %add3A_2084 : i32 to vector<16xi32>
      %add3A_2086 = arith.addi %add3A_2085, %and3A_2083 : vector<16xi32>
      %gather3A_2087 = tpu.vector_load_idx %arg5[%add3A_1413, %add3A_2086] : memref<256x128xf32, #tpu.memory_space<vmem>>[vector<16xi32>, vector<16xi32>], vector<16xf32>,
      %max3A_2088 = arith.maximumf %max3A_2077, %gather3A_2087 : vector<16xf32>
      %add3A_2089 = arith.constant 7 : i32
      %add3A_2090 = vector.broadcast %add3A_2089 : i32 to vector<16xi32>
      %add3A_2091 = arith.addi %add3A_2090, %iota3A : vector<16xi32>
      %and3A_2092 = arith.constant 7 : i32
      %and3A_2093 = vector.broadcast %and3A_2092 : i32 to vector<16xi32>
      %and3A_2094 = arith.andi %add3A_2091, %and3A_2093 : vector<16xi32>
      %add3A_2095 = arith.constant 56 : i32
      %add3A_2096 = vector.broadcast %add3A_2095 : i32 to vector<16xi32>
      %add3A_2097 = arith.addi %add3A_2096, %and3A_2094 : vector<16xi32>
      %gather3A_2098 = tpu.vector_load_idx %arg5[%add3A_1413, %add3A_2097] : memref<256x128xf32, #tpu.memory_space<vmem>>[vector<16xi32>, vector<16xi32>], vector<16xf32>,
      %max3A_2099 = arith.maximumf %max3A_2088, %gather3A_2098 : vector<16xf32>
      %mul3A_2100 = arith.mulf %broadcast_in_dim3A_26, %max3A_2099 : vector<16xf32>
      %add3A_2101 = arith.addf %add3A_2015, %mul3A_2100 : vector<16xf32>
      %and3A_2102 = arith.constant 7 : i32
      %and3A_2103 = vector.broadcast %and3A_2102 : i32 to vector<16xi32>
      %and3A_2104 = arith.andi %iota3A, %and3A_2103 : vector<16xi32>
      %add3A_2105 = arith.constant 64 : i32
      %add3A_2106 = vector.broadcast %add3A_2105 : i32 to vector<16xi32>
      %add3A_2107 = arith.addi %add3A_2106, %and3A_2104 : vector<16xi32>
      %gather3A_2108 = tpu.vector_load_idx %arg5[%add3A_1413, %add3A_2107] : memref<256x128xf32, #tpu.memory_space<vmem>>[vector<16xi32>, vector<16xi32>], vector<16xf32>,
      %add3A_2109 = arith.constant 1 : i32
      %add3A_2110 = vector.broadcast %add3A_2109 : i32 to vector<16xi32>
      %add3A_2111 = arith.addi %add3A_2110, %iota3A : vector<16xi32>
      %and3A_2112 = arith.constant 7 : i32
      %and3A_2113 = vector.broadcast %and3A_2112 : i32 to vector<16xi32>
      %and3A_2114 = arith.andi %add3A_2111, %and3A_2113 : vector<16xi32>
      %add3A_2115 = arith.constant 64 : i32
      %add3A_2116 = vector.broadcast %add3A_2115 : i32 to vector<16xi32>
      %add3A_2117 = arith.addi %add3A_2116, %and3A_2114 : vector<16xi32>
      %gather3A_2118 = tpu.vector_load_idx %arg5[%add3A_1413, %add3A_2117] : memref<256x128xf32, #tpu.memory_space<vmem>>[vector<16xi32>, vector<16xi32>], vector<16xf32>,
      %max3A_2119 = arith.maximumf %gather3A_2108, %gather3A_2118 : vector<16xf32>
      %add3A_2120 = arith.constant 2 : i32
      %add3A_2121 = vector.broadcast %add3A_2120 : i32 to vector<16xi32>
      %add3A_2122 = arith.addi %add3A_2121, %iota3A : vector<16xi32>
      %and3A_2123 = arith.constant 7 : i32
      %and3A_2124 = vector.broadcast %and3A_2123 : i32 to vector<16xi32>
      %and3A_2125 = arith.andi %add3A_2122, %and3A_2124 : vector<16xi32>
      %add3A_2126 = arith.constant 64 : i32
      %add3A_2127 = vector.broadcast %add3A_2126 : i32 to vector<16xi32>
      %add3A_2128 = arith.addi %add3A_2127, %and3A_2125 : vector<16xi32>
      %gather3A_2129 = tpu.vector_load_idx %arg5[%add3A_1413, %add3A_2128] : memref<256x128xf32, #tpu.memory_space<vmem>>[vector<16xi32>, vector<16xi32>], vector<16xf32>,
      %max3A_2130 = arith.maximumf %max3A_2119, %gather3A_2129 : vector<16xf32>
      %add3A_2131 = arith.constant 3 : i32
      %add3A_2132 = vector.broadcast %add3A_2131 : i32 to vector<16xi32>
      %add3A_2133 = arith.addi %add3A_2132, %iota3A : vector<16xi32>
      %and3A_2134 = arith.constant 7 : i32
      %and3A_2135 = vector.broadcast %and3A_2134 : i32 to vector<16xi32>
      %and3A_2136 = arith.andi %add3A_2133, %and3A_2135 : vector<16xi32>
      %add3A_2137 = arith.constant 64 : i32
      %add3A_2138 = vector.broadcast %add3A_2137 : i32 to vector<16xi32>
      %add3A_2139 = arith.addi %add3A_2138, %and3A_2136 : vector<16xi32>
      %gather3A_2140 = tpu.vector_load_idx %arg5[%add3A_1413, %add3A_2139] : memref<256x128xf32, #tpu.memory_space<vmem>>[vector<16xi32>, vector<16xi32>], vector<16xf32>,
      %max3A_2141 = arith.maximumf %max3A_2130, %gather3A_2140 : vector<16xf32>
      %add3A_2142 = arith.constant 4 : i32
      %add3A_2143 = vector.broadcast %add3A_2142 : i32 to vector<16xi32>
      %add3A_2144 = arith.addi %add3A_2143, %iota3A : vector<16xi32>
      %and3A_2145 = arith.constant 7 : i32
      %and3A_2146 = vector.broadcast %and3A_2145 : i32 to vector<16xi32>
      %and3A_2147 = arith.andi %add3A_2144, %and3A_2146 : vector<16xi32>
      %add3A_2148 = arith.constant 64 : i32
      %add3A_2149 = vector.broadcast %add3A_2148 : i32 to vector<16xi32>
      %add3A_2150 = arith.addi %add3A_2149, %and3A_2147 : vector<16xi32>
      %gather3A_2151 = tpu.vector_load_idx %arg5[%add3A_1413, %add3A_2150] : memref<256x128xf32, #tpu.memory_space<vmem>>[vector<16xi32>, vector<16xi32>], vector<16xf32>,
      %max3A_2152 = arith.maximumf %max3A_2141, %gather3A_2151 : vector<16xf32>
      %add3A_2153 = arith.constant 5 : i32
      %add3A_2154 = vector.broadcast %add3A_2153 : i32 to vector<16xi32>
      %add3A_2155 = arith.addi %add3A_2154, %iota3A : vector<16xi32>
      %and3A_2156 = arith.constant 7 : i32
      %and3A_2157 = vector.broadcast %and3A_2156 : i32 to vector<16xi32>
      %and3A_2158 = arith.andi %add3A_2155, %and3A_2157 : vector<16xi32>
      %add3A_2159 = arith.constant 64 : i32
      %add3A_2160 = vector.broadcast %add3A_2159 : i32 to vector<16xi32>
      %add3A_2161 = arith.addi %add3A_2160, %and3A_2158 : vector<16xi32>
      %gather3A_2162 = tpu.vector_load_idx %arg5[%add3A_1413, %add3A_2161] : memref<256x128xf32, #tpu.memory_space<vmem>>[vector<16xi32>, vector<16xi32>], vector<16xf32>,
      %max3A_2163 = arith.maximumf %max3A_2152, %gather3A_2162 : vector<16xf32>
      %add3A_2164 = arith.constant 6 : i32
      %add3A_2165 = vector.broadcast %add3A_2164 : i32 to vector<16xi32>
      %add3A_2166 = arith.addi %add3A_2165, %iota3A : vector<16xi32>
      %and3A_2167 = arith.constant 7 : i32
      %and3A_2168 = vector.broadcast %and3A_2167 : i32 to vector<16xi32>
      %and3A_2169 = arith.andi %add3A_2166, %and3A_2168 : vector<16xi32>
      %add3A_2170 = arith.constant 64 : i32
      %add3A_2171 = vector.broadcast %add3A_2170 : i32 to vector<16xi32>
      %add3A_2172 = arith.addi %add3A_2171, %and3A_2169 : vector<16xi32>
      %gather3A_2173 = tpu.vector_load_idx %arg5[%add3A_1413, %add3A_2172] : memref<256x128xf32, #tpu.memory_space<vmem>>[vector<16xi32>, vector<16xi32>], vector<16xf32>,
      %max3A_2174 = arith.maximumf %max3A_2163, %gather3A_2173 : vector<16xf32>
      %add3A_2175 = arith.constant 7 : i32
      %add3A_2176 = vector.broadcast %add3A_2175 : i32 to vector<16xi32>
      %add3A_2177 = arith.addi %add3A_2176, %iota3A : vector<16xi32>
      %and3A_2178 = arith.constant 7 : i32
      %and3A_2179 = vector.broadcast %and3A_2178 : i32 to vector<16xi32>
      %and3A_2180 = arith.andi %add3A_2177, %and3A_2179 : vector<16xi32>
      %add3A_2181 = arith.constant 64 : i32
      %add3A_2182 = vector.broadcast %add3A_2181 : i32 to vector<16xi32>
      %add3A_2183 = arith.addi %add3A_2182, %and3A_2180 : vector<16xi32>
      %gather3A_2184 = tpu.vector_load_idx %arg5[%add3A_1413, %add3A_2183] : memref<256x128xf32, #tpu.memory_space<vmem>>[vector<16xi32>, vector<16xi32>], vector<16xf32>,
      %max3A_2185 = arith.maximumf %max3A_2174, %gather3A_2184 : vector<16xf32>
      %mul3A_2186 = arith.mulf %broadcast_in_dim3A_29, %max3A_2185 : vector<16xf32>
      %add3A_2187 = arith.addf %add3A_2101, %mul3A_2186 : vector<16xf32>
      %and3A_2188 = arith.constant 7 : i32
      %and3A_2189 = vector.broadcast %and3A_2188 : i32 to vector<16xi32>
      %and3A_2190 = arith.andi %iota3A, %and3A_2189 : vector<16xi32>
      %add3A_2191 = arith.constant 72 : i32
      %add3A_2192 = vector.broadcast %add3A_2191 : i32 to vector<16xi32>
      %add3A_2193 = arith.addi %add3A_2192, %and3A_2190 : vector<16xi32>
      %gather3A_2194 = tpu.vector_load_idx %arg5[%add3A_1413, %add3A_2193] : memref<256x128xf32, #tpu.memory_space<vmem>>[vector<16xi32>, vector<16xi32>], vector<16xf32>,
      %add3A_2195 = arith.constant 1 : i32
      %add3A_2196 = vector.broadcast %add3A_2195 : i32 to vector<16xi32>
      %add3A_2197 = arith.addi %add3A_2196, %iota3A : vector<16xi32>
      %and3A_2198 = arith.constant 7 : i32
      %and3A_2199 = vector.broadcast %and3A_2198 : i32 to vector<16xi32>
      %and3A_2200 = arith.andi %add3A_2197, %and3A_2199 : vector<16xi32>
      %add3A_2201 = arith.constant 72 : i32
      %add3A_2202 = vector.broadcast %add3A_2201 : i32 to vector<16xi32>
      %add3A_2203 = arith.addi %add3A_2202, %and3A_2200 : vector<16xi32>
      %gather3A_2204 = tpu.vector_load_idx %arg5[%add3A_1413, %add3A_2203] : memref<256x128xf32, #tpu.memory_space<vmem>>[vector<16xi32>, vector<16xi32>], vector<16xf32>,
      %max3A_2205 = arith.maximumf %gather3A_2194, %gather3A_2204 : vector<16xf32>
      %add3A_2206 = arith.constant 2 : i32
      %add3A_2207 = vector.broadcast %add3A_2206 : i32 to vector<16xi32>
      %add3A_2208 = arith.addi %add3A_2207, %iota3A : vector<16xi32>
      %and3A_2209 = arith.constant 7 : i32
      %and3A_2210 = vector.broadcast %and3A_2209 : i32 to vector<16xi32>
      %and3A_2211 = arith.andi %add3A_2208, %and3A_2210 : vector<16xi32>
      %add3A_2212 = arith.constant 72 : i32
      %add3A_2213 = vector.broadcast %add3A_2212 : i32 to vector<16xi32>
      %add3A_2214 = arith.addi %add3A_2213, %and3A_2211 : vector<16xi32>
      %gather3A_2215 = tpu.vector_load_idx %arg5[%add3A_1413, %add3A_2214] : memref<256x128xf32, #tpu.memory_space<vmem>>[vector<16xi32>, vector<16xi32>], vector<16xf32>,
      %max3A_2216 = arith.maximumf %max3A_2205, %gather3A_2215 : vector<16xf32>
      %add3A_2217 = arith.constant 3 : i32
      %add3A_2218 = vector.broadcast %add3A_2217 : i32 to vector<16xi32>
      %add3A_2219 = arith.addi %add3A_2218, %iota3A : vector<16xi32>
      %and3A_2220 = arith.constant 7 : i32
      %and3A_2221 = vector.broadcast %and3A_2220 : i32 to vector<16xi32>
      %and3A_2222 = arith.andi %add3A_2219, %and3A_2221 : vector<16xi32>
      %add3A_2223 = arith.constant 72 : i32
      %add3A_2224 = vector.broadcast %add3A_2223 : i32 to vector<16xi32>
      %add3A_2225 = arith.addi %add3A_2224, %and3A_2222 : vector<16xi32>
      %gather3A_2226 = tpu.vector_load_idx %arg5[%add3A_1413, %add3A_2225] : memref<256x128xf32, #tpu.memory_space<vmem>>[vector<16xi32>, vector<16xi32>], vector<16xf32>,
      %max3A_2227 = arith.maximumf %max3A_2216, %gather3A_2226 : vector<16xf32>
      %add3A_2228 = arith.constant 4 : i32
      %add3A_2229 = vector.broadcast %add3A_2228 : i32 to vector<16xi32>
      %add3A_2230 = arith.addi %add3A_2229, %iota3A : vector<16xi32>
      %and3A_2231 = arith.constant 7 : i32
      %and3A_2232 = vector.broadcast %and3A_2231 : i32 to vector<16xi32>
      %and3A_2233 = arith.andi %add3A_2230, %and3A_2232 : vector<16xi32>
      %add3A_2234 = arith.constant 72 : i32
      %add3A_2235 = vector.broadcast %add3A_2234 : i32 to vector<16xi32>
      %add3A_2236 = arith.addi %add3A_2235, %and3A_2233 : vector<16xi32>
      %gather3A_2237 = tpu.vector_load_idx %arg5[%add3A_1413, %add3A_2236] : memref<256x128xf32, #tpu.memory_space<vmem>>[vector<16xi32>, vector<16xi32>], vector<16xf32>,
      %max3A_2238 = arith.maximumf %max3A_2227, %gather3A_2237 : vector<16xf32>
      %add3A_2239 = arith.constant 5 : i32
      %add3A_2240 = vector.broadcast %add3A_2239 : i32 to vector<16xi32>
      %add3A_2241 = arith.addi %add3A_2240, %iota3A : vector<16xi32>
      %and3A_2242 = arith.constant 7 : i32
      %and3A_2243 = vector.broadcast %and3A_2242 : i32 to vector<16xi32>
      %and3A_2244 = arith.andi %add3A_2241, %and3A_2243 : vector<16xi32>
      %add3A_2245 = arith.constant 72 : i32
      %add3A_2246 = vector.broadcast %add3A_2245 : i32 to vector<16xi32>
      %add3A_2247 = arith.addi %add3A_2246, %and3A_2244 : vector<16xi32>
      %gather3A_2248 = tpu.vector_load_idx %arg5[%add3A_1413, %add3A_2247] : memref<256x128xf32, #tpu.memory_space<vmem>>[vector<16xi32>, vector<16xi32>], vector<16xf32>,
      %max3A_2249 = arith.maximumf %max3A_2238, %gather3A_2248 : vector<16xf32>
      %add3A_2250 = arith.constant 6 : i32
      %add3A_2251 = vector.broadcast %add3A_2250 : i32 to vector<16xi32>
      %add3A_2252 = arith.addi %add3A_2251, %iota3A : vector<16xi32>
      %and3A_2253 = arith.constant 7 : i32
      %and3A_2254 = vector.broadcast %and3A_2253 : i32 to vector<16xi32>
      %and3A_2255 = arith.andi %add3A_2252, %and3A_2254 : vector<16xi32>
      %add3A_2256 = arith.constant 72 : i32
      %add3A_2257 = vector.broadcast %add3A_2256 : i32 to vector<16xi32>
      %add3A_2258 = arith.addi %add3A_2257, %and3A_2255 : vector<16xi32>
      %gather3A_2259 = tpu.vector_load_idx %arg5[%add3A_1413, %add3A_2258] : memref<256x128xf32, #tpu.memory_space<vmem>>[vector<16xi32>, vector<16xi32>], vector<16xf32>,
      %max3A_2260 = arith.maximumf %max3A_2249, %gather3A_2259 : vector<16xf32>
      %add3A_2261 = arith.constant 7 : i32
      %add3A_2262 = vector.broadcast %add3A_2261 : i32 to vector<16xi32>
      %add3A_2263 = arith.addi %add3A_2262, %iota3A : vector<16xi32>
      %and3A_2264 = arith.constant 7 : i32
      %and3A_2265 = vector.broadcast %and3A_2264 : i32 to vector<16xi32>
      %and3A_2266 = arith.andi %add3A_2263, %and3A_2265 : vector<16xi32>
      %add3A_2267 = arith.constant 72 : i32
      %add3A_2268 = vector.broadcast %add3A_2267 : i32 to vector<16xi32>
      %add3A_2269 = arith.addi %add3A_2268, %and3A_2266 : vector<16xi32>
      %gather3A_2270 = tpu.vector_load_idx %arg5[%add3A_1413, %add3A_2269] : memref<256x128xf32, #tpu.memory_space<vmem>>[vector<16xi32>, vector<16xi32>], vector<16xf32>,
      %max3A_2271 = arith.maximumf %max3A_2260, %gather3A_2270 : vector<16xf32>
      %mul3A_2272 = arith.mulf %broadcast_in_dim3A_32, %max3A_2271 : vector<16xf32>
      %add3A_2273 = arith.addf %add3A_2187, %mul3A_2272 : vector<16xf32>
      %and3A_2274 = arith.constant 7 : i32
      %and3A_2275 = vector.broadcast %and3A_2274 : i32 to vector<16xi32>
      %and3A_2276 = arith.andi %iota3A, %and3A_2275 : vector<16xi32>
      %add3A_2277 = arith.constant 80 : i32
      %add3A_2278 = vector.broadcast %add3A_2277 : i32 to vector<16xi32>
      %add3A_2279 = arith.addi %add3A_2278, %and3A_2276 : vector<16xi32>
      %gather3A_2280 = tpu.vector_load_idx %arg5[%add3A_1413, %add3A_2279] : memref<256x128xf32, #tpu.memory_space<vmem>>[vector<16xi32>, vector<16xi32>], vector<16xf32>,
      %add3A_2281 = arith.constant 1 : i32
      %add3A_2282 = vector.broadcast %add3A_2281 : i32 to vector<16xi32>
      %add3A_2283 = arith.addi %add3A_2282, %iota3A : vector<16xi32>
      %and3A_2284 = arith.constant 7 : i32
      %and3A_2285 = vector.broadcast %and3A_2284 : i32 to vector<16xi32>
      %and3A_2286 = arith.andi %add3A_2283, %and3A_2285 : vector<16xi32>
      %add3A_2287 = arith.constant 80 : i32
      %add3A_2288 = vector.broadcast %add3A_2287 : i32 to vector<16xi32>
      %add3A_2289 = arith.addi %add3A_2288, %and3A_2286 : vector<16xi32>
      %gather3A_2290 = tpu.vector_load_idx %arg5[%add3A_1413, %add3A_2289] : memref<256x128xf32, #tpu.memory_space<vmem>>[vector<16xi32>, vector<16xi32>], vector<16xf32>,
      %max3A_2291 = arith.maximumf %gather3A_2280, %gather3A_2290 : vector<16xf32>
      %add3A_2292 = arith.constant 2 : i32
      %add3A_2293 = vector.broadcast %add3A_2292 : i32 to vector<16xi32>
      %add3A_2294 = arith.addi %add3A_2293, %iota3A : vector<16xi32>
      %and3A_2295 = arith.constant 7 : i32
      %and3A_2296 = vector.broadcast %and3A_2295 : i32 to vector<16xi32>
      %and3A_2297 = arith.andi %add3A_2294, %and3A_2296 : vector<16xi32>
      %add3A_2298 = arith.constant 80 : i32
      %add3A_2299 = vector.broadcast %add3A_2298 : i32 to vector<16xi32>
      %add3A_2300 = arith.addi %add3A_2299, %and3A_2297 : vector<16xi32>
      %gather3A_2301 = tpu.vector_load_idx %arg5[%add3A_1413, %add3A_2300] : memref<256x128xf32, #tpu.memory_space<vmem>>[vector<16xi32>, vector<16xi32>], vector<16xf32>,
      %max3A_2302 = arith.maximumf %max3A_2291, %gather3A_2301 : vector<16xf32>
      %add3A_2303 = arith.constant 3 : i32
      %add3A_2304 = vector.broadcast %add3A_2303 : i32 to vector<16xi32>
      %add3A_2305 = arith.addi %add3A_2304, %iota3A : vector<16xi32>
      %and3A_2306 = arith.constant 7 : i32
      %and3A_2307 = vector.broadcast %and3A_2306 : i32 to vector<16xi32>
      %and3A_2308 = arith.andi %add3A_2305, %and3A_2307 : vector<16xi32>
      %add3A_2309 = arith.constant 80 : i32
      %add3A_2310 = vector.broadcast %add3A_2309 : i32 to vector<16xi32>
      %add3A_2311 = arith.addi %add3A_2310, %and3A_2308 : vector<16xi32>
      %gather3A_2312 = tpu.vector_load_idx %arg5[%add3A_1413, %add3A_2311] : memref<256x128xf32, #tpu.memory_space<vmem>>[vector<16xi32>, vector<16xi32>], vector<16xf32>,
      %max3A_2313 = arith.maximumf %max3A_2302, %gather3A_2312 : vector<16xf32>
      %add3A_2314 = arith.constant 4 : i32
      %add3A_2315 = vector.broadcast %add3A_2314 : i32 to vector<16xi32>
      %add3A_2316 = arith.addi %add3A_2315, %iota3A : vector<16xi32>
      %and3A_2317 = arith.constant 7 : i32
      %and3A_2318 = vector.broadcast %and3A_2317 : i32 to vector<16xi32>
      %and3A_2319 = arith.andi %add3A_2316, %and3A_2318 : vector<16xi32>
      %add3A_2320 = arith.constant 80 : i32
      %add3A_2321 = vector.broadcast %add3A_2320 : i32 to vector<16xi32>
      %add3A_2322 = arith.addi %add3A_2321, %and3A_2319 : vector<16xi32>
      %gather3A_2323 = tpu.vector_load_idx %arg5[%add3A_1413, %add3A_2322] : memref<256x128xf32, #tpu.memory_space<vmem>>[vector<16xi32>, vector<16xi32>], vector<16xf32>,
      %max3A_2324 = arith.maximumf %max3A_2313, %gather3A_2323 : vector<16xf32>
      %add3A_2325 = arith.constant 5 : i32
      %add3A_2326 = vector.broadcast %add3A_2325 : i32 to vector<16xi32>
      %add3A_2327 = arith.addi %add3A_2326, %iota3A : vector<16xi32>
      %and3A_2328 = arith.constant 7 : i32
      %and3A_2329 = vector.broadcast %and3A_2328 : i32 to vector<16xi32>
      %and3A_2330 = arith.andi %add3A_2327, %and3A_2329 : vector<16xi32>
      %add3A_2331 = arith.constant 80 : i32
      %add3A_2332 = vector.broadcast %add3A_2331 : i32 to vector<16xi32>
      %add3A_2333 = arith.addi %add3A_2332, %and3A_2330 : vector<16xi32>
      %gather3A_2334 = tpu.vector_load_idx %arg5[%add3A_1413, %add3A_2333] : memref<256x128xf32, #tpu.memory_space<vmem>>[vector<16xi32>, vector<16xi32>], vector<16xf32>,
      %max3A_2335 = arith.maximumf %max3A_2324, %gather3A_2334 : vector<16xf32>
      %add3A_2336 = arith.constant 6 : i32
      %add3A_2337 = vector.broadcast %add3A_2336 : i32 to vector<16xi32>
      %add3A_2338 = arith.addi %add3A_2337, %iota3A : vector<16xi32>
      %and3A_2339 = arith.constant 7 : i32
      %and3A_2340 = vector.broadcast %and3A_2339 : i32 to vector<16xi32>
      %and3A_2341 = arith.andi %add3A_2338, %and3A_2340 : vector<16xi32>
      %add3A_2342 = arith.constant 80 : i32
      %add3A_2343 = vector.broadcast %add3A_2342 : i32 to vector<16xi32>
      %add3A_2344 = arith.addi %add3A_2343, %and3A_2341 : vector<16xi32>
      %gather3A_2345 = tpu.vector_load_idx %arg5[%add3A_1413, %add3A_2344] : memref<256x128xf32, #tpu.memory_space<vmem>>[vector<16xi32>, vector<16xi32>], vector<16xf32>,
      %max3A_2346 = arith.maximumf %max3A_2335, %gather3A_2345 : vector<16xf32>
      %add3A_2347 = arith.constant 7 : i32
      %add3A_2348 = vector.broadcast %add3A_2347 : i32 to vector<16xi32>
      %add3A_2349 = arith.addi %add3A_2348, %iota3A : vector<16xi32>
      %and3A_2350 = arith.constant 7 : i32
      %and3A_2351 = vector.broadcast %and3A_2350 : i32 to vector<16xi32>
      %and3A_2352 = arith.andi %add3A_2349, %and3A_2351 : vector<16xi32>
      %add3A_2353 = arith.constant 80 : i32
      %add3A_2354 = vector.broadcast %add3A_2353 : i32 to vector<16xi32>
      %add3A_2355 = arith.addi %add3A_2354, %and3A_2352 : vector<16xi32>
      %gather3A_2356 = tpu.vector_load_idx %arg5[%add3A_1413, %add3A_2355] : memref<256x128xf32, #tpu.memory_space<vmem>>[vector<16xi32>, vector<16xi32>], vector<16xf32>,
      %max3A_2357 = arith.maximumf %max3A_2346, %gather3A_2356 : vector<16xf32>
      %mul3A_2358 = arith.mulf %broadcast_in_dim3A_35, %max3A_2357 : vector<16xf32>
      %add3A_2359 = arith.addf %add3A_2273, %mul3A_2358 : vector<16xf32>
      %and3A_2360 = arith.constant 7 : i32
      %and3A_2361 = vector.broadcast %and3A_2360 : i32 to vector<16xi32>
      %and3A_2362 = arith.andi %iota3A, %and3A_2361 : vector<16xi32>
      %add3A_2363 = arith.constant 88 : i32
      %add3A_2364 = vector.broadcast %add3A_2363 : i32 to vector<16xi32>
      %add3A_2365 = arith.addi %add3A_2364, %and3A_2362 : vector<16xi32>
      %gather3A_2366 = tpu.vector_load_idx %arg5[%add3A_1413, %add3A_2365] : memref<256x128xf32, #tpu.memory_space<vmem>>[vector<16xi32>, vector<16xi32>], vector<16xf32>,
      %add3A_2367 = arith.constant 1 : i32
      %add3A_2368 = vector.broadcast %add3A_2367 : i32 to vector<16xi32>
      %add3A_2369 = arith.addi %add3A_2368, %iota3A : vector<16xi32>
      %and3A_2370 = arith.constant 7 : i32
      %and3A_2371 = vector.broadcast %and3A_2370 : i32 to vector<16xi32>
      %and3A_2372 = arith.andi %add3A_2369, %and3A_2371 : vector<16xi32>
      %add3A_2373 = arith.constant 88 : i32
      %add3A_2374 = vector.broadcast %add3A_2373 : i32 to vector<16xi32>
      %add3A_2375 = arith.addi %add3A_2374, %and3A_2372 : vector<16xi32>
      %gather3A_2376 = tpu.vector_load_idx %arg5[%add3A_1413, %add3A_2375] : memref<256x128xf32, #tpu.memory_space<vmem>>[vector<16xi32>, vector<16xi32>], vector<16xf32>,
      %max3A_2377 = arith.maximumf %gather3A_2366, %gather3A_2376 : vector<16xf32>
      %add3A_2378 = arith.constant 2 : i32
      %add3A_2379 = vector.broadcast %add3A_2378 : i32 to vector<16xi32>
      %add3A_2380 = arith.addi %add3A_2379, %iota3A : vector<16xi32>
      %and3A_2381 = arith.constant 7 : i32
      %and3A_2382 = vector.broadcast %and3A_2381 : i32 to vector<16xi32>
      %and3A_2383 = arith.andi %add3A_2380, %and3A_2382 : vector<16xi32>
      %add3A_2384 = arith.constant 88 : i32
      %add3A_2385 = vector.broadcast %add3A_2384 : i32 to vector<16xi32>
      %add3A_2386 = arith.addi %add3A_2385, %and3A_2383 : vector<16xi32>
      %gather3A_2387 = tpu.vector_load_idx %arg5[%add3A_1413, %add3A_2386] : memref<256x128xf32, #tpu.memory_space<vmem>>[vector<16xi32>, vector<16xi32>], vector<16xf32>,
      %max3A_2388 = arith.maximumf %max3A_2377, %gather3A_2387 : vector<16xf32>
      %add3A_2389 = arith.constant 3 : i32
      %add3A_2390 = vector.broadcast %add3A_2389 : i32 to vector<16xi32>
      %add3A_2391 = arith.addi %add3A_2390, %iota3A : vector<16xi32>
      %and3A_2392 = arith.constant 7 : i32
      %and3A_2393 = vector.broadcast %and3A_2392 : i32 to vector<16xi32>
      %and3A_2394 = arith.andi %add3A_2391, %and3A_2393 : vector<16xi32>
      %add3A_2395 = arith.constant 88 : i32
      %add3A_2396 = vector.broadcast %add3A_2395 : i32 to vector<16xi32>
      %add3A_2397 = arith.addi %add3A_2396, %and3A_2394 : vector<16xi32>
      %gather3A_2398 = tpu.vector_load_idx %arg5[%add3A_1413, %add3A_2397] : memref<256x128xf32, #tpu.memory_space<vmem>>[vector<16xi32>, vector<16xi32>], vector<16xf32>,
      %max3A_2399 = arith.maximumf %max3A_2388, %gather3A_2398 : vector<16xf32>
      %add3A_2400 = arith.constant 4 : i32
      %add3A_2401 = vector.broadcast %add3A_2400 : i32 to vector<16xi32>
      %add3A_2402 = arith.addi %add3A_2401, %iota3A : vector<16xi32>
      %and3A_2403 = arith.constant 7 : i32
      %and3A_2404 = vector.broadcast %and3A_2403 : i32 to vector<16xi32>
      %and3A_2405 = arith.andi %add3A_2402, %and3A_2404 : vector<16xi32>
      %add3A_2406 = arith.constant 88 : i32
      %add3A_2407 = vector.broadcast %add3A_2406 : i32 to vector<16xi32>
      %add3A_2408 = arith.addi %add3A_2407, %and3A_2405 : vector<16xi32>
      %gather3A_2409 = tpu.vector_load_idx %arg5[%add3A_1413, %add3A_2408] : memref<256x128xf32, #tpu.memory_space<vmem>>[vector<16xi32>, vector<16xi32>], vector<16xf32>,
      %max3A_2410 = arith.maximumf %max3A_2399, %gather3A_2409 : vector<16xf32>
      %add3A_2411 = arith.constant 5 : i32
      %add3A_2412 = vector.broadcast %add3A_2411 : i32 to vector<16xi32>
      %add3A_2413 = arith.addi %add3A_2412, %iota3A : vector<16xi32>
      %and3A_2414 = arith.constant 7 : i32
      %and3A_2415 = vector.broadcast %and3A_2414 : i32 to vector<16xi32>
      %and3A_2416 = arith.andi %add3A_2413, %and3A_2415 : vector<16xi32>
      %add3A_2417 = arith.constant 88 : i32
      %add3A_2418 = vector.broadcast %add3A_2417 : i32 to vector<16xi32>
      %add3A_2419 = arith.addi %add3A_2418, %and3A_2416 : vector<16xi32>
      %gather3A_2420 = tpu.vector_load_idx %arg5[%add3A_1413, %add3A_2419] : memref<256x128xf32, #tpu.memory_space<vmem>>[vector<16xi32>, vector<16xi32>], vector<16xf32>,
      %max3A_2421 = arith.maximumf %max3A_2410, %gather3A_2420 : vector<16xf32>
      %add3A_2422 = arith.constant 6 : i32
      %add3A_2423 = vector.broadcast %add3A_2422 : i32 to vector<16xi32>
      %add3A_2424 = arith.addi %add3A_2423, %iota3A : vector<16xi32>
      %and3A_2425 = arith.constant 7 : i32
      %and3A_2426 = vector.broadcast %and3A_2425 : i32 to vector<16xi32>
      %and3A_2427 = arith.andi %add3A_2424, %and3A_2426 : vector<16xi32>
      %add3A_2428 = arith.constant 88 : i32
      %add3A_2429 = vector.broadcast %add3A_2428 : i32 to vector<16xi32>
      %add3A_2430 = arith.addi %add3A_2429, %and3A_2427 : vector<16xi32>
      %gather3A_2431 = tpu.vector_load_idx %arg5[%add3A_1413, %add3A_2430] : memref<256x128xf32, #tpu.memory_space<vmem>>[vector<16xi32>, vector<16xi32>], vector<16xf32>,
      %max3A_2432 = arith.maximumf %max3A_2421, %gather3A_2431 : vector<16xf32>
      %add3A_2433 = arith.constant 7 : i32
      %add3A_2434 = vector.broadcast %add3A_2433 : i32 to vector<16xi32>
      %add3A_2435 = arith.addi %add3A_2434, %iota3A : vector<16xi32>
      %and3A_2436 = arith.constant 7 : i32
      %and3A_2437 = vector.broadcast %and3A_2436 : i32 to vector<16xi32>
      %and3A_2438 = arith.andi %add3A_2435, %and3A_2437 : vector<16xi32>
      %add3A_2439 = arith.constant 88 : i32
      %add3A_2440 = vector.broadcast %add3A_2439 : i32 to vector<16xi32>
      %add3A_2441 = arith.addi %add3A_2440, %and3A_2438 : vector<16xi32>
      %gather3A_2442 = tpu.vector_load_idx %arg5[%add3A_1413, %add3A_2441] : memref<256x128xf32, #tpu.memory_space<vmem>>[vector<16xi32>, vector<16xi32>], vector<16xf32>,
      %max3A_2443 = arith.maximumf %max3A_2432, %gather3A_2442 : vector<16xf32>
      %mul3A_2444 = arith.mulf %broadcast_in_dim3A_38, %max3A_2443 : vector<16xf32>
      %add3A_2445 = arith.addf %add3A_2359, %mul3A_2444 : vector<16xf32>
      %add3A_2446 = arith.constant 0 : i32
      %add3A_2447 = vector.broadcast %add3A_2446 : i32 to vector<16xi32>
      %add3A_2448 = arith.addi %add3A_2447, %iota3A : vector<16xi32>
      %and3A_2449 = arith.constant 15 : i32
      %and3A_2450 = vector.broadcast %and3A_2449 : i32 to vector<16xi32>
      %and3A_2451 = arith.andi %add3A_2448, %and3A_2450 : vector<16xi32>
      %add3A_2452 = arith.constant 12 : i32
      %add3A_2453 = vector.broadcast %add3A_2452 : i32 to vector<16xi32>
      %add3A_2454 = arith.addi %add3A_2453, %and3A_2451 : vector<16xi32>
      %gather3A_2455 = tpu.vector_load_idx %arg6[%add3A_2454] : memref<48xf32, #tpu.memory_space<vmem>>[vector<16xi32>], vector<16xf32>,
      %add3A_2456 = arith.constant 96 : i32
      %add3A_2457 = vector.broadcast %add3A_2456 : i32 to vector<16xi32>
      %add3A_2458 = arith.addi %add3A_2457, %and3A_2451 : vector<16xi32>
      %gather3A_2459 = tpu.vector_load_idx %arg5[%add3A_1413, %add3A_2458] : memref<256x128xf32, #tpu.memory_space<vmem>>[vector<16xi32>, vector<16xi32>], vector<16xf32>,
      %mul3A_2460 = arith.mulf %gather3A_2455, %gather3A_2459 : vector<16xf32>
      %add3A_2461 = arith.addf %add3A_2445, %mul3A_2460 : vector<16xf32>
      %add3A_2462 = arith.constant 1 : i32
      %add3A_2463 = vector.broadcast %add3A_2462 : i32 to vector<16xi32>
      %add3A_2464 = arith.addi %add3A_2463, %iota3A : vector<16xi32>
      %and3A_2465 = arith.constant 15 : i32
      %and3A_2466 = vector.broadcast %and3A_2465 : i32 to vector<16xi32>
      %and3A_2467 = arith.andi %add3A_2464, %and3A_2466 : vector<16xi32>
      %add3A_2468 = arith.constant 12 : i32
      %add3A_2469 = vector.broadcast %add3A_2468 : i32 to vector<16xi32>
      %add3A_2470 = arith.addi %add3A_2469, %and3A_2467 : vector<16xi32>
      %gather3A_2471 = tpu.vector_load_idx %arg6[%add3A_2470] : memref<48xf32, #tpu.memory_space<vmem>>[vector<16xi32>], vector<16xf32>,
      %add3A_2472 = arith.constant 96 : i32
      %add3A_2473 = vector.broadcast %add3A_2472 : i32 to vector<16xi32>
      %add3A_2474 = arith.addi %add3A_2473, %and3A_2467 : vector<16xi32>
      %gather3A_2475 = tpu.vector_load_idx %arg5[%add3A_1413, %add3A_2474] : memref<256x128xf32, #tpu.memory_space<vmem>>[vector<16xi32>, vector<16xi32>], vector<16xf32>,
      %mul3A_2476 = arith.mulf %gather3A_2471, %gather3A_2475 : vector<16xf32>
      %add3A_2477 = arith.addf %add3A_2461, %mul3A_2476 : vector<16xf32>
      %add3A_2478 = arith.constant 2 : i32
      %add3A_2479 = vector.broadcast %add3A_2478 : i32 to vector<16xi32>
      %add3A_2480 = arith.addi %add3A_2479, %iota3A : vector<16xi32>
      %and3A_2481 = arith.constant 15 : i32
      %and3A_2482 = vector.broadcast %and3A_2481 : i32 to vector<16xi32>
      %and3A_2483 = arith.andi %add3A_2480, %and3A_2482 : vector<16xi32>
      %add3A_2484 = arith.constant 12 : i32
      %add3A_2485 = vector.broadcast %add3A_2484 : i32 to vector<16xi32>
      %add3A_2486 = arith.addi %add3A_2485, %and3A_2483 : vector<16xi32>
      %gather3A_2487 = tpu.vector_load_idx %arg6[%add3A_2486] : memref<48xf32, #tpu.memory_space<vmem>>[vector<16xi32>], vector<16xf32>,
      %add3A_2488 = arith.constant 96 : i32
      %add3A_2489 = vector.broadcast %add3A_2488 : i32 to vector<16xi32>
      %add3A_2490 = arith.addi %add3A_2489, %and3A_2483 : vector<16xi32>
      %gather3A_2491 = tpu.vector_load_idx %arg5[%add3A_1413, %add3A_2490] : memref<256x128xf32, #tpu.memory_space<vmem>>[vector<16xi32>, vector<16xi32>], vector<16xf32>,
      %mul3A_2492 = arith.mulf %gather3A_2487, %gather3A_2491 : vector<16xf32>
      %add3A_2493 = arith.addf %add3A_2477, %mul3A_2492 : vector<16xf32>
      %add3A_2494 = arith.constant 3 : i32
      %add3A_2495 = vector.broadcast %add3A_2494 : i32 to vector<16xi32>
      %add3A_2496 = arith.addi %add3A_2495, %iota3A : vector<16xi32>
      %and3A_2497 = arith.constant 15 : i32
      %and3A_2498 = vector.broadcast %and3A_2497 : i32 to vector<16xi32>
      %and3A_2499 = arith.andi %add3A_2496, %and3A_2498 : vector<16xi32>
      %add3A_2500 = arith.constant 12 : i32
      %add3A_2501 = vector.broadcast %add3A_2500 : i32 to vector<16xi32>
      %add3A_2502 = arith.addi %add3A_2501, %and3A_2499 : vector<16xi32>
      %gather3A_2503 = tpu.vector_load_idx %arg6[%add3A_2502] : memref<48xf32, #tpu.memory_space<vmem>>[vector<16xi32>], vector<16xf32>,
      %add3A_2504 = arith.constant 96 : i32
      %add3A_2505 = vector.broadcast %add3A_2504 : i32 to vector<16xi32>
      %add3A_2506 = arith.addi %add3A_2505, %and3A_2499 : vector<16xi32>
      %gather3A_2507 = tpu.vector_load_idx %arg5[%add3A_1413, %add3A_2506] : memref<256x128xf32, #tpu.memory_space<vmem>>[vector<16xi32>, vector<16xi32>], vector<16xf32>,
      %mul3A_2508 = arith.mulf %gather3A_2503, %gather3A_2507 : vector<16xf32>
      %add3A_2509 = arith.addf %add3A_2493, %mul3A_2508 : vector<16xf32>
      %add3A_2510 = arith.constant 4 : i32
      %add3A_2511 = vector.broadcast %add3A_2510 : i32 to vector<16xi32>
      %add3A_2512 = arith.addi %add3A_2511, %iota3A : vector<16xi32>
      %and3A_2513 = arith.constant 15 : i32
      %and3A_2514 = vector.broadcast %and3A_2513 : i32 to vector<16xi32>
      %and3A_2515 = arith.andi %add3A_2512, %and3A_2514 : vector<16xi32>
      %add3A_2516 = arith.constant 12 : i32
      %add3A_2517 = vector.broadcast %add3A_2516 : i32 to vector<16xi32>
      %add3A_2518 = arith.addi %add3A_2517, %and3A_2515 : vector<16xi32>
      %gather3A_2519 = tpu.vector_load_idx %arg6[%add3A_2518] : memref<48xf32, #tpu.memory_space<vmem>>[vector<16xi32>], vector<16xf32>,
      %add3A_2520 = arith.constant 96 : i32
      %add3A_2521 = vector.broadcast %add3A_2520 : i32 to vector<16xi32>
      %add3A_2522 = arith.addi %add3A_2521, %and3A_2515 : vector<16xi32>
      %gather3A_2523 = tpu.vector_load_idx %arg5[%add3A_1413, %add3A_2522] : memref<256x128xf32, #tpu.memory_space<vmem>>[vector<16xi32>, vector<16xi32>], vector<16xf32>,
      %mul3A_2524 = arith.mulf %gather3A_2519, %gather3A_2523 : vector<16xf32>
      %add3A_2525 = arith.addf %add3A_2509, %mul3A_2524 : vector<16xf32>
      %add3A_2526 = arith.constant 5 : i32
      %add3A_2527 = vector.broadcast %add3A_2526 : i32 to vector<16xi32>
      %add3A_2528 = arith.addi %add3A_2527, %iota3A : vector<16xi32>
      %and3A_2529 = arith.constant 15 : i32
      %and3A_2530 = vector.broadcast %and3A_2529 : i32 to vector<16xi32>
      %and3A_2531 = arith.andi %add3A_2528, %and3A_2530 : vector<16xi32>
      %add3A_2532 = arith.constant 12 : i32
      %add3A_2533 = vector.broadcast %add3A_2532 : i32 to vector<16xi32>
      %add3A_2534 = arith.addi %add3A_2533, %and3A_2531 : vector<16xi32>
      %gather3A_2535 = tpu.vector_load_idx %arg6[%add3A_2534] : memref<48xf32, #tpu.memory_space<vmem>>[vector<16xi32>], vector<16xf32>,
      %add3A_2536 = arith.constant 96 : i32
      %add3A_2537 = vector.broadcast %add3A_2536 : i32 to vector<16xi32>
      %add3A_2538 = arith.addi %add3A_2537, %and3A_2531 : vector<16xi32>
      %gather3A_2539 = tpu.vector_load_idx %arg5[%add3A_1413, %add3A_2538] : memref<256x128xf32, #tpu.memory_space<vmem>>[vector<16xi32>, vector<16xi32>], vector<16xf32>,
      %mul3A_2540 = arith.mulf %gather3A_2535, %gather3A_2539 : vector<16xf32>
      %add3A_2541 = arith.addf %add3A_2525, %mul3A_2540 : vector<16xf32>
      %add3A_2542 = arith.constant 6 : i32
      %add3A_2543 = vector.broadcast %add3A_2542 : i32 to vector<16xi32>
      %add3A_2544 = arith.addi %add3A_2543, %iota3A : vector<16xi32>
      %and3A_2545 = arith.constant 15 : i32
      %and3A_2546 = vector.broadcast %and3A_2545 : i32 to vector<16xi32>
      %and3A_2547 = arith.andi %add3A_2544, %and3A_2546 : vector<16xi32>
      %add3A_2548 = arith.constant 12 : i32
      %add3A_2549 = vector.broadcast %add3A_2548 : i32 to vector<16xi32>
      %add3A_2550 = arith.addi %add3A_2549, %and3A_2547 : vector<16xi32>
      %gather3A_2551 = tpu.vector_load_idx %arg6[%add3A_2550] : memref<48xf32, #tpu.memory_space<vmem>>[vector<16xi32>], vector<16xf32>,
      %add3A_2552 = arith.constant 96 : i32
      %add3A_2553 = vector.broadcast %add3A_2552 : i32 to vector<16xi32>
      %add3A_2554 = arith.addi %add3A_2553, %and3A_2547 : vector<16xi32>
      %gather3A_2555 = tpu.vector_load_idx %arg5[%add3A_1413, %add3A_2554] : memref<256x128xf32, #tpu.memory_space<vmem>>[vector<16xi32>, vector<16xi32>], vector<16xf32>,
      %mul3A_2556 = arith.mulf %gather3A_2551, %gather3A_2555 : vector<16xf32>
      %add3A_2557 = arith.addf %add3A_2541, %mul3A_2556 : vector<16xf32>
      %add3A_2558 = arith.constant 7 : i32
      %add3A_2559 = vector.broadcast %add3A_2558 : i32 to vector<16xi32>
      %add3A_2560 = arith.addi %add3A_2559, %iota3A : vector<16xi32>
      %and3A_2561 = arith.constant 15 : i32
      %and3A_2562 = vector.broadcast %and3A_2561 : i32 to vector<16xi32>
      %and3A_2563 = arith.andi %add3A_2560, %and3A_2562 : vector<16xi32>
      %add3A_2564 = arith.constant 12 : i32
      %add3A_2565 = vector.broadcast %add3A_2564 : i32 to vector<16xi32>
      %add3A_2566 = arith.addi %add3A_2565, %and3A_2563 : vector<16xi32>
      %gather3A_2567 = tpu.vector_load_idx %arg6[%add3A_2566] : memref<48xf32, #tpu.memory_space<vmem>>[vector<16xi32>], vector<16xf32>,
      %add3A_2568 = arith.constant 96 : i32
      %add3A_2569 = vector.broadcast %add3A_2568 : i32 to vector<16xi32>
      %add3A_2570 = arith.addi %add3A_2569, %and3A_2563 : vector<16xi32>
      %gather3A_2571 = tpu.vector_load_idx %arg5[%add3A_1413, %add3A_2570] : memref<256x128xf32, #tpu.memory_space<vmem>>[vector<16xi32>, vector<16xi32>], vector<16xf32>,
      %mul3A_2572 = arith.mulf %gather3A_2567, %gather3A_2571 : vector<16xf32>
      %add3A_2573 = arith.addf %add3A_2557, %mul3A_2572 : vector<16xf32>
      %add3A_2574 = arith.constant 8 : i32
      %add3A_2575 = vector.broadcast %add3A_2574 : i32 to vector<16xi32>
      %add3A_2576 = arith.addi %add3A_2575, %iota3A : vector<16xi32>
      %and3A_2577 = arith.constant 15 : i32
      %and3A_2578 = vector.broadcast %and3A_2577 : i32 to vector<16xi32>
      %and3A_2579 = arith.andi %add3A_2576, %and3A_2578 : vector<16xi32>
      %add3A_2580 = arith.constant 12 : i32
      %add3A_2581 = vector.broadcast %add3A_2580 : i32 to vector<16xi32>
      %add3A_2582 = arith.addi %add3A_2581, %and3A_2579 : vector<16xi32>
      %gather3A_2583 = tpu.vector_load_idx %arg6[%add3A_2582] : memref<48xf32, #tpu.memory_space<vmem>>[vector<16xi32>], vector<16xf32>,
      %add3A_2584 = arith.constant 96 : i32
      %add3A_2585 = vector.broadcast %add3A_2584 : i32 to vector<16xi32>
      %add3A_2586 = arith.addi %add3A_2585, %and3A_2579 : vector<16xi32>
      %gather3A_2587 = tpu.vector_load_idx %arg5[%add3A_1413, %add3A_2586] : memref<256x128xf32, #tpu.memory_space<vmem>>[vector<16xi32>, vector<16xi32>], vector<16xf32>,
      %mul3A_2588 = arith.mulf %gather3A_2583, %gather3A_2587 : vector<16xf32>
      %add3A_2589 = arith.addf %add3A_2573, %mul3A_2588 : vector<16xf32>
      %add3A_2590 = arith.constant 9 : i32
      %add3A_2591 = vector.broadcast %add3A_2590 : i32 to vector<16xi32>
      %add3A_2592 = arith.addi %add3A_2591, %iota3A : vector<16xi32>
      %and3A_2593 = arith.constant 15 : i32
      %and3A_2594 = vector.broadcast %and3A_2593 : i32 to vector<16xi32>
      %and3A_2595 = arith.andi %add3A_2592, %and3A_2594 : vector<16xi32>
      %add3A_2596 = arith.constant 12 : i32
      %add3A_2597 = vector.broadcast %add3A_2596 : i32 to vector<16xi32>
      %add3A_2598 = arith.addi %add3A_2597, %and3A_2595 : vector<16xi32>
      %gather3A_2599 = tpu.vector_load_idx %arg6[%add3A_2598] : memref<48xf32, #tpu.memory_space<vmem>>[vector<16xi32>], vector<16xf32>,
      %add3A_2600 = arith.constant 96 : i32
      %add3A_2601 = vector.broadcast %add3A_2600 : i32 to vector<16xi32>
      %add3A_2602 = arith.addi %add3A_2601, %and3A_2595 : vector<16xi32>
      %gather3A_2603 = tpu.vector_load_idx %arg5[%add3A_1413, %add3A_2602] : memref<256x128xf32, #tpu.memory_space<vmem>>[vector<16xi32>, vector<16xi32>], vector<16xf32>,
      %mul3A_2604 = arith.mulf %gather3A_2599, %gather3A_2603 : vector<16xf32>
      %add3A_2605 = arith.addf %add3A_2589, %mul3A_2604 : vector<16xf32>
      %add3A_2606 = arith.constant 10 : i32
      %add3A_2607 = vector.broadcast %add3A_2606 : i32 to vector<16xi32>
      %add3A_2608 = arith.addi %add3A_2607, %iota3A : vector<16xi32>
      %and3A_2609 = arith.constant 15 : i32
      %and3A_2610 = vector.broadcast %and3A_2609 : i32 to vector<16xi32>
      %and3A_2611 = arith.andi %add3A_2608, %and3A_2610 : vector<16xi32>
      %add3A_2612 = arith.constant 12 : i32
      %add3A_2613 = vector.broadcast %add3A_2612 : i32 to vector<16xi32>
      %add3A_2614 = arith.addi %add3A_2613, %and3A_2611 : vector<16xi32>
      %gather3A_2615 = tpu.vector_load_idx %arg6[%add3A_2614] : memref<48xf32, #tpu.memory_space<vmem>>[vector<16xi32>], vector<16xf32>,
      %add3A_2616 = arith.constant 96 : i32
      %add3A_2617 = vector.broadcast %add3A_2616 : i32 to vector<16xi32>
      %add3A_2618 = arith.addi %add3A_2617, %and3A_2611 : vector<16xi32>
      %gather3A_2619 = tpu.vector_load_idx %arg5[%add3A_1413, %add3A_2618] : memref<256x128xf32, #tpu.memory_space<vmem>>[vector<16xi32>, vector<16xi32>], vector<16xf32>,
      %mul3A_2620 = arith.mulf %gather3A_2615, %gather3A_2619 : vector<16xf32>
      %add3A_2621 = arith.addf %add3A_2605, %mul3A_2620 : vector<16xf32>
      %add3A_2622 = arith.constant 11 : i32
      %add3A_2623 = vector.broadcast %add3A_2622 : i32 to vector<16xi32>
      %add3A_2624 = arith.addi %add3A_2623, %iota3A : vector<16xi32>
      %and3A_2625 = arith.constant 15 : i32
      %and3A_2626 = vector.broadcast %and3A_2625 : i32 to vector<16xi32>
      %and3A_2627 = arith.andi %add3A_2624, %and3A_2626 : vector<16xi32>
      %add3A_2628 = arith.constant 12 : i32
      %add3A_2629 = vector.broadcast %add3A_2628 : i32 to vector<16xi32>
      %add3A_2630 = arith.addi %add3A_2629, %and3A_2627 : vector<16xi32>
      %gather3A_2631 = tpu.vector_load_idx %arg6[%add3A_2630] : memref<48xf32, #tpu.memory_space<vmem>>[vector<16xi32>], vector<16xf32>,
      %add3A_2632 = arith.constant 96 : i32
      %add3A_2633 = vector.broadcast %add3A_2632 : i32 to vector<16xi32>
      %add3A_2634 = arith.addi %add3A_2633, %and3A_2627 : vector<16xi32>
      %gather3A_2635 = tpu.vector_load_idx %arg5[%add3A_1413, %add3A_2634] : memref<256x128xf32, #tpu.memory_space<vmem>>[vector<16xi32>, vector<16xi32>], vector<16xf32>,
      %mul3A_2636 = arith.mulf %gather3A_2631, %gather3A_2635 : vector<16xf32>
      %add3A_2637 = arith.addf %add3A_2621, %mul3A_2636 : vector<16xf32>
      %add3A_2638 = arith.constant 12 : i32
      %add3A_2639 = vector.broadcast %add3A_2638 : i32 to vector<16xi32>
      %add3A_2640 = arith.addi %add3A_2639, %iota3A : vector<16xi32>
      %and3A_2641 = arith.constant 15 : i32
      %and3A_2642 = vector.broadcast %and3A_2641 : i32 to vector<16xi32>
      %and3A_2643 = arith.andi %add3A_2640, %and3A_2642 : vector<16xi32>
      %add3A_2644 = arith.constant 12 : i32
      %add3A_2645 = vector.broadcast %add3A_2644 : i32 to vector<16xi32>
      %add3A_2646 = arith.addi %add3A_2645, %and3A_2643 : vector<16xi32>
      %gather3A_2647 = tpu.vector_load_idx %arg6[%add3A_2646] : memref<48xf32, #tpu.memory_space<vmem>>[vector<16xi32>], vector<16xf32>,
      %add3A_2648 = arith.constant 96 : i32
      %add3A_2649 = vector.broadcast %add3A_2648 : i32 to vector<16xi32>
      %add3A_2650 = arith.addi %add3A_2649, %and3A_2643 : vector<16xi32>
      %gather3A_2651 = tpu.vector_load_idx %arg5[%add3A_1413, %add3A_2650] : memref<256x128xf32, #tpu.memory_space<vmem>>[vector<16xi32>, vector<16xi32>], vector<16xf32>,
      %mul3A_2652 = arith.mulf %gather3A_2647, %gather3A_2651 : vector<16xf32>
      %add3A_2653 = arith.addf %add3A_2637, %mul3A_2652 : vector<16xf32>
      %add3A_2654 = arith.constant 13 : i32
      %add3A_2655 = vector.broadcast %add3A_2654 : i32 to vector<16xi32>
      %add3A_2656 = arith.addi %add3A_2655, %iota3A : vector<16xi32>
      %and3A_2657 = arith.constant 15 : i32
      %and3A_2658 = vector.broadcast %and3A_2657 : i32 to vector<16xi32>
      %and3A_2659 = arith.andi %add3A_2656, %and3A_2658 : vector<16xi32>
      %add3A_2660 = arith.constant 12 : i32
      %add3A_2661 = vector.broadcast %add3A_2660 : i32 to vector<16xi32>
      %add3A_2662 = arith.addi %add3A_2661, %and3A_2659 : vector<16xi32>
      %gather3A_2663 = tpu.vector_load_idx %arg6[%add3A_2662] : memref<48xf32, #tpu.memory_space<vmem>>[vector<16xi32>], vector<16xf32>,
      %add3A_2664 = arith.constant 96 : i32
      %add3A_2665 = vector.broadcast %add3A_2664 : i32 to vector<16xi32>
      %add3A_2666 = arith.addi %add3A_2665, %and3A_2659 : vector<16xi32>
      %gather3A_2667 = tpu.vector_load_idx %arg5[%add3A_1413, %add3A_2666] : memref<256x128xf32, #tpu.memory_space<vmem>>[vector<16xi32>, vector<16xi32>], vector<16xf32>,
      %mul3A_2668 = arith.mulf %gather3A_2663, %gather3A_2667 : vector<16xf32>
      %add3A_2669 = arith.addf %add3A_2653, %mul3A_2668 : vector<16xf32>
      %add3A_2670 = arith.constant 14 : i32
      %add3A_2671 = vector.broadcast %add3A_2670 : i32 to vector<16xi32>
      %add3A_2672 = arith.addi %add3A_2671, %iota3A : vector<16xi32>
      %and3A_2673 = arith.constant 15 : i32
      %and3A_2674 = vector.broadcast %and3A_2673 : i32 to vector<16xi32>
      %and3A_2675 = arith.andi %add3A_2672, %and3A_2674 : vector<16xi32>
      %add3A_2676 = arith.constant 12 : i32
      %add3A_2677 = vector.broadcast %add3A_2676 : i32 to vector<16xi32>
      %add3A_2678 = arith.addi %add3A_2677, %and3A_2675 : vector<16xi32>
      %gather3A_2679 = tpu.vector_load_idx %arg6[%add3A_2678] : memref<48xf32, #tpu.memory_space<vmem>>[vector<16xi32>], vector<16xf32>,
      %add3A_2680 = arith.constant 96 : i32
      %add3A_2681 = vector.broadcast %add3A_2680 : i32 to vector<16xi32>
      %add3A_2682 = arith.addi %add3A_2681, %and3A_2675 : vector<16xi32>
      %gather3A_2683 = tpu.vector_load_idx %arg5[%add3A_1413, %add3A_2682] : memref<256x128xf32, #tpu.memory_space<vmem>>[vector<16xi32>, vector<16xi32>], vector<16xf32>,
      %mul3A_2684 = arith.mulf %gather3A_2679, %gather3A_2683 : vector<16xf32>
      %add3A_2685 = arith.addf %add3A_2669, %mul3A_2684 : vector<16xf32>
      %add3A_2686 = arith.constant 15 : i32
      %add3A_2687 = vector.broadcast %add3A_2686 : i32 to vector<16xi32>
      %add3A_2688 = arith.addi %add3A_2687, %iota3A : vector<16xi32>
      %and3A_2689 = arith.constant 15 : i32
      %and3A_2690 = vector.broadcast %and3A_2689 : i32 to vector<16xi32>
      %and3A_2691 = arith.andi %add3A_2688, %and3A_2690 : vector<16xi32>
      %add3A_2692 = arith.constant 12 : i32
      %add3A_2693 = vector.broadcast %add3A_2692 : i32 to vector<16xi32>
      %add3A_2694 = arith.addi %add3A_2693, %and3A_2691 : vector<16xi32>
      %gather3A_2695 = tpu.vector_load_idx %arg6[%add3A_2694] : memref<48xf32, #tpu.memory_space<vmem>>[vector<16xi32>], vector<16xf32>,
      %add3A_2696 = arith.constant 96 : i32
      %add3A_2697 = vector.broadcast %add3A_2696 : i32 to vector<16xi32>
      %add3A_2698 = arith.addi %add3A_2697, %and3A_2691 : vector<16xi32>
      %gather3A_2699 = tpu.vector_load_idx %arg5[%add3A_1413, %add3A_2698] : memref<256x128xf32, #tpu.memory_space<vmem>>[vector<16xi32>, vector<16xi32>], vector<16xf32>,
      %mul3A_2700 = arith.mulf %gather3A_2695, %gather3A_2699 : vector<16xf32>
      %add3A_2701 = arith.addf %add3A_2685, %mul3A_2700 : vector<16xf32>
      %add3A_2702 = arith.constant 0 : i32
      %add3A_2703 = vector.broadcast %add3A_2702 : i32 to vector<16xi32>
      %add3A_2704 = arith.addi %add3A_2703, %iota3A : vector<16xi32>
      %and3A_2705 = arith.constant 3 : i32
      %and3A_2706 = vector.broadcast %and3A_2705 : i32 to vector<16xi32>
      %and3A_2707 = arith.andi %add3A_2704, %and3A_2706 : vector<16xi32>
      %add3A_2708 = arith.constant 28 : i32
      %add3A_2709 = vector.broadcast %add3A_2708 : i32 to vector<16xi32>
      %add3A_2710 = arith.addi %add3A_2709, %and3A_2707 : vector<16xi32>
      %gather3A_2711 = tpu.vector_load_idx %arg6[%add3A_2710] : memref<48xf32, #tpu.memory_space<vmem>>[vector<16xi32>], vector<16xf32>,
      %add3A_2712 = arith.constant 112 : i32
      %add3A_2713 = vector.broadcast %add3A_2712 : i32 to vector<16xi32>
      %add3A_2714 = arith.addi %add3A_2713, %and3A_2707 : vector<16xi32>
      %gather3A_2715 = tpu.vector_load_idx %arg5[%add3A_1413, %add3A_2714] : memref<256x128xf32, #tpu.memory_space<vmem>>[vector<16xi32>, vector<16xi32>], vector<16xf32>,
      %mul3A_2716 = arith.mulf %gather3A_2711, %gather3A_2715 : vector<16xf32>
      %add3A_2717 = arith.addf %add3A_2701, %mul3A_2716 : vector<16xf32>
      %add3A_2718 = arith.constant 1 : i32
      %add3A_2719 = vector.broadcast %add3A_2718 : i32 to vector<16xi32>
      %add3A_2720 = arith.addi %add3A_2719, %iota3A : vector<16xi32>
      %and3A_2721 = arith.constant 3 : i32
      %and3A_2722 = vector.broadcast %and3A_2721 : i32 to vector<16xi32>
      %and3A_2723 = arith.andi %add3A_2720, %and3A_2722 : vector<16xi32>
      %add3A_2724 = arith.constant 28 : i32
      %add3A_2725 = vector.broadcast %add3A_2724 : i32 to vector<16xi32>
      %add3A_2726 = arith.addi %add3A_2725, %and3A_2723 : vector<16xi32>
      %gather3A_2727 = tpu.vector_load_idx %arg6[%add3A_2726] : memref<48xf32, #tpu.memory_space<vmem>>[vector<16xi32>], vector<16xf32>,
      %add3A_2728 = arith.constant 112 : i32
      %add3A_2729 = vector.broadcast %add3A_2728 : i32 to vector<16xi32>
      %add3A_2730 = arith.addi %add3A_2729, %and3A_2723 : vector<16xi32>
      %gather3A_2731 = tpu.vector_load_idx %arg5[%add3A_1413, %add3A_2730] : memref<256x128xf32, #tpu.memory_space<vmem>>[vector<16xi32>, vector<16xi32>], vector<16xf32>,
      %mul3A_2732 = arith.mulf %gather3A_2727, %gather3A_2731 : vector<16xf32>
      %add3A_2733 = arith.addf %add3A_2717, %mul3A_2732 : vector<16xf32>
      %add3A_2734 = arith.constant 2 : i32
      %add3A_2735 = vector.broadcast %add3A_2734 : i32 to vector<16xi32>
      %add3A_2736 = arith.addi %add3A_2735, %iota3A : vector<16xi32>
      %and3A_2737 = arith.constant 3 : i32
      %and3A_2738 = vector.broadcast %and3A_2737 : i32 to vector<16xi32>
      %and3A_2739 = arith.andi %add3A_2736, %and3A_2738 : vector<16xi32>
      %add3A_2740 = arith.constant 28 : i32
      %add3A_2741 = vector.broadcast %add3A_2740 : i32 to vector<16xi32>
      %add3A_2742 = arith.addi %add3A_2741, %and3A_2739 : vector<16xi32>
      %gather3A_2743 = tpu.vector_load_idx %arg6[%add3A_2742] : memref<48xf32, #tpu.memory_space<vmem>>[vector<16xi32>], vector<16xf32>,
      %add3A_2744 = arith.constant 112 : i32
      %add3A_2745 = vector.broadcast %add3A_2744 : i32 to vector<16xi32>
      %add3A_2746 = arith.addi %add3A_2745, %and3A_2739 : vector<16xi32>
      %gather3A_2747 = tpu.vector_load_idx %arg5[%add3A_1413, %add3A_2746] : memref<256x128xf32, #tpu.memory_space<vmem>>[vector<16xi32>, vector<16xi32>], vector<16xf32>,
      %mul3A_2748 = arith.mulf %gather3A_2743, %gather3A_2747 : vector<16xf32>
      %add3A_2749 = arith.addf %add3A_2733, %mul3A_2748 : vector<16xf32>
      %add3A_2750 = arith.constant 3 : i32
      %add3A_2751 = vector.broadcast %add3A_2750 : i32 to vector<16xi32>
      %add3A_2752 = arith.addi %add3A_2751, %iota3A : vector<16xi32>
      %and3A_2753 = arith.constant 3 : i32
      %and3A_2754 = vector.broadcast %and3A_2753 : i32 to vector<16xi32>
      %and3A_2755 = arith.andi %add3A_2752, %and3A_2754 : vector<16xi32>
      %add3A_2756 = arith.constant 28 : i32
      %add3A_2757 = vector.broadcast %add3A_2756 : i32 to vector<16xi32>
      %add3A_2758 = arith.addi %add3A_2757, %and3A_2755 : vector<16xi32>
      %gather3A_2759 = tpu.vector_load_idx %arg6[%add3A_2758] : memref<48xf32, #tpu.memory_space<vmem>>[vector<16xi32>], vector<16xf32>,
      %add3A_2760 = arith.constant 112 : i32
      %add3A_2761 = vector.broadcast %add3A_2760 : i32 to vector<16xi32>
      %add3A_2762 = arith.addi %add3A_2761, %and3A_2755 : vector<16xi32>
      %gather3A_2763 = tpu.vector_load_idx %arg5[%add3A_1413, %add3A_2762] : memref<256x128xf32, #tpu.memory_space<vmem>>[vector<16xi32>, vector<16xi32>], vector<16xf32>,
      %mul3A_2764 = arith.mulf %gather3A_2759, %gather3A_2763 : vector<16xf32>
      %add3A_2765 = arith.addf %add3A_2749, %mul3A_2764 : vector<16xf32>
      %mul3A_2766 = arith.constant 16 : i32
      %mul3A_2767 = arith.muli %add3A_1409, %mul3A_2766 : i32
      %swap3A_2768 = arith.index_cast %mul3A_2767 : i32 to index
      %swap3A_2769 = tpu.vector_load %arg7[%swap3A_2768] {strides = array<i32>} : memref<256xf32, #tpu.memory_space<vmem>>, vector<16xf32>,
      tpu.vector_store %arg7[%swap3A_2768], %add3A_2765 {strides = array<i32>} : memref<256xf32, #tpu.memory_space<vmem>>, vector<16xf32>,
    }
    %scan3A_46 = arith.constant 8 : i32
    "tpu.region"() ({
      %run_scoped3A = tpu.sem_alloc : memref<!tpu.dma_semaphore, #tpu.memory_space<semaphore_mem>>
      %dma_start3A = tpu.memref_slice %arg4[%mul3A_2] : memref<8192xf32, #tpu.memory_space<hbm>> -> memref<256xf32, #tpu.memory_space<hbm>>
      %dma_start3A_47 = tpu.memref_slice %arg4[%mul3A_2] : memref<8192xf32, #tpu.memory_space<hbm>> -> memref<256xf32, #tpu.memory_space<hbm>>
      tpu.enqueue_dma source(%arg7 : memref<256xf32, #tpu.memory_space<vmem>>) target(%dma_start3A_47 : memref<256xf32, #tpu.memory_space<hbm>>) target_semaphore(%run_scoped3A : memref<!tpu.dma_semaphore, #tpu.memory_space<semaphore_mem>>)
      %dma_wait3A = tpu.memref_slice %arg4[%mul3A_2] : memref<8192xf32, #tpu.memory_space<hbm>> -> memref<256xf32, #tpu.memory_space<hbm>>
      %dma_wait3A_48 = tpu.memref_slice %arg4[%mul3A_2] : memref<8192xf32, #tpu.memory_space<hbm>> -> memref<256xf32, #tpu.memory_space<hbm>>
      tpu.wait_dma2 semaphore(%run_scoped3A : memref<!tpu.dma_semaphore, #tpu.memory_space<semaphore_mem>>) src(%arg7 : memref<256xf32, #tpu.memory_space<vmem>>) dst(%dma_wait3A_48 : memref<256xf32, #tpu.memory_space<hbm>>)
      tpu.yield
    }) : () -> ()
    return
  }
}

</mosaic_0001>

<sc_bundles>
// kernel: kernel.3.cloned.1.call-start
scs
__scs_entry_jumppad:
0x0: {  	(pc) =	sbr.rel $0x88, $3  }
0x1: {  	(tag) =	ssettag $0x0;
	lr =	simm.s32 $0x1  }
0x2: {  	[smem:$0x3F9E] =	sst lr;
	_ =	strace $0xD0000000  }
0x3: {  	_ = 	snop  }
0x4: {  	_ = 	snop  }
0x5: {  	_ = 	snop  }
0x6: {  	_ = 	snop  }
0x7: {  	_ = 	snop  }
__scs_overlays_trampoline_lowered:
0x8: {  	[smem:$0x3FAD] =	sst s0  }
0x9: {  	[smem:$0x3FAE] =	sst s1  }
0xa: {  	[smem:$0x3FAF] =	sst s2  }
0xb: {  	[smem:$0x3FB0] =	sst s3  }
0xc: {  	[smem:$0x3FB1] =	sst s4  }
0xd: {  	[smem:$0x3FB2] =	sst s5  }
0xe: {  	[smem:$0x3FB3] =	sst s6  }
0xf: {  	[smem:$0x3FB4] =	sst s7  }
0x10: {  	[smem:$0x3FB5] =	sst s8  }
0x11: {  	[smem:$0x3FB6] =	sst s9;
	s0 =	simm.s32 @!p0 $0x0  }
0x12: {  	s1 =	sld [smem:$0x3F9C];
	s0 =	simm.s32 @p0 $0x1  }
0x13: {  	[smem:$0x3FB7] =	sst s0;
	s0 =	simm.s32 @!p1 $0x0  }
0x14: {  	s2 =	sld [smem:$0x3F9B];
	s0 =	simm.s32 @p1 $0x1  }
0x15: {  	[smem:$0x3FB8] =	sst s0;
	s0 =	simm.s32 @!p2 $0x0  }
0x16: {  	s3 =	sld [smem:$0x3FDB];
	s0 =	simm.s32 @p2 $0x1  }
0x17: {  	s4 =	simm.s32 $0x1BF5;
	[smem:$0x3FBA] =	sst s0  }
0x18: {  	s0 =	sld [smem:$0x3F9D];
	_ =	swait.ge [sflag:s4], $0x0  }
0x19: {  	s7 =	sld [smem:$0x3F9E]  }
0x1a: {  	s8 =	sadd.s32 $0xFFFFE003, lr  }
0x1b: {  	s9 =	sadd.s32 $0xFFFFFEF7, lr;
	s5 =	simm.s32 $0xFFFFFFFF;
	p2 =	slt.u32 s8, $0xFFFFF086  }
0x1c: {  	p1 =	slt.u32 s9, $0xF7A;
	s5 =	simm.s32 @!p2 $0x0  }
0x1d: {  	s5 =	simm.s32 @p1 $0x1;
	p0 =	seq.s32 s7, s2  }
0x1e: {  	s7 =	smul.u32 @!p0 $0xF7A, s2;
	p2 =	seq.s32 @!p0 s5, $0x0  }
0x1f: {  	s9 =	smul.u32 $0xF7A, s1;
	s8 =	simm.s32 @!p0 $0x1BF5;
	p2 =	por !p2, p0  }
0x20: {  	[sflag:s8] =	ssyncset.s32 @!p0 $0xFFFFF086;
	s6 =	sadd.s32 @!p0 s3, s7;
	s7 =	simm.s32 @!p0 $0x108  }
0x21: {  	s3 =	sadd.s32 s3, s9;
	s6 =	sadd.s32 @!p0 $0x88, s6;
	s7 =	simm.s32 @p2 $0x1082  }
0x22: {  	[simem:s7], [sflag:s8] =	dma.local @!p0 [hbm:s6], $0xF7A  }
0x23: {  	s9 =	sor.u32 $0xD0000000, s2;
	s6 =	simm.s32 $0x108;
	_ =	swait.ge @!p0 [sflag:s8], $0x0  }
0x24: {  	s3 =	sadd.s32 $0x88, s3;
	s6 =	simm.s32 @!p1 $0x1082;
	[sflag:s4] =	ssyncset.s32 $0xFFFFF086  }
0x25: {  	[simem:s6], [sflag:s4] =	dma.local [hbm:s3], $0xF7A  }
0x26: {  	[smem:$0x3F9E] =	sst s1;
	(tag) =	ssettag s2;
	_ =	strace s9  }
0x27: {  	s1 =	sld [smem:$0x3FAE]  }
0x28: {  	s2 =	sld [smem:$0x3FAF]  }
0x29: {  	s4 =	sld [smem:$0x3FB1]  }
0x2a: {  	p0 =	seq.s32 s5, $0x0;
	s5 =	sld [smem:$0x3FB2]  }
0x2b: {  	s6 =	sld [smem:$0x3FB3]  }
0x2c: {  	s7 =	sld [smem:$0x3FB4]  }
0x2d: {  	s3 =	simm.s32 $0x108;
	s8 =	sld [smem:$0x3FB5]  }
0x2e: {  	s3 =	simm.s32 @!p0 $0x1082;
	s9 =	sld [smem:$0x3FB6]  }
0x2f: {  	lr =	sadd.s32 s0, s3;
	s0 =	sld [smem:$0x3FAD]  }
0x30: {  	s3 =	sld [smem:$0x3FB0]  }
0x31: {  	[smem:$0x3FB9] =	sst s10  }
0x32: {  	s10 =	sld [smem:$0x3FB7];
	_ =	sdelay $0x3  }
0x33: {  	p0 =	seq.s32 s10, $0x1;
	s10 =	sld [smem:$0x3FB9];
	_ =	sdelay $0x3  }
0x34: {  	[smem:$0x3FB9] =	sst s10  }
0x35: {  	s10 =	sld [smem:$0x3FB8];
	_ =	sdelay $0x3  }
0x36: {  	p1 =	seq.s32 s10, $0x1;
	s10 =	sld [smem:$0x3FB9];
	_ =	sdelay $0x3  }
0x37: {  	[smem:$0x3FB9] =	sst s10  }
0x38: {  	s10 =	sld [smem:$0x3FBA]  }
0x39: {  	_ = 	snop;
	(pc) =	sbr.ind lr, $3  }
0x3a: {  	_ = 	snop  }
0x3b: {  	_ = 	snop  }
0x3c: {  	p2 =	seq.s32 s10, $0x1;
	s10 =	sld [smem:$0x3FB9]  }
0x3d: {  	_ =	shalt  }
0x3e: {  	_ =	shalt  }
0x3f: {  	_ =	shalt  }
0x40: {  	_ =	shalt  }
0x41: {  	_ =	shalt  }
0x42: {  	_ =	shalt  }
0x43: {  	_ =	shalt  }
0x44: {  	_ =	shalt  }
0x45: {  	_ =	shalt  }
0x46: {  	_ =	shalt  }
0x47: {  	_ =	shalt  }
0x48: {  	_ =	shalt  }
0x49: {  	_ =	shalt  }
0x4a: {  	_ =	shalt  }
0x4b: {  	_ =	shalt  }
0x4c: {  	_ =	shalt  }
0x4d: {  	_ =	shalt  }
0x4e: {  	_ =	shalt  }
0x4f: {  	_ =	shalt  }
0x50: {  	_ =	shalt  }
0x51: {  	_ =	shalt  }
0x52: {  	_ =	shalt  }
0x53: {  	_ =	shalt  }
0x54: {  	_ =	shalt  }
0x55: {  	_ =	shalt  }
0x56: {  	_ =	shalt  }
0x57: {  	_ =	shalt  }
0x58: {  	_ =	shalt  }
0x59: {  	_ =	shalt  }
0x5a: {  	_ =	shalt  }
0x5b: {  	_ =	shalt  }
0x5c: {  	_ =	shalt  }
0x5d: {  	_ =	shalt  }
0x5e: {  	_ =	shalt  }
0x5f: {  	_ =	shalt  }
0x60: {  	_ =	shalt  }
0x61: {  	_ =	shalt  }
0x62: {  	_ =	shalt  }
0x63: {  	_ =	shalt  }
0x64: {  	_ =	shalt  }
0x65: {  	_ =	shalt  }
0x66: {  	_ =	shalt  }
0x67: {  	_ =	shalt  }
0x68: {  	_ =	shalt  }
0x69: {  	_ =	shalt  }
0x6a: {  	_ =	shalt  }
0x6b: {  	_ =	shalt  }
0x6c: {  	_ =	shalt  }
0x6d: {  	_ =	shalt  }
0x6e: {  	_ =	shalt  }
0x6f: {  	_ =	shalt  }
0x70: {  	_ =	shalt  }
0x71: {  	_ =	shalt  }
0x72: {  	_ =	shalt  }
0x73: {  	_ =	shalt  }
0x74: {  	_ =	shalt  }
0x75: {  	_ =	shalt  }
0x76: {  	_ =	shalt  }
0x77: {  	_ =	shalt  }
0x78: {  	_ =	shalt  }
0x79: {  	_ =	shalt  }
0x7a: {  	_ =	shalt  }
0x7b: {  	_ =	shalt  }
0x7c: {  	_ =	shalt  }
0x7d: {  	_ =	shalt  }
0x7e: {  	_ =	shalt  }
0x7f: {  	_ =	shalt  }
0x80: {  	_ =	shalt  }
0x81: {  	_ =	shalt  }
0x82: {  	_ =	shalt  }
0x83: {  	_ =	shalt  }
0x84: {  	_ =	shalt  }
0x85: {  	_ =	shalt  }
0x86: {  	_ =	shalt  }
0x87: {  	_ =	shalt  }
.Lfunc_end0:
.L_simem_size_0:
called_computation_lowered:
.L_overlay_start_0:
0x88: {  	s2 =	sld [smem:$0x3FD9]  }
0x89: {  	s3 =	sld [smem:$0x3FFE];
	_ =	sdelay $0x1  }
0x8a: {  	s1 =	srdreg.scid  }
0x8b: {  	s0 =	sand.u32 $0x1, s1  }
0x8c: {  	s17 =	sshll.u32 s0, $0xA;
	s2 =	sadd.s32 s3, s2  }
0x8d: {  	s2 =	sadd.s32 s2, s17  }
0x8e: {  	[smem:$0x3FC5] =	sst s2  }
0x8f: {  	_ = 	snop  }
0x90: {  	s2 =	sld [smem:$0x3FC9]  }
0x91: {  	s18 =	sld [smem:$0x3FD0];
	(tm) =	ssettm $0x1  }
0x92: {  	s4 =	sld [smem:$0x3FFB];
	_ =	sdelay $0x3  }
0x93: {  	_ =	strace s4  }
0x94: {  	s4 =	sld [smem:$0x3FFC];
	_ =	sdelay $0x3  }
0x95: {  	_ =	strace s4  }
0x96: {  	s4 =	sld [smem:$0x3FFD];
	_ =	sdelay $0x3  }
0x97: {  	_ =	strace s4  }
0x98: {  	_ =	strace $0x8FFFFFFF  }
0x99: {  	s19 =	sld [smem:$0x3FDB];
	_ =	sdelay $0x1  }
0x9a: {  	s5 =	simm.s32 $_scs_section_size  }
0x9b: {  	s6 =	simm.s32 $_size__tile_overlayer_lowered;
	s7 =	simm.s32 $_tile_overlayer_lowered  }
0x9c: {  	s22 =	simm.s32 $0x1BFF;
	s21 =	sshll.u32 s7, $0x1;
	s4 =	sadd.s32 s5, s19  }
0x9d: {  	s8 =	simm.s32 $0x0;
	s20 =	sshll.u32 s6, $0x1;
	s6 =	sadd.s32 s21, s4  }
0x9e: {  	[timem:s8], [sflag:s22] =	dma.local [hbm:s6], s20  }
0x9f: {  	_ =	swait.ge [sflag:s22], s20  }
0xa0: {  	s5 =	ssub.s32 $0x0, s20;
	[sflag:s22] =	ssyncset.done $0x0  }
0xa1: {  	[sflag:s22] =	ssyncadd.s32 s5;
	_ =	sdelay $0x1  }
0xa2: {  	s23 =	simm.s32 $0x1B8B  }
0xa3: {  	_ =	swait.ge [sflag:s23], $0x1  }
0xa4: {  	[sflag:s23] =	ssyncset.done $0x0  }
0xa5: {  	s25 =	simm.s32 $0x1B8E;
	s24 =	sld [smem:$0x3FFE];
	[sflag:s23] =	ssyncadd.s32 $0xFFFFFFFF  }
0xa6: {  	s26 =	simm.s32 $execute0_lowered;
	[smem:$0x3FD2] =	sst s25  }
0xa7: {  	s6 =	sshll.u32 s26, $0x1;
	_ =	strace $0x80000046;
	[dreg:$0x1] =	wrdreg $0xFFFFFFFF  }
0xa8: {  	s28 =	simm.s32 $_size_execute0_lowered;
	s4 =	sadd.s32 s4, s6;
	[dreg:$0x0] =	wrdreg $0x0  }
0xa9: {  	s6 =	sshll.u32 s28, $0x1;
	[dreg:$0x2] =	wrdreg s4  }
0xaa: {  	[dreg:$0x3] =	wrdreg s6  }
0xab: {  	[dreg:$0x4] =	wrdreg $0xC0  }
0xac: {  	_ =	task [dreg:s8], $0x5FFFF  }
0xad: {  	[dreg:$0x1] =	wrdreg $0xFFFFFFFF  }
0xae: {  	[dreg:$0x0] =	wrdreg $0x60  }
0xaf: {  	[dreg:$0x2] =	wrdreg s2  }
0xb0: {  	[dreg:$0x3] =	wrdreg s24  }
0xb1: {  	[dreg:$0x4] =	wrdreg s18  }
0xb2: {  	[dreg:$0x5] =	wrdreg $0x9  }
0xb3: {  	_ =	task.clear_ibuf [dreg:s8], $0x6FFFF;
	_ =	strace $0x90000046  }
0xb4: {  	s29 =	simm.s32 $0x9;
	_ =	strace $0x80000048  }
0xb5: {  	_ =	swait.ge [sflag:s29], $0x1  }
0xb6: {  	[sflag:s29] =	ssyncadd.s32 $0xFFFFFFFF  }
0xb7: {  	_ =	strace $0x90000048  }
0xb8: {  	_ =	sfence  }
0xb9: {  	s30 =	sld [smem:$0x0];
	_ =	sdelay $0x2  }
0xba: {  	s31 =	sshll.u32 s1, $0xD;
	s1 =	sshrl.u32 s1, $0x2  }
0xbb: {  	s3 =	sand.u32 $0x4000, s31;
	s1 =	sadd.s32 s1, s30  }
0xbc: {  	s0 =	sor.u32 s3, s0;
	s1 =	sshll.u32 s1, $0x11  }
0xbd: {  	s0 =	sor.u32 s1, s0  }
0xbe: {  	s0 =	sadd.s32 $0x8F2B, s0  }
0xbf: {  	[sflag:s0] =	ssyncadd.remote.s32 $0x1  }
0xc0: {  	_ =	sfence.sel $0xFFFF  }
0xc1: {  	[dreg:$0x0] =	wrdreg $0xFFFFFFFF;
	(pc) =	sbr.abs _section_cstart, $3  }
0xc2: {  	[dreg:$0x1] =	wrdreg $0xFFFFFFFF  }
0xc3: {  	_ =	task.clear_ibuf [dreg:s8], $0x2FFFF;
	_ =	strace $0x9FFFFFFF  }
0xc4: {  	(tm) =	ssettm $0x7FFFFFFF  }
0xc5: {  	_ =	shalt  }
tec
execute0_lowered:
.L_overlay_start_1:
0x0: {  	(tag) =	ssettag $0x1  }
0x1: {  	v0 =	vimm.s32 $0x7654321;
	v1 =	vimm.s32 $0x10765432;
	v2 =	vimm.s32 $0x8FEDCBA9  }
0x2: {  	v3 =	vimm.s32 $0x43210765;
	v4 =	vimm.s32 $0x54321076;
	v5 =	vimm.s32 $0x65432107  }
0x3: {  	v60 =	vimm.s32 $0xDCBA98FE;
	v61 =	vimm.s32 $0xEDCBA98F;
	vm0 =	vcmask $0x1F10  }
0x4: {  	v62 =	vimm.s32 $0x13121110;
	v0 =	vunpack.c.l.s4.s8 v0;
	v1 =	vunpack.c.l.s4.s8 v1  }
0x5: {  	v2 =	vunpack.c.l.s4.s8 v2;
	v3 =	vunpack.c.l.s4.s8 v3;
	v4 =	vunpack.c.l.s4.s8 v4  }
0x6: {  	v5 =	vunpack.c.l.s4.s8 v5;
	v26 =	vunpack.c.0.s8.s32 v0;
	v29 =	vunpack.c.0.s8.s32 v1  }
0x7: {  	v0 =	vimm.s32 $0x21076543;
	v1 =	vimm.s32 $0x32107654;
	v2 =	vunpack.c.0.s8.s32 v2  }
0x8: {  	v7 =	vunpack.c.0.s8.s32 v62;
	v0 =	vunpack.c.l.s4.s8 v0;
	v1 =	vunpack.c.l.s4.s8 v1  }
0x9: {  	v43 =	vunpack.c.0.s8.s32 v3;
	v3 =	vimm.s32 $0xCBA98FED;
	v50 =	vand.u32 $0xF, v2  }
0xa: {  	v2 =	vimm.s32 $0xBA98FEDC;
	v33 =	vunpack.c.0.s8.s32 v0;
	v31 =	vunpack.c.0.s8.s32 v1  }
0xb: {  	v0 =	vimm.s32 $0x98FEDCBA;
	v1 =	vimm.s32 $0xA98FEDCB;
	v2 =	vunpack.c.l.s4.s8 v2  }
0xc: {  	v3 =	vunpack.c.l.s4.s8 v3;
	v0 =	vunpack.c.l.s4.s8 v0;
	v1 =	vunpack.c.l.s4.s8 v1  }
0xd: {  	v32 =	vunpack.c.0.s8.s32 v5;
	v5 =	vunpack.c.l.s4.s8 v61;
	v2 =	vunpack.c.0.s8.s32 v2  }
0xe: {  	v3 =	vunpack.c.0.s8.s32 v3;
	v0 =	vunpack.c.0.s8.s32 v0;
	v1 =	vunpack.c.0.s8.s32 v1  }
0xf: {  	v5 =	vunpack.c.0.s8.s32 v5;
	v35 =	vand.u32 $0xF, v2;
	v2 =	vimm.s32 $0x15141312  }
0x10: {  	v34 =	vand.u32 $0xF, v0;
	v40 =	vand.u32 $0xF, v1;
	v0 =	vand.u32 $0xF, v3  }
0x11: {  	v1 =	vimm.s32 $0x14131211;
	v3 =	vimm.s32 $0x12111017;
	v9 =	vunpack.c.0.s8.s32 v2  }
0x12: {  	[tilespmem:$0x1F800] =	vst v0;
	v0 =	vand.u32 $0xF, v5;
	v6 =	vunpack.c.0.s8.s32 v1;
	v1 =	vimm.s32 $0x11101716  }
0x13: {  	v2 =	vunpack.c.0.s8.s32 v3;
	v3 =	vimm.s32 $0x16151413;
	[tilespmem:$0x1F810] =	vst v0;
	v0 =	vimm.s32 $0x10171615  }
0x14: {  	v1 =	vunpack.c.0.s8.s32 v1;
	v10 =	vunpack.c.0.s8.s32 v3;
	v3 =	vimm.s32 $0x17161514  }
0x15: {  	v45 =	vunpack.c.0.s8.s32 v4;
	v0 =	vunpack.c.0.s8.s32 v0;
	v8 =	vunpack.c.0.s8.s32 v3  }
0x16: {  	v4 =	vunpack.c.l.s4.s8 v60;
	v3 =	vsel vm0, v1, v9;
	v36 =	vsel vm0, v2, v10  }
0x17: {  	v63 =	vsel vm0, v0, v6;
	v15 =	vcombine.low v3, v3;
	v3 =	vsel vm0, v7, v8  }
0x18: {  	v0 =	vsel vm0, v6, v0;
	v17 =	vcombine.low v3, v3;
	v3 =	vimm.s32 $0x1C1B1A19  }
0x19: {  	v18 =	vcombine.low v0, v0;
	v0 =	vimm.s32 $0x181F1E1D;
	v19 =	vunpack.c.0.s8.s32 v3  }
0x1a: {  	v20 =	vunpack.c.0.s8.s32 v0;
	v0 =	vimm.s32 $0x1D1C1B1A;
	v3 =	vimm.s32 $0x19181F1E  }
0x1b: {  	v1 =	vsel vm0, v9, v1;
	v21 =	vunpack.c.0.s8.s32 v0;
	v22 =	vunpack.c.0.s8.s32 v3  }
0x1c: {  	v23 =	vcombine.low v1, v1;
	v0 =	vsel vm0, v10, v2;
	v1 =	vsel vm0, v20, v19  }
0x1d: {  	v24 =	vcombine.low v0, v0;
	v25 =	vcombine.low v1, v1;
	v0 =	vsel vm0, v22, v21  }
0x1e: {  	v1 =	vimm.s32 $0x1B1A1918;
	v60 =	vcombine.low v0, v0;
	v0 =	vimm.s32 $0x1F1E1D1C  }
0x1f: {  	v2 =	vimm.s32 $0x1E1D1C1B;
	v3 =	vunpack.c.0.s8.s32 v1;
	v0 =	vunpack.c.0.s8.s32 v0  }
0x20: {  	v14 =	vcombine.low v63, v63;
	v46 =	vunpack.c.0.s8.s32 v2;
	v2 =	vimm.s32 $0x24232221  }
0x21: {  	v49 =	vunpack.c.0.s8.s32 v2;
	v47 =	vsel vm0, v3, v0;
	v0 =	vimm.s32 $0x20272625  }
0x22: {  	v2 =	vimm.s32 $0x21202726;
	v63 =	vunpack.c.0.s8.s32 v0;
	v0 =	vimm.s32 $0x26252423  }
0x23: {  	v1 =	vimm.s32 $0x1A19181F;
	v53 =	vunpack.c.0.s8.s32 v0;
	v0 =	vimm.s32 $0x2C2B2A29  }
0x24: {  	v52 =	vunpack.c.0.s8.s32 v2;
	v56 =	vunpack.c.0.s8.s32 v0;
	v0 =	vimm.s32 $0x282F2E2D  }
0x25: {  	v59 =	vunpack.c.0.s8.s32 v1;
	v1 =	vimm.s32 $0x25242322;
	v0 =	vunpack.c.0.s8.s32 v0  }
0x26: {  	v2 =	vimm.s32 $0x23222120;
	v51 =	vunpack.c.0.s8.s32 v1;
	v1 =	vimm.s32 $0x27262524  }
0x27: {  	v2 =	vunpack.c.0.s8.s32 v2;
	v1 =	vunpack.c.0.s8.s32 v1;
	[tilespmem:$0x1F850] =	vst v0;
	v0 =	vimm.s32 $0x2D2C2B2A  }
0x28: {  	v0 =	vunpack.c.0.s8.s32 v0  }
0x29: {  	v38 =	vimm.s32 $0x43424140;
	v30 =	vsel vm0, v2, v1;
	v1 =	vimm.s32 $0x29282F2E  }
0x2a: {  	v4 =	vunpack.c.0.s8.s32 v4;
	v57 =	vunpack.c.0.s8.s32 v1;
	[tilespmem:$0x1F860] =	vst v0;
	v0 =	vimm.s32 $0x2E2D2C2B  }
0x2b: {  	v1 =	vimm.s32 $0x2B2A2928;
	v58 =	vunpack.c.0.s8.s32 v0;
	v0 =	vimm.s32 $0x2F2E2D2C  }
0x2c: {  	v2 =	vimm.s32 $0x2A29282F;
	v1 =	vunpack.c.0.s8.s32 v1;
	v0 =	vunpack.c.0.s8.s32 v0  }
0x2d: {  	v39 =	vmovc v3;
	v3 =	vimm.s32 $0x22212027;
	v61 =	vunpack.c.0.s8.s32 v2;
	v2 =	vimm.s32 $0x34333231  }
0x2e: {  	v54 =	vunpack.c.0.s8.s32 v3;
	v62 =	vsel vm0, v1, v0;
	v0 =	vunpack.c.0.s8.s32 v2  }
0x2f: {  	v3 =	vimm.s32 $0x30373635;
	v1 =	vimm.s32 $0x37363534;
	v2 =	vimm.s32 $0x33323130  }
0x30: {  	v1 =	vunpack.c.0.s8.s32 v1;
	v2 =	vunpack.c.0.s8.s32 v2;
	[tilespmem:$0x1F870] =	vst v0;
	v0 =	vunpack.c.0.s8.s32 v3  }
0x31: {  	v44 =	vimm.s32 $0x4F4E4D4C;
	v55 =	vimm.s32 $0x57565554;
	v37 =	vand.u32 $0xF, v4  }
0x32: {  	v4 =	vunpack.c.0.s8.s32 v38;
	v1 =	vsel vm0, v2, v1;
	[tilespmem:$0x1F880] =	vst v0;
	v0 =	vimm.s32 $0x35343332  }
0x33: {  	v2 =	vimm.s32 $0x3B3A3938;
	[tilespmem:$0x1F8B0] =	vst v1;
	v1 =	vimm.s32 $0x3F3E3D3C;
	v0 =	vunpack.c.0.s8.s32 v0  }
0x34: {  	v3 =	vimm.s32 $0x31303736;
	v2 =	vunpack.c.0.s8.s32 v2;
	v1 =	vunpack.c.0.s8.s32 v1  }
0x35: {  	v16 =	vcombine.low v36, v36;
	[tilespmem:$0x1F890] =	vst v0;
	v0 =	vunpack.c.0.s8.s32 v3;
	v3 =	vimm.s32 $0x47464544  }
0x36: {  	[tilespmem:$0x1F840] =	vst v6;
	v36 =	vimm.s32 $0x53525150;
	v1 =	vsel vm0, v2, v1;
	v3 =	vunpack.c.0.s8.s32 v3  }
0x37: {  	v48 =	vimm.s32 $0x4B4A4948;
	v2 =	vunpack.c.0.s8.s32 v36;
	[tilespmem:$0x1F8C0] =	vst v1;
	v1 =	vunpack.c.0.s8.s32 v55  }
0x38: {  	v5 =	vunpack.c.0.s8.s32 v44;
	[tilespmem:$0x1F8A0] =	vst v0;
	v0 =	vimm.s32 $0x36353433;
	v3 =	vsel vm0, v4, v3  }
0x39: {  	v6 =	vunpack.c.0.s8.s32 v48;
	v1 =	vsel vm0, v2, v1;
	v0 =	vunpack.c.0.s8.s32 v0;
	[tilespmem:$0x1F8D0] =	vst v3  }
0x3a: {  	v38 =	vimm.s32 $0x32313037;
	[tilespmem:$0x1F8F0] =	vst v1  }
0x3b: {  	v2 =	vimm.s32 $0x5B5A5958;
	v3 =	vsel vm0, v6, v5;
	[tilespmem:$0x1F900] =	vst v0;
	v0 =	vunpack.c.0.s8.s32 v38  }
0x3c: {  	v1 =	vimm.s32 $0x5F5E5D5C;
	[tilespmem:$0x1F8E0] =	vst v3;
	v3 =	vimm.s32 $0x3C3B3A39  }
0x3d: {  	v2 =	vunpack.c.0.s8.s32 v2;
	v1 =	vunpack.c.0.s8.s32 v1;
	[tilespmem:$0x1F910] =	vst v0;
	v0 =	vunpack.c.0.s8.s32 v3;
	_ =	sdelay $0x1  }
0x3e: {  	[tilespmem:$0x1F920] =	vst v0;
	v0 =	vsel vm0, v2, v1  }
0x3f: {  	[tilespmem:$0x1F930] =	vst v0;
	v0 =	vimm.s32 $0x383F3E3D  }
0x40: {  	v0 =	vunpack.c.0.s8.s32 v0  }
0x41: {  	v1 =	vimm.s32 $0x3D3C3B3A  }
0x42: {  	[tilespmem:$0x1F940] =	vst v0;
	v0 =	vunpack.c.0.s8.s32 v1;
	_ =	sdelay $0x1  }
0x43: {  	[tilespmem:$0x1F950] =	vst v0;
	v0 =	vimm.s32 $0x39383F3E  }
0x44: {  	v0 =	vunpack.c.0.s8.s32 v0;
	_ =	sdelay $0x1  }
0x45: {  	[tilespmem:$0x1F960] =	vst v0;
	v0 =	vimm.s32 $0x3E3D3C3B  }
0x46: {  	v0 =	vunpack.c.0.s8.s32 v0  }
0x47: {  	v1 =	vimm.s32 $0x3A39383F  }
0x48: {  	[tilespmem:$0x1F970] =	vst v0;
	v0 =	vunpack.c.0.s8.s32 v1;
	_ =	sdelay $0x1  }
0x49: {  	[tilespmem:$0x1F980] =	vst v0;
	v0 =	vimm.s32 $0x44434241  }
0x4a: {  	v0 =	vunpack.c.0.s8.s32 v0;
	_ =	sdelay $0x1  }
0x4b: {  	[tilespmem:$0x1F990] =	vst v0;
	v0 =	vimm.s32 $0x40474645  }
0x4c: {  	v0 =	vunpack.c.0.s8.s32 v0  }
0x4d: {  	v1 =	vimm.s32 $0x45444342  }
0x4e: {  	[tilespmem:$0x1F9A0] =	vst v0;
	v0 =	vunpack.c.0.s8.s32 v1;
	_ =	sdelay $0x1  }
0x4f: {  	[tilespmem:$0x1F9B0] =	vst v0;
	v0 =	vimm.s32 $0x41404746  }
0x50: {  	v0 =	vunpack.c.0.s8.s32 v0;
	_ =	sdelay $0x1  }
0x51: {  	[tilespmem:$0x1F9C0] =	vst v0;
	v0 =	vimm.s32 $0x46454443  }
0x52: {  	v0 =	vunpack.c.0.s8.s32 v0  }
0x53: {  	v1 =	vimm.s32 $0x42414047  }
0x54: {  	[tilespmem:$0x1F9D0] =	vst v0;
	v0 =	vunpack.c.0.s8.s32 v1;
	_ =	sdelay $0x1  }
0x55: {  	[tilespmem:$0x1F9E0] =	vst v0;
	v0 =	vimm.s32 $0x4C4B4A49  }
0x56: {  	v0 =	vunpack.c.0.s8.s32 v0;
	_ =	sdelay $0x1  }
0x57: {  	[tilespmem:$0x1F9F0] =	vst v0;
	v0 =	vimm.s32 $0x484F4E4D  }
0x58: {  	v0 =	vunpack.c.0.s8.s32 v0  }
0x59: {  	v1 =	vimm.s32 $0x4D4C4B4A  }
0x5a: {  	[tilespmem:$0x1FA00] =	vst v0;
	v0 =	vunpack.c.0.s8.s32 v1;
	_ =	sdelay $0x1  }
0x5b: {  	[tilespmem:$0x1FA10] =	vst v0;
	v0 =	vimm.s32 $0x49484F4E  }
0x5c: {  	v0 =	vunpack.c.0.s8.s32 v0;
	_ =	sdelay $0x1  }
0x5d: {  	[tilespmem:$0x1FA20] =	vst v0;
	v0 =	vimm.s32 $0x4E4D4C4B  }
0x5e: {  	v0 =	vunpack.c.0.s8.s32 v0  }
0x5f: {  	v1 =	vimm.s32 $0x4A49484F  }
0x60: {  	[tilespmem:$0x1FA30] =	vst v0;
	v0 =	vunpack.c.0.s8.s32 v1;
	_ =	sdelay $0x1  }
0x61: {  	[tilespmem:$0x1FA40] =	vst v0;
	v0 =	vimm.s32 $0x54535251  }
0x62: {  	v0 =	vunpack.c.0.s8.s32 v0;
	_ =	sdelay $0x1  }
0x63: {  	[tilespmem:$0x1FA50] =	vst v0;
	v0 =	vimm.s32 $0x50575655  }
0x64: {  	v0 =	vunpack.c.0.s8.s32 v0  }
0x65: {  	v1 =	vimm.s32 $0x55545352  }
0x66: {  	[tilespmem:$0x1FA60] =	vst v0;
	v0 =	vunpack.c.0.s8.s32 v1;
	_ =	sdelay $0x1  }
0x67: {  	[tilespmem:$0x1FA70] =	vst v0;
	v0 =	vimm.s32 $0x51505756  }
0x68: {  	v0 =	vunpack.c.0.s8.s32 v0;
	_ =	sdelay $0x1  }
0x69: {  	[tilespmem:$0x1FA80] =	vst v0;
	v0 =	vimm.s32 $0x56555453  }
0x6a: {  	v0 =	vunpack.c.0.s8.s32 v0  }
0x6b: {  	v1 =	vimm.s32 $0x52515057  }
0x6c: {  	[tilespmem:$0x1FA90] =	vst v0;
	v0 =	vunpack.c.0.s8.s32 v1;
	_ =	sdelay $0x1  }
0x6d: {  	[tilespmem:$0x1FAA0] =	vst v0;
	v0 =	vimm.s32 $0x5C5B5A59  }
0x6e: {  	v0 =	vunpack.c.0.s8.s32 v0;
	_ =	sdelay $0x1  }
0x6f: {  	[tilespmem:$0x1FAB0] =	vst v0;
	v0 =	vimm.s32 $0x585F5E5D  }
0x70: {  	v0 =	vunpack.c.0.s8.s32 v0  }
0x71: {  	v1 =	vimm.s32 $0x5D5C5B5A  }
0x72: {  	[tilespmem:$0x1FAC0] =	vst v0;
	v0 =	vunpack.c.0.s8.s32 v1;
	_ =	sdelay $0x1  }
0x73: {  	[tilespmem:$0x1FAD0] =	vst v0;
	v0 =	vimm.s32 $0x59585F5E  }
0x74: {  	v0 =	vunpack.c.0.s8.s32 v0;
	_ =	sdelay $0x1  }
0x75: {  	[tilespmem:$0x1FAE0] =	vst v0;
	v0 =	vimm.s32 $0x5E5D5C5B  }
0x76: {  	v0 =	vunpack.c.0.s8.s32 v0  }
0x77: {  	v1 =	vimm.s32 $0x5A59585F  }
0x78: {  	[tilespmem:$0x1FAF0] =	vst v0;
	v0 =	vunpack.c.0.s8.s32 v1;
	_ =	sdelay $0x1  }
0x79: {  	[tilespmem:$0x1FB00] =	vst v0;
	v0 =	vimm.s32 $0x18171615  }
0x7a: {  	v0 =	vunpack.c.0.s8.s32 v0;
	_ =	sdelay $0x1  }
0x7b: {  	[tilespmem:$0x1FB10] =	vst v0;
	v0 =	vimm.s32 $0xC1B1A19  }
0x7c: {  	v0 =	vunpack.c.0.s8.s32 v0  }
0x7d: {  	v1 =	vimm.s32 $0x100F0E0D  }
0x7e: {  	[tilespmem:$0x1FB20] =	vst v0;
	v0 =	vunpack.c.0.s8.s32 v1;
	_ =	sdelay $0x1  }
0x7f: {  	[tilespmem:$0x1FB30] =	vst v0;
	v0 =	vimm.s32 $0x6C6B6A69  }
0x80: {  	v0 =	vunpack.c.0.s8.s32 v0;
	_ =	sdelay $0x1  }
0x81: {  	[tilespmem:$0x1FB40] =	vst v0;
	v0 =	vimm.s32 $0x606F6E6D  }
0x82: {  	v0 =	vunpack.c.0.s8.s32 v0  }
0x83: {  	v1 =	vimm.s32 $0x64636261  }
0x84: {  	[tilespmem:$0x1FB50] =	vst v0;
	v0 =	vunpack.c.0.s8.s32 v1;
	_ =	sdelay $0x1  }
0x85: {  	[tilespmem:$0x1FB60] =	vst v0;
	v0 =	vimm.s32 $0x68676665  }
0x86: {  	v0 =	vunpack.c.0.s8.s32 v0;
	_ =	sdelay $0x1  }
0x87: {  	[tilespmem:$0x1FB70] =	vst v0;
	v0 =	vimm.s32 $0x19181716  }
0x88: {  	v0 =	vunpack.c.0.s8.s32 v0  }
0x89: {  	v1 =	vimm.s32 $0xD0C1B1A  }
0x8a: {  	[tilespmem:$0x1FB80] =	vst v0;
	v0 =	vunpack.c.0.s8.s32 v1;
	_ =	sdelay $0x1  }
0x8b: {  	[tilespmem:$0x1FB90] =	vst v0;
	v0 =	vimm.s32 $0x11100F0E  }
0x8c: {  	v0 =	vunpack.c.0.s8.s32 v0;
	_ =	sdelay $0x1  }
0x8d: {  	[tilespmem:$0x1FBA0] =	vst v0;
	v0 =	vimm.s32 $0x6D6C6B6A  }
0x8e: {  	v0 =	vunpack.c.0.s8.s32 v0  }
0x8f: {  	v1 =	vimm.s32 $0x61606F6E  }
0x90: {  	[tilespmem:$0x1FBB0] =	vst v0;
	v0 =	vunpack.c.0.s8.s32 v1;
	_ =	sdelay $0x1  }
0x91: {  	[tilespmem:$0x1FBC0] =	vst v0;
	v0 =	vimm.s32 $0x65646362  }
0x92: {  	v0 =	vunpack.c.0.s8.s32 v0;
	_ =	sdelay $0x1  }
0x93: {  	[tilespmem:$0x1FBD0] =	vst v0;
	v0 =	vimm.s32 $0x69686766  }
0x94: {  	v0 =	vunpack.c.0.s8.s32 v0  }
0x95: {  	v1 =	vimm.s32 $0x1A191817  }
0x96: {  	[tilespmem:$0x1FBE0] =	vst v0;
	v0 =	vunpack.c.0.s8.s32 v1;
	_ =	sdelay $0x1  }
0x97: {  	[tilespmem:$0x1FBF0] =	vst v0;
	v0 =	vimm.s32 $0xE0D0C1B  }
0x98: {  	v0 =	vunpack.c.0.s8.s32 v0;
	_ =	sdelay $0x1  }
0x99: {  	[tilespmem:$0x1FC00] =	vst v0;
	v0 =	vimm.s32 $0x1211100F  }
0x9a: {  	v0 =	vunpack.c.0.s8.s32 v0  }
0x9b: {  	v1 =	vimm.s32 $0x6E6D6C6B  }
0x9c: {  	[tilespmem:$0x1FC10] =	vst v0;
	v0 =	vunpack.c.0.s8.s32 v1;
	_ =	sdelay $0x1  }
0x9d: {  	[tilespmem:$0x1FC20] =	vst v0;
	v0 =	vimm.s32 $0x6261606F  }
0x9e: {  	v0 =	vunpack.c.0.s8.s32 v0;
	_ =	sdelay $0x1  }
0x9f: {  	[tilespmem:$0x1FC30] =	vst v0;
	v0 =	vimm.s32 $0x66656463  }
0xa0: {  	v0 =	vunpack.c.0.s8.s32 v0  }
0xa1: {  	v1 =	vimm.s32 $0x6A696867  }
0xa2: {  	[tilespmem:$0x1FC40] =	vst v0;
	v0 =	vunpack.c.0.s8.s32 v1;
	_ =	sdelay $0x1  }
0xa3: {  	[tilespmem:$0x1FC50] =	vst v0;
	v0 =	vimm.s32 $0xF0E0D0C  }
0xa4: {  	v0 =	vunpack.c.0.s8.s32 v0;
	_ =	sdelay $0x1  }
0xa5: {  	[tilespmem:$0x1FC60] =	vst v0;
	v0 =	vimm.s32 $0x6F6E6D6C  }
0xa6: {  	v0 =	vunpack.c.0.s8.s32 v0  }
0xa7: {  	v1 =	vimm.s32 $0x63626160  }
0xa8: {  	[tilespmem:$0x1FC70] =	vst v0;
	v0 =	vunpack.c.0.s8.s32 v1;
	_ =	sdelay $0x1  }
0xa9: {  	s4 =	rddreg [dreg:$0x0];
	[tilespmem:$0x1FC80] =	vst v0;
	v0 =	vimm.s32 $0x67666564  }
0xaa: {  	s3 =	rddreg [dreg:$0x1];
	[tilespmem:$0x1F820] =	vst v7;
	v0 =	vunpack.c.0.s8.s32 v0  }
0xab: {  	s5 =	rddreg [dreg:$0x2];
	s1 =	simm.s32 $0x0;
	[tilespmem:$0x1F830] =	vst v8  }
0xac: {  	[smem:$0x7FF] =	sst s1;
	[tilespmem:$0x1FC90] =	vst v0  }
0xad: {  	s0 =	rddreg [dreg:$0x3];
	_ =	strace $0x80000047;
	[tilespmem:$0x1FCE0] =	vst v31  }
0xae: {  	[tilespmem:$0x1FCF0] =	vst v29  }
0xaf: {  	v42 =	vmov v10;
	[tilespmem:$0x1FD00] =	vst v9  }
0xb0: {  	[tilespmem:$0x1FD10] =	vst v42  }
0xb1: {  	[tilespmem:$0x1FD20] =	vst v33  }
0xb2: {  	[tilespmem:$0x1FD30] =	vst v14  }
0xb3: {  	[tilespmem:$0x1FD40] =	vst v15  }
0xb4: {  	[tilespmem:$0x1FD50] =	vst v16  }
0xb5: {  	[tilespmem:$0x1FD60] =	vst v17  }
0xb6: {  	[tilespmem:$0x1FD70] =	vst v18  }
0xb7: {  	[tilespmem:$0x1FD80] =	vst v19  }
0xb8: {  	[tilespmem:$0x1FD90] =	vst v20  }
0xb9: {  	[tilespmem:$0x1FDA0] =	vst v21  }
0xba: {  	[tilespmem:$0x1FDB0] =	vst v22  }
0xbb: {  	[tilespmem:$0x1FDC0] =	vst v23  }
0xbc: {  	[tilespmem:$0x1FDD0] =	vst v24  }
0xbd: {  	[tilespmem:$0x1FDE0] =	vst v25  }
0xbe: {  	[tilespmem:$0x1FDF0] =	vst v60  }
0xbf: {  	[tilespmem:$0x1FE00] =	vst v39  }
0xc0: {  	[tilespmem:$0x1FE10] =	vst v46  }
0xc1: {  	[tilespmem:$0x1FE20] =	vst v59  }
0xc2: {  	[tilespmem:$0x1FE30] =	vst v47  }
0xc3: {  	[tilespmem:$0x1FE40] =	vst v49  }
0xc4: {  	[tilespmem:$0x1FE50] =	vst v63  }
0xc5: {  	[tilespmem:$0x1FE60] =	vst v51  }
0xc6: {  	[tilespmem:$0x1FE70] =	vst v52  }
0xc7: {  	[tilespmem:$0x1FE80] =	vst v53  }
0xc8: {  	[tilespmem:$0x1FE90] =	vst v54  }
0xc9: {  	[tilespmem:$0x1FEA0] =	vst v30  }
0xca: {  	[tilespmem:$0x1FEB0] =	vst v56  }
0xcb: {  	[tilespmem:$0x1FEC0] =	vst v57  }
0xcc: {  	v1 =	vimm.s32 $0x1C1F1E1D;
	[tilespmem:$0x1FED0] =	vst v58  }
0xcd: {  	v11 =	vunpack.c.0.s8.s32 v1;
	v1 =	vimm.s32 $0x71707372;
	[tilespmem:$0x1FEE0] =	vst v61  }
0xce: {  	v13 =	vunpack.c.0.s8.s32 v1;
	v1 =	vlaneseq.u32;
	[tilespmem:$0x1FEF0] =	vst v62  }
0xcf: {  	v2 =	vmul.u32 $0x80, v1;
	[tilespmem:$0x1FF00] =	vst v11  }
0xd0: {  	[tilespmem:$0x1FF30] =	vst v13  }
0xd1: {  	v1 =	vand.u32 $0x7, v1;
	[tilespmem:$0x1FF50] =	vst v2  }
0xd2: {  	v55 =	vor.u32 $0x8, v1;
	[tilespmem:$0x1FF60] =	vst v1  }
0xd3: {  	[tilespmem:$0x1FF70] =	vst v55  }
0xd4: {  	[tilespmem:$0x1FF80] =	vst v35  }
0xd5: {  	[tilespmem:$0x1FF90] =	vst v40  }
0xd6: {  	[tilespmem:$0x1FFA0] =	vst v34  }
0xd7: {  	v0 =	vimm.s32 $0x6B6A6968;
	[tilespmem:$0x1FFB0] =	vst v50  }
0xd8: {  	v0 =	vunpack.c.0.s8.s32 v0;
	[tilespmem:$0x1FFC0] =	vst v32  }
0xd9: {  	[tilespmem:$0x1FFD0] =	vst v45  }
0xda: {  	[tilespmem:$0x1FCA0] =	vst v0;
	v0 =	vimm.s32 $0x70737271  }
0xdb: {  	[tilespmem:$0x1FFE0] =	vst v43;
	v12 =	vunpack.c.0.s8.s32 v0;
	v0 =	vimm.s32 $0x1D1C1F1E  }
0xdc: {  	s6 =	srdreg.scid;
	s2 =	stileid.u32;
	[tilespmem:$0x1FFF0] =	vst v26;
	v44 =	vunpack.c.0.s8.s32 v0;
	v0 =	vimm.s32 $0x1E1D1C1F  }
0xdd: {  	s10 =	simm.s32 $0x8080;
	s11 =	simm.s32 $0x0;
	s6 =	sand.u32 $0x1, s6;
	v48 =	vunpack.c.0.s8.s32 v0;
	v0 =	vimm.s32 $0x72717073;
	[tilespmem:$0x1FF10] =	vst v12  }
0xde: {  	s7 =	sshll.u32 s2, $0x9;
	s8 =	sshll.u32 s6, $0x8;
	s6 =	ssub.s32 $0x2, s6;
	v0 =	vunpack.c.0.s8.s32 v0;
	[tilespmem:$0x1FF20] =	vst v44  }
0xdf: {  	s3 =	sadd.s32 $0x400, s3;
	s7 =	sor.u32 s8, s7;
	s31 =	sshrl.u32 s6, $0x1;
	[tilespmem:$0x1FF40] =	vst v48  }
0xe0: {  	s8 =	simm.s32 $0x8000;
	s9 =	sshll.u32 s7, $0x9;
	s7 =	sshrl.u32 s7, $0x3;
	[tilespmem:$0x1FCB0] =	vst v0;
	v0 =	vor.u32 $0x10, v1  }
0xe1: {  	s6 =	ssub.s32 s6, s31;
	s4 =	sadd.s32 s4, s9;
	s5 =	sadd.s32 s5, s7;
	[tilespmem:$0x1FCC0] =	vst v0;
	v0 =	vor.u32 $0x18, v1  }
0xe2: {  	s6 =	smax.u32 s6, $0x1;
	s7 =	simm.s32 $0x400;
	s9 =	simm.s32 $0x1;
	v41 =	vmov v9;
	[tilespmem:$0x1FCD0] =	vst v0  }
.LBB2_1:
0xe3: {  	[tilespmem:s1], [sflag:$0x1] =	stream.strided.gather [hbm4b:s4+s7], $0x8000, s8, s7, $0x38;
	[tilespmem:$0x8180] =	vst v63  }
0xe4: {  	_ =	swait.ge [sflag:s9], $0x8000  }
0xe5: {  	[sflag:s9] =	ssyncset.done $0x0  }
0xe6: {  	[sflag:s9] =	ssyncadd.s32 $0xFFFF8000  }
0xe7: {  	[tilespmem:s8], [sflag:$0x1] =	stream.linear.gather [hbm4b:s3+s1], $0x80, $0x38;
	[tilespmem:$0x8180] =	vst v63  }
0xe8: {  	_ =	swait.ge [sflag:s9], $0x80  }
0xe9: {  	[sflag:s9] =	ssyncset.done $0x0  }
0xea: {  	[sflag:s9] =	ssyncadd.s32 $0xFFFFFF80  }
0xeb: {  	v0 =	vld [tilespmem:$0x8000];
	_ =	sdelay $0x4  }
0xec: {  	v3 =	vbroadcast v0, $0x0;
	_ =	sdelay $0x1  }
0xed: {  	[tilespmem:$0x1F730] =	vst v3;
	v3 =	vbroadcast v0, $0x1;
	_ =	sdelay $0x1  }
0xee: {  	[tilespmem:$0x1F740] =	vst v3;
	v3 =	vbroadcast v0, $0x2;
	_ =	sdelay $0x1  }
0xef: {  	[tilespmem:$0x1F750] =	vst v3;
	v3 =	vbroadcast v0, $0x3;
	_ =	sdelay $0x1  }
0xf0: {  	[tilespmem:$0x1F760] =	vst v3;
	v3 =	vbroadcast v0, $0x4;
	_ =	sdelay $0x1  }
0xf1: {  	[tilespmem:$0x1F770] =	vst v3;
	v3 =	vbroadcast v0, $0x5;
	_ =	sdelay $0x1  }
0xf2: {  	[tilespmem:$0x1F780] =	vst v3;
	v3 =	vbroadcast v0, $0x6;
	_ =	sdelay $0x1  }
0xf3: {  	[tilespmem:$0x1F790] =	vst v3;
	v3 =	vbroadcast v0, $0x7;
	_ =	sdelay $0x1  }
0xf4: {  	[tilespmem:$0x1F7A0] =	vst v3;
	v3 =	vbroadcast v0, $0x8;
	_ =	sdelay $0x1  }
0xf5: {  	[tilespmem:$0x1F7B0] =	vst v3;
	v3 =	vbroadcast v0, $0x9;
	_ =	sdelay $0x1  }
0xf6: {  	[tilespmem:$0x1F7C0] =	vst v3;
	v3 =	vbroadcast v0, $0xA;
	v0 =	vbroadcast v0, $0xB;
	_ =	sdelay $0x1  }
0xf7: {  	[tilespmem:$0x1F7E0] =	vst v0;
	v0 =	vld.msk [tilespmem:$0x8020 ss:$0x0], $0xffff;
	_ =	sdelay $0x3  }
0xf8: {  	[tilespmem:$0x1F7D0] =	vst v3  }
0xf9: {  	s12 =	simm.s32 $0x8090;
	s13 =	simm.s32 $0x0;
	[tilespmem:$0x1F7F0] =	vst v0  }
.LBB2_2:
0xfa: {  	_ = 	snop  }
0xfb: {  	v0 =	vmov s13  }
0xfc: {  	v0 =	vshll.u32 v0, $0x7  }
0xfd: {  	v9 =	vld [tilespmem:$0x1FF70];
	v7 =	vor.u32 v2, v0  }
0xfe: {  	v36 =	vld [tilespmem:$0x1F730];
	v0 =	vor.u32 v1, v7  }
0xff: {  	v44 =	vmov v57;
	v57 =	vld [tilespmem:$0x1F860];
	v1 =	vor.u32 v26, v7  }
0x100: {  	v55 =	vmov v58;
	v58 =	vld [tilespmem:$0x1F850];
	v2 =	vor.u32 v29, v7  }
0x101: {  	v3 =	vor.u32 v33, v7;
	v4 =	vor.u32 v31, v7;
	v11 =	vor.u32 v34, v7;
	v34 =	vld [tilespmem:$0x1F800]  }
0x102: {  	v8 =	vor.u32 v32, v7;
	v13 =	vor.u32 v35, v7;
	v35 =	vmovc v37;
	v32 =	vor.u32 v37, v7;
	v37 =	vld [tilespmem:$0x1F810]  }
0x103: {  	v5 =	vor.u32 v43, v7;
	v0 =	vld.idx.msk [tilespmem:v0+s1+$0x0], $0xffff  }
0x104: {  	v12 =	vor.u32 v40, v7;
	v1 =	vld.idx.msk [tilespmem:v1+s1+$0x0], $0xffff  }
0x105: {  	v2 =	vld.idx.msk [tilespmem:v2+s1+$0x0], $0xffff  }
0x106: {  	v6 =	vor.u32 v45, v7;
	v3 =	vld.idx.msk [tilespmem:v3+s1+$0x0], $0xffff  }
0x107: {  	v9 =	vor.u32 v9, v7;
	v4 =	vld.idx.msk [tilespmem:v4+s1+$0x0], $0xffff  }
0x108: {  	v10 =	vor.u32 v50, v7;
	v5 =	vld.idx.msk [tilespmem:v5+s1+$0x0], $0xffff  }
0x109: {  	v43 =	vld.idx.msk [tilespmem:v12+s1+$0x0], $0xffff  }
0x10a: {  	v12 =	vld [tilespmem:$0x1FCC0]  }
0x10b: {  	v6 =	vld.idx.msk [tilespmem:v6+s1+$0x0], $0xffff  }
0x10c: {  	v50 =	vor.u32 v34, v7;
	v0 =	vmax.f32 v0, v1;
	v1 =	vld.idx.msk [tilespmem:v9+s1+$0x0], $0xffff  }
0x10d: {  	v0 =	vmax.f32 v0, v2;
	v2 =	vld.idx.msk [tilespmem:v10+s1+$0x0], $0xffff  }
0x10e: {  	v40 =	vor.u32 v37, v7;
	v0 =	vmax.f32 v0, v3;
	v3 =	vld.idx.msk [tilespmem:v11+s1+$0x0], $0xffff  }
0x10f: {  	v8 =	vld.idx.msk [tilespmem:v8+s1+$0x0], $0xffff;
	v12 =	vor.u32 v12, v7  }
0x110: {  	v45 =	vld.idx.msk [tilespmem:v13+s1+$0x0], $0xffff  }
0x111: {  	v27 =	vmov v39;
	v13 =	vor.u32 v14, v7;
	v48 =	vld.idx.msk [tilespmem:v50+s1+$0x0], $0xffff  }
0x112: {  	v50 =	vor.u32 v15, v7;
	v0 =	vmax.f32 v0, v4;
	v1 =	vmax.f32 v1, v2;
	v2 =	vld.idx.msk [tilespmem:v32+s1+$0x0], $0xffff  }
0x113: {  	v15 =	vsel vm0, v19, v20;
	v0 =	vmax.f32 v0, v5;
	v1 =	vmax.f32 v1, v3;
	v3 =	vld.idx.msk [tilespmem:v40+s1+$0x0], $0xffff  }
0x114: {  	v39 =	vor.u32 v17, v7;
	v19 =	vcombine.low v15, v15;
	v0 =	vmax.f32 v0, v6;
	v40 =	vld.idx.msk [tilespmem:v12+s1+$0x0], $0xffff  }
0x115: {  	v15 =	vsel vm0, v21, v22;
	v0 =	vmax.f32 v0, v8;
	v32 =	vor.u32 v16, v7;
	v12 =	vld [tilespmem:$0x1F7F0]  }
0x116: {  	v1 =	vmax.f32 v1, v43;
	v43 =	vor.u32 v18, v7;
	v18 =	vcombine.low v15, v15;
	v15 =	vld [tilespmem:$0x1F740]  }
0x117: {  	v17 =	vcombine.low v47, v47;
	v0 =	vmul.f32 v0, v36;
	v1 =	vmax.f32 v1, v45;
	v45 =	vld.idx.msk [tilespmem:v13+s1+$0x0], $0xffff  }
0x118: {  	v36 =	vor.u32 v25, v7;
	v13 =	vsel vm0, v59, v46;
	v1 =	vmax.f32 v1, v48;
	v48 =	vld.idx.msk [tilespmem:v50+s1+$0x0], $0xffff  }
0x119: {  	[tilespmem:$0x1F0D0] =	vst v17;
	v16 =	vsel vm0, v46, v59;
	v14 =	vcombine.low v13, v13;
	v13 =	vor.u32 v60, v7;
	v60 =	vld [tilespmem:$0x1F760]  }
0x11a: {  	v17 =	vor.u32 v17, v7;
	v16 =	vcombine.low v16, v16;
	v1 =	vmax.f32 v1, v2;
	v2 =	vld.idx.msk [tilespmem:v32+s1+$0x0], $0xffff  }
0x11b: {  	v32 =	vld [tilespmem:$0x1FCD0]  }
0x11c: {  	[tilespmem:$0x1F100] =	vst v16;
	v16 =	vor.u32 v16, v7;
	v1 =	vmax.f32 v1, v3;
	v3 =	vld.idx.msk [tilespmem:v39+s1+$0x0], $0xffff  }
0x11d: {  	v50 =	vor.u32 v24, v7;
	v10 =	vld.idx.msk [tilespmem:v36+s1+$0x0], $0xffff  }
0x11e: {  	[tilespmem:$0x1F0E0] =	vst v19;
	v0 =	vadd.f32 v0, v12;
	v11 =	vld.idx.msk [tilespmem:v43+s1+$0x0], $0xffff  }
0x11f: {  	v12 =	vor.u32 v23, v7;
	[tilespmem:$0x1F0C0] =	vst v14;
	v14 =	vor.u32 v14, v7;
	v43 =	vld.idx.msk [tilespmem:v17+s1+$0x0], $0xffff  }
0x120: {  	[tilespmem:$0x1F0F0] =	vst v18;
	v4 =	vmax.f32 v40, v45;
	v40 =	vor.u32 v19, v7;
	v19 =	vld [tilespmem:$0x1FF60];
	v8 =	vor.u32 v32, v7  }
0x121: {  	v1 =	vmul.f32 v1, v15;
	v15 =	vor.u32 v18, v7;
	v18 =	vsel vm0, v63, v49;
	v46 =	vld.idx.msk [tilespmem:v16+s1+$0x0], $0xffff  }
0x122: {  	v20 =	vcombine.low v18, v18;
	v18 =	vsel vm0, v52, v51;
	v9 =	vld.idx.msk [tilespmem:v50+s1+$0x0], $0xffff  }
0x123: {  	v13 =	vld.idx.msk [tilespmem:v13+s1+$0x0], $0xffff;
	v21 =	vcombine.low v18, v18  }
0x124: {  	v18 =	vsel vm0, v54, v53;
	v4 =	vmax.f32 v4, v48;
	v0 =	vadd.f32 v1, v0;
	v12 =	vld.idx.msk [tilespmem:v12+s1+$0x0], $0xffff  }
0x125: {  	[tilespmem:$0x1F120] =	vst v20;
	v17 =	vor.u32 v20, v7;
	v22 =	vcombine.low v18, v18;
	v19 =	vor.u32 $0x20, v19;
	v39 =	vld.idx.msk [tilespmem:v8+s1+$0x0], $0xffff  }
0x126: {  	v2 =	vmax.f32 v4, v2;
	v14 =	vld.idx.msk [tilespmem:v14+s1+$0x0], $0xffff;
	[tilespmem:$0x1F110] =	vst v19;
	v19 =	vor.u32 v19, v7  }
0x127: {  	v20 =	vsel vm0, v49, v63;
	[tilespmem:$0x1F130] =	vst v21;
	v2 =	vmax.f32 v2, v3;
	v45 =	vld.idx.msk [tilespmem:v15+s1+$0x0], $0xffff  }
0x128: {  	v18 =	vor.u32 v21, v7;
	v21 =	vcombine.low v30, v30;
	v2 =	vmax.f32 v2, v11;
	v8 =	vld.idx.msk [tilespmem:v40+s1+$0x0], $0xffff  }
0x129: {  	v20 =	vcombine.low v20, v20;
	v15 =	vor.u32 v22, v7;
	v1 =	vmax.f32 v2, v12;
	v12 =	vld [tilespmem:$0x1F750]  }
0x12a: {  	v11 =	vld [tilespmem:$0x1FF60];
	v47 =	vor.u32 v21, v7;
	v3 =	vmax.f32 v39, v10  }
0x12b: {  	v48 =	vld.idx.msk [tilespmem:v19+s1+$0x0], $0xffff;
	v3 =	vmax.f32 v3, v13;
	v13 =	vor.u32 v20, v7  }
0x12c: {  	v2 =	vmax.f32 v3, v14;
	v3 =	vld.idx.msk [tilespmem:v17+s1+$0x0], $0xffff  }
0x12d: {  	v49 =	vld.idx.msk [tilespmem:v18+s1+$0x0], $0xffff;
	v1 =	vmax.f32 v1, v9;
	v2 =	vmax.f32 v2, v43  }
0x12e: {  	v50 =	vsel vm0, v51, v52;
	v51 =	vld.idx.msk [tilespmem:v15+s1+$0x0], $0xffff;
	v1 =	vmul.f32 v1, v12;
	v2 =	vmax.f32 v2, v8  }
0x12f: {  	v52 =	vld.idx.msk [tilespmem:v47+s1+$0x0], $0xffff;
	v47 =	vsel vm0, v56, v58;
	v2 =	vmax.f32 v2, v45  }
0x130: {  	v0 =	vadd.f32 v1, v0;
	v1 =	vmax.f32 v2, v46;
	v2 =	vld.idx.msk [tilespmem:v13+s1+$0x0], $0xffff;
	v13 =	vcombine.low v47, v47  }
0x131: {  	v16 =	vld [tilespmem:$0x1F880];
	v1 =	vmul.f32 v1, v60;
	v3 =	vmax.f32 v48, v3  }
0x132: {  	v9 =	vcombine.low v50, v50;
	v3 =	vmax.f32 v3, v49;
	[tilespmem:$0x1F1E0] =	vst v13;
	v50 =	vor.u32 v13, v7;
	v13 =	vld [tilespmem:$0x1FF60]  }
0x133: {  	v18 =	vld [tilespmem:$0x1F8A0];
	v0 =	vadd.f32 v1, v0;
	v1 =	vmax.f32 v3, v51  }
0x134: {  	v17 =	vld [tilespmem:$0x1F890];
	v1 =	vmax.f32 v1, v52;
	v52 =	vsel vm0, v55, v61  }
0x135: {  	v63 =	vsel vm0, v53, v54;
	[tilespmem:$0x1F160] =	vst v20;
	v5 =	vor.u32 $0x28, v11;
	v15 =	vld [tilespmem:$0x1F870];
	v19 =	vcombine.low v52, v52  }
0x136: {  	v25 =	vld [tilespmem:$0x1F970];
	v40 =	vsel vm0, v61, v55;
	v36 =	vor.u32 v5, v7;
	[tilespmem:$0x1F170] =	vst v9;
	v48 =	vsel vm0, v57, v44  }
0x137: {  	v12 =	vcombine.low v48, v48;
	[tilespmem:$0x1F200] =	vst v19;
	v20 =	vor.u32 $0x30, v13;
	v54 =	vor.u32 v19, v7;
	v19 =	vld [tilespmem:$0x1F900]  }
0x138: {  	v59 =	vor.u32 v9, v7;
	v9 =	vcombine.low v63, v63;
	[tilespmem:$0x1F210] =	vst v20;
	v55 =	vor.u32 v20, v7;
	v20 =	vld [tilespmem:$0x1F910]  }
0x139: {  	v24 =	vld [tilespmem:$0x1F960];
	v10 =	vsel vm0, v58, v56;
	[tilespmem:$0x1F1F0] =	vst v12;
	v51 =	vor.u32 v12, v7;
	v12 =	vsel vm0, v18, v17  }
0x13a: {  	v63 =	vld [tilespmem:$0x1F9B0];
	v32 =	vcombine.low v10, v10;
	v53 =	vsel vm0, v16, v15;
	v14 =	vcombine.low v12, v12  }
0x13b: {  	v58 =	vld [tilespmem:$0x1F980];
	v13 =	vcombine.low v53, v53  }
0x13c: {  	v4 =	vld.idx.msk [tilespmem:v36+s1+$0x0], $0xffff;
	v8 =	vor.u32 v32, v7;
	[tilespmem:$0x1F230] =	vst v14  }
0x13d: {  	v36 =	vld [tilespmem:$0x1F9C0];
	[tilespmem:$0x1F220] =	vst v13;
	v12 =	vor.u32 v13, v7;
	v13 =	vor.u32 v14, v7;
	v14 =	vsel vm0, v20, v19  }
0x13e: {  	v39 =	vsel vm0, v44, v57;
	v23 =	vcombine.low v14, v14;
	v14 =	vld [tilespmem:$0x1F8B0]  }
0x13f: {  	v43 =	vcombine.low v39, v39;
	v39 =	vld [tilespmem:$0x1F9E0];
	v46 =	vcombine.low v62, v62;
	v3 =	vor.u32 v9, v7  }
0x140: {  	v62 =	vld [tilespmem:$0x1F9A0]  }
0x141: {  	[tilespmem:$0x1F140] =	vst v22;
	v49 =	vor.u32 v46, v7;
	v48 =	vld [tilespmem:$0x1F9D0]  }
0x142: {  	[tilespmem:$0x1F150] =	vst v21;
	v8 =	vld.idx.msk [tilespmem:v8+s1+$0x0], $0xffff  }
0x143: {  	v1 =	vmax.f32 v1, v2;
	v2 =	vld.idx.msk [tilespmem:v59+s1+$0x0], $0xffff;
	v22 =	vcombine.low v14, v14;
	v14 =	vsel vm0, v15, v16  }
0x144: {  	[tilespmem:$0x1F190] =	vst v5;
	v3 =	vld.idx.msk [tilespmem:v3+s1+$0x0], $0xffff;
	v21 =	vcombine.low v14, v14;
	v14 =	vsel vm0, v17, v18  }
0x145: {  	[tilespmem:$0x1F180] =	vst v9;
	v15 =	vsel vm0, v19, v20;
	v17 =	vcombine.low v14, v14;
	v14 =	vld [tilespmem:$0x1F770]  }
0x146: {  	v5 =	vld.idx.msk [tilespmem:v49+s1+$0x0], $0xffff;
	[tilespmem:$0x1F240] =	vst v23;
	v18 =	vcombine.low v15, v15  }
0x147: {  	v16 =	vor.u32 v23, v7;
	v23 =	vld [tilespmem:$0x1F950];
	[tilespmem:$0x1F250] =	vst v22  }
0x148: {  	v45 =	vcombine.low v40, v40;
	v1 =	vmax.f32 v1, v2;
	v57 =	vor.u32 v22, v7;
	v22 =	vld [tilespmem:$0x1F940];
	[tilespmem:$0x1F280] =	vst v18  }
0x149: {  	v1 =	vmax.f32 v1, v3;
	[tilespmem:$0x1F270] =	vst v17;
	v15 =	vor.u32 v17, v7;
	v17 =	vor.u32 v18, v7;
	v18 =	vld [tilespmem:$0x1FF60]  }
0x14a: {  	v9 =	vor.u32 v43, v7;
	[tilespmem:$0x1F260] =	vst v21;
	v1 =	vmul.f32 v1, v14;
	v14 =	vor.u32 v21, v7;
	v21 =	vld [tilespmem:$0x1F920]  }
0x14b: {  	v6 =	vld.idx.msk [tilespmem:v50+s1+$0x0], $0xffff;
	v2 =	vor.u32 v45, v7  }
0x14c: {  	v10 =	vld.idx.msk [tilespmem:v51+s1+$0x0], $0xffff  }
0x14d: {  	v51 =	vld [tilespmem:$0x1F780]  }
0x14e: {  	v56 =	vld.idx.msk [tilespmem:v54+s1+$0x0], $0xffff  }
0x14f: {  	v3 =	vld.idx.msk [tilespmem:v9+s1+$0x0], $0xffff;
	v19 =	vsel vm0, v24, v23;
	v20 =	vor.u32 $0x38, v18;
	v18 =	vsel vm0, v22, v21  }
0x150: {  	v2 =	vld.idx.msk [tilespmem:v2+s1+$0x0], $0xffff;
	v19 =	vcombine.low v19, v19;
	v26 =	vcombine.low v18, v18;
	v18 =	vsel vm0, v58, v25  }
0x151: {  	v59 =	vld.idx.msk [tilespmem:v16+s1+$0x0], $0xffff;
	[tilespmem:$0x1F290] =	vst v20;
	v16 =	vor.u32 v20, v7;
	v20 =	vcombine.low v18, v18  }
0x152: {  	v11 =	vld.idx.msk [tilespmem:v55+s1+$0x0], $0xffff;
	[tilespmem:$0x1F2B0] =	vst v19  }
0x153: {  	v4 =	vmax.f32 v4, v8;
	v18 =	vor.u32 v19, v7;
	[tilespmem:$0x1F2C0] =	vst v20;
	v19 =	vor.u32 v20, v7;
	v20 =	vld [tilespmem:$0x1F8C0]  }
0x154: {  	v12 =	vld.idx.msk [tilespmem:v12+s1+$0x0], $0xffff;
	v3 =	vmax.f32 v4, v3  }
0x155: {  	v13 =	vld.idx.msk [tilespmem:v13+s1+$0x0], $0xffff;
	v2 =	vmax.f32 v3, v2  }
0x156: {  	v3 =	vld.idx.msk [tilespmem:v57+s1+$0x0], $0xffff;
	v0 =	vadd.f32 v1, v0;
	v1 =	vmax.f32 v2, v5  }
0x157: {  	[tilespmem:$0x1F1D0] =	vst v46;
	v15 =	vld.idx.msk [tilespmem:v15+s1+$0x0], $0xffff;
	v1 =	vmax.f32 v1, v6;
	v60 =	vor.u32 v26, v7  }
0x158: {  	[tilespmem:$0x1F2A0] =	vst v26;
	v26 =	vcombine.low v20, v20;
	v20 =	vsel vm0, v21, v22;
	v21 =	vsel vm0, v25, v58;
	v25 =	vld [tilespmem:$0x1F990]  }
0x159: {  	v46 =	vmax.f32 v11, v12;
	v17 =	vld.idx.msk [tilespmem:v17+s1+$0x0], $0xffff;
	v1 =	vmax.f32 v1, v10;
	v30 =	vcombine.low v20, v20  }
0x15a: {  	v14 =	vld.idx.msk [tilespmem:v14+s1+$0x0], $0xffff;
	v20 =	vsel vm0, v23, v24;
	v21 =	vcombine.low v21, v21;
	v22 =	vor.u32 v26, v7  }
0x15b: {  	v8 =	vmax.f32 v46, v13;
	v1 =	vmax.f32 v1, v56;
	v56 =	vld [tilespmem:$0x1F790];
	v20 =	vcombine.low v20, v20  }
0x15c: {  	v4 =	vmax.f32 v8, v59;
	v1 =	vmul.f32 v1, v51;
	v2 =	vld.idx.msk [tilespmem:v16+s1+$0x0], $0xffff;
	[tilespmem:$0x1F300] =	vst v21  }
0x15d: {  	v23 =	vld [tilespmem:$0x1FF60];
	[tilespmem:$0x1F2F0] =	vst v20;
	v16 =	vor.u32 v20, v7;
	v20 =	vor.u32 v21, v7;
	v21 =	vsel vm0, v62, v25  }
0x15e: {  	v3 =	vmax.f32 v4, v3;
	v18 =	vld.idx.msk [tilespmem:v18+s1+$0x0], $0xffff;
	v24 =	vcombine.low v21, v21  }
0x15f: {  	v0 =	vadd.f32 v1, v0;
	v3 =	vmax.f32 v3, v14;
	v40 =	vld.idx.msk [tilespmem:v22+s1+$0x0], $0xffff  }
0x160: {  	v1 =	vmax.f32 v3, v15;
	v61 =	vor.u32 v30, v7;
	[tilespmem:$0x1F320] =	vst v24;
	v22 =	vor.u32 v24, v7;
	v24 =	vld [tilespmem:$0x1F8D0]  }
0x161: {  	[tilespmem:$0x1F1B0] =	vst v43;
	v1 =	vmax.f32 v1, v17;
	v9 =	vld.idx.msk [tilespmem:v60+s1+$0x0], $0xffff  }
0x162: {  	v1 =	vmul.f32 v1, v56;
	v19 =	vld.idx.msk [tilespmem:v19+s1+$0x0], $0xffff;
	[tilespmem:$0x1F2D0] =	vst v26;
	v23 =	vor.u32 $0x40, v23;
	v21 =	vsel vm0, v36, v63  }
0x163: {  	v38 =	vld [tilespmem:$0x1F820];
	[tilespmem:$0x1F310] =	vst v23;
	v23 =	vor.u32 v23, v7;
	v26 =	vcombine.low v21, v21;
	v21 =	vsel vm0, v39, v48  }
0x164: {  	v0 =	vadd.f32 v1, v0;
	v1 =	vld [tilespmem:$0x1F7A0];
	[tilespmem:$0x1F2E0] =	vst v30;
	v43 =	vcombine.low v21, v21  }
0x165: {  	v5 =	vld.idx.msk [tilespmem:v61+s1+$0x0], $0xffff;
	v21 =	vor.u32 v26, v7;
	v30 =	vcombine.low v24, v24;
	v24 =	vsel vm0, v25, v62  }
0x166: {  	[tilespmem:$0x1F330] =	vst v26;
	v16 =	vld.idx.msk [tilespmem:v16+s1+$0x0], $0xffff;
	v26 =	vcombine.low v24, v24;
	v24 =	vor.u32 v43, v7  }
0x167: {  	[tilespmem:$0x1F1C0] =	vst v45;
	v45 =	vld.idx.msk [tilespmem:v20+s1+$0x0], $0xffff;
	v20 =	vor.u32 v30, v7  }
0x168: {  	v47 =	vld.idx.msk [tilespmem:v23+s1+$0x0], $0xffff;
	v25 =	vsel vm0, v63, v36;
	v12 =	vor.u32 v26, v7  }
0x169: {  	v23 =	vsel vm0, v48, v39;
	v13 =	vld.idx.msk [tilespmem:v22+s1+$0x0], $0xffff;
	v25 =	vcombine.low v25, v25  }
0x16a: {  	v2 =	vmax.f32 v2, v9;
	v50 =	vld.idx.msk [tilespmem:v21+s1+$0x0], $0xffff;
	v21 =	vcombine.low v23, v23  }
0x16b: {  	v2 =	vmax.f32 v2, v18;
	v22 =	vor.u32 v25, v7;
	v52 =	vld.idx.msk [tilespmem:v24+s1+$0x0], $0xffff  }
0x16c: {  	[tilespmem:$0x1F1A0] =	vst v32;
	v2 =	vmax.f32 v2, v19;
	v14 =	vor.u32 v21, v7;
	v53 =	vld.idx.msk [tilespmem:v20+s1+$0x0], $0xffff  }
0x16d: {  	[tilespmem:$0x1F340] =	vst v43;
	v2 =	vmax.f32 v2, v40;
	v3 =	vld.idx.msk [tilespmem:v12+s1+$0x0], $0xffff  }
0x16e: {  	v59 =	vld [tilespmem:$0x1FA00];
	v2 =	vmax.f32 v2, v5;
	[tilespmem:$0x1F350] =	vst v30;
	v54 =	vmax.f32 v47, v13  }
0x16f: {  	v58 =	vld [tilespmem:$0x1F9F0];
	v2 =	vmax.f32 v2, v16;
	[tilespmem:$0x1F360] =	vst v26;
	v5 =	vmax.f32 v54, v50  }
0x170: {  	v2 =	vmax.f32 v2, v45;
	[tilespmem:$0x1F370] =	vst v25;
	v55 =	vld.idx.msk [tilespmem:v22+s1+$0x0], $0xffff;
	v4 =	vmax.f32 v5, v52  }
0x171: {  	[tilespmem:$0x1F380] =	vst v21;
	v1 =	vmul.f32 v2, v1;
	v57 =	vld.idx.msk [tilespmem:v14+s1+$0x0], $0xffff;
	v2 =	vmax.f32 v4, v53  }
0x172: {  	v2 =	vmax.f32 v2, v3;
	v3 =	vld [tilespmem:$0x1FF60]  }
0x173: {  	v60 =	vld [tilespmem:$0x1FA10]  }
0x174: {  	v61 =	vld [tilespmem:$0x1FA20]  }
0x175: {  	v63 =	vld [tilespmem:$0x1FA30]  }
0x176: {  	v12 =	vld [tilespmem:$0x1FA40];
	_ =	sdelay $0x1  }
0x177: {  	v36 =	vld [tilespmem:$0x1F8E0]  }
0x178: {  	v0 =	vadd.f32 v1, v0;
	v15 =	vld [tilespmem:$0x1FA60];
	v1 =	vmax.f32 v2, v55;
	v2 =	vsel vm0, v59, v58  }
0x179: {  	v48 =	vld [tilespmem:$0x1F7B0];
	v13 =	vcombine.low v2, v2;
	v2 =	vsel vm0, v61, v60  }
0x17a: {  	v51 =	vld [tilespmem:$0x1FF60];
	v62 =	vcombine.low v2, v2;
	v2 =	vsel vm0, v12, v63  }
0x17b: {  	v16 =	vld [tilespmem:$0x1FA70];
	v14 =	vcombine.low v2, v2  }
0x17c: {  	v39 =	vsel vm0, v58, v59;
	v17 =	vld [tilespmem:$0x1FA80]  }
0x17d: {  	v18 =	vld [tilespmem:$0x1FA90];
	[tilespmem:$0x1F3C0] =	vst v14;
	v40 =	vor.u32 v14, v7;
	v14 =	vcombine.low v39, v39  }
0x17e: {  	v19 =	vld [tilespmem:$0x1FAA0]  }
0x17f: {  	[tilespmem:$0x1F3E0] =	vst v14;
	v46 =	vor.u32 v14, v7;
	v14 =	vld [tilespmem:$0x1FA50]  }
0x180: {  	v23 =	vld [tilespmem:$0x1FAE0];
	v32 =	vor.u32 v13, v7  }
0x181: {  	v24 =	vld [tilespmem:$0x1FAF0];
	[tilespmem:$0x1F3A0] =	vst v13;
	v3 =	vor.u32 $0x48, v3;
	v13 =	vcombine.low v36, v36  }
0x182: {  	v25 =	vld [tilespmem:$0x1FB00];
	v43 =	vsel vm0, v60, v61;
	v45 =	vsel vm0, v63, v12;
	[tilespmem:$0x1F390] =	vst v3;
	v3 =	vor.u32 v3, v7  }
0x183: {  	v60 =	vld [tilespmem:$0x1F7C0];
	v12 =	vor.u32 $0x50, v51;
	[tilespmem:$0x1F3D0] =	vst v13;
	v44 =	vor.u32 v13, v7;
	v13 =	vcombine.low v43, v43  }
0x184: {  	v11 =	vcombine.low v45, v45;
	v45 =	vld [tilespmem:$0x1F840];
	v53 =	vor.u32 v12, v7;
	v47 =	vsel vm0, v15, v14  }
0x185: {  	[tilespmem:$0x1F3F0] =	vst v13;
	v4 =	vld.idx.msk [tilespmem:v32+s1+$0x0], $0xffff;
	v49 =	vor.u32 v13, v7;
	v13 =	vcombine.low v47, v47  }
0x186: {  	v1 =	vmax.f32 v1, v57;
	v39 =	vld [tilespmem:$0x1FC10]  }
0x187: {  	v1 =	vmul.f32 v1, v48;
	v2 =	vor.u32 v62, v7;
	[tilespmem:$0x1F420] =	vst v13;
	v54 =	vor.u32 v13, v7;
	v13 =	vld [tilespmem:$0x1F8F0]  }
0x188: {  	v52 =	vsel vm0, v17, v16;
	v50 =	vor.u32 v11, v7;
	v3 =	vld.idx.msk [tilespmem:v3+s1+$0x0], $0xffff  }
0x189: {  	v20 =	vcombine.low v52, v52;
	[tilespmem:$0x1F410] =	vst v12;
	v0 =	vadd.f32 v1, v0;
	v1 =	vld.idx.msk [tilespmem:v44+s1+$0x0], $0xffff  }
0x18a: {  	v12 =	vsel vm0, v19, v18;
	[tilespmem:$0x1F400] =	vst v11;
	v11 =	vld.idx.msk [tilespmem:v53+s1+$0x0], $0xffff  }
0x18b: {  	v21 =	vcombine.low v12, v12;
	v12 =	vor.u32 v20, v7;
	v44 =	vld [tilespmem:$0x1FBB0]  }
0x18c: {  	v2 =	vld.idx.msk [tilespmem:v2+s1+$0x0], $0xffff;
	v22 =	vcombine.low v13, v13;
	v13 =	vsel vm0, v14, v15  }
0x18d: {  	[tilespmem:$0x1F430] =	vst v20;
	v5 =	vld.idx.msk [tilespmem:v50+s1+$0x0], $0xffff;
	v20 =	vcombine.low v13, v13  }
0x18e: {  	[tilespmem:$0x1F440] =	vst v21;
	v15 =	vsel vm0, v18, v19;
	v13 =	vor.u32 v21, v7;
	v21 =	vld [tilespmem:$0x1FAC0]  }
0x18f: {  	v18 =	vcombine.low v15, v15;
	[tilespmem:$0x1F460] =	vst v20;
	v15 =	vor.u32 v20, v7;
	v20 =	vld [tilespmem:$0x1FAB0]  }
0x190: {  	v12 =	vld.idx.msk [tilespmem:v12+s1+$0x0], $0xffff;
	v14 =	vsel vm0, v16, v17  }
0x191: {  	v17 =	vcombine.low v14, v14;
	[tilespmem:$0x1F450] =	vst v22;
	v14 =	vor.u32 v22, v7;
	v22 =	vld [tilespmem:$0x1FAD0]  }
0x192: {  	v6 =	vld.idx.msk [tilespmem:v40+s1+$0x0], $0xffff  }
0x193: {  	v10 =	vld.idx.msk [tilespmem:v49+s1+$0x0], $0xffff;
	v3 =	vmax.f32 v3, v4  }
0x194: {  	v9 =	vld.idx.msk [tilespmem:v46+s1+$0x0], $0xffff;
	v2 =	vmax.f32 v3, v2;
	v16 =	vsel vm0, v21, v20  }
0x195: {  	v30 =	vlaneseq.u32;
	v55 =	vld.idx.msk [tilespmem:v54+s1+$0x0], $0xffff;
	[tilespmem:$0x1F470] =	vst v17;
	v56 =	vor.u32 v17, v7;
	v19 =	vcombine.low v16, v16  }
0x196: {  	[tilespmem:$0x1F480] =	vst v18;
	v17 =	vsel vm0, v23, v22;
	v3 =	vld.idx.msk [tilespmem:v14+s1+$0x0], $0xffff;
	v16 =	vor.u32 v18, v7;
	v18 =	vor.u32 $0x58, v30  }
0x197: {  	v26 =	vcombine.low v17, v17;
	v17 =	vor.u32 v18, v7;
	[tilespmem:$0x1F4A0] =	vst v19;
	v14 =	vor.u32 v19, v7;
	v19 =	vld [tilespmem:$0x1F930]  }
0x198: {  	v13 =	vld.idx.msk [tilespmem:v13+s1+$0x0], $0xffff;
	[tilespmem:$0x1F490] =	vst v18;
	v18 =	vsel vm0, v25, v24  }
0x199: {  	v15 =	vld.idx.msk [tilespmem:v15+s1+$0x0], $0xffff;
	v57 =	vcombine.low v18, v18;
	v18 =	vor.u32 v26, v7  }
0x19a: {  	v8 =	vld.idx.msk [tilespmem:v56+s1+$0x0], $0xffff  }
0x19b: {  	v16 =	vld.idx.msk [tilespmem:v16+s1+$0x0], $0xffff  }
0x19c: {  	[tilespmem:$0x1F4B0] =	vst v26;
	v58 =	vld.idx.msk [tilespmem:v17+s1+$0x0], $0xffff;
	v36 =	vcombine.low v19, v19;
	v19 =	vsel vm0, v20, v21  }
0x19d: {  	v20 =	vsel vm0, v22, v23;
	v59 =	vld.idx.msk [tilespmem:v14+s1+$0x0], $0xffff;
	v26 =	vcombine.low v19, v19;
	v19 =	vor.u32 v57, v7  }
0x19e: {  	v43 =	vld.idx.msk [tilespmem:v18+s1+$0x0], $0xffff;
	v22 =	vcombine.low v20, v20;
	v20 =	vor.u32 v36, v7  }
0x19f: {  	v23 =	vld [tilespmem:$0x1FB50];
	v17 =	vor.u32 v26, v7  }
0x1a0: {  	v2 =	vmax.f32 v2, v6;
	v21 =	vsel vm0, v24, v25;
	v24 =	vld [tilespmem:$0x1FB60];
	v40 =	vor.u32 v22, v7  }
0x1a1: {  	v1 =	vmax.f32 v2, v1;
	v2 =	vmax.f32 v11, v55;
	v25 =	vld [tilespmem:$0x1FB70]  }
0x1a2: {  	v2 =	vmax.f32 v2, v12;
	v14 =	vld.idx.msk [tilespmem:v19+s1+$0x0], $0xffff  }
0x1a3: {  	v2 =	vmax.f32 v2, v13;
	v13 =	vld.idx.msk [tilespmem:v20+s1+$0x0], $0xffff  }
0x1a4: {  	v1 =	vmax.f32 v1, v9;
	v17 =	vld.idx.msk [tilespmem:v17+s1+$0x0], $0xffff  }
0x1a5: {  	[tilespmem:$0x1F4C0] =	vst v57;
	v21 =	vcombine.low v21, v21;
	v4 =	vmax.f32 v58, v59;
	v57 =	vld.idx.msk [tilespmem:v40+s1+$0x0], $0xffff  }
0x1a6: {  	v1 =	vmax.f32 v1, v10;
	v2 =	vmax.f32 v2, v3;
	[tilespmem:$0x1F4F0] =	vst v22;
	v22 =	vld [tilespmem:$0x1FB40];
	v3 =	vmax.f32 v4, v43  }
0x1a7: {  	v1 =	vmax.f32 v1, v5;
	[tilespmem:$0x1F500] =	vst v21;
	v12 =	vor.u32 v21, v7;
	v21 =	vld [tilespmem:$0x1FB30];
	v3 =	vmax.f32 v3, v14  }
0x1a8: {  	v1 =	vmul.f32 v1, v60;
	v19 =	vld [tilespmem:$0x1FB10];
	v3 =	vmax.f32 v3, v13  }
0x1a9: {  	v20 =	vld [tilespmem:$0x1FB20];
	v3 =	vmax.f32 v3, v17  }
0x1aa: {  	v0 =	vadd.f32 v1, v0;
	v1 =	vmax.f32 v3, v57;
	v3 =	vld [tilespmem:$0x1F7D0]  }
0x1ab: {  	v49 =	vld [tilespmem:$0x1FBD0];
	v56 =	vadd.s32 $0xC, v30;
	v2 =	vmax.f32 v2, v15  }
0x1ac: {  	v46 =	vld [tilespmem:$0x1FBA0];
	v18 =	vor.u32 $0x60, v30;
	v51 =	vsel vm0, v25, v24;
	v61 =	vsel vm0, v23, v22  }
0x1ad: {  	v47 =	vld [tilespmem:$0x1FBC0];
	v2 =	vmax.f32 v2, v8;
	[tilespmem:$0x1F510] =	vst v18;
	v18 =	vor.u32 v18, v7;
	v50 =	vcombine.low v51, v61  }
0x1ae: {  	v54 =	vld [tilespmem:$0x1FBE0];
	v2 =	vmax.f32 v2, v16;
	v53 =	vsel vm0, v45, v21;
	v52 =	vsel vm0, v20, v19  }
0x1af: {  	v55 =	vld [tilespmem:$0x1FC20];
	[tilespmem:$0x1F4E0] =	vst v26;
	v58 =	vor.u32 v50, v7;
	v26 =	vcombine.low v53, v52;
	v2 =	vmul.f32 v2, v3  }
0x1b0: {  	v59 =	vld.idx.msk [tilespmem:v12+s1+$0x0], $0xffff  }
0x1b1: {  	v0 =	vadd.f32 v2, v0;
	v2 =	vld [tilespmem:$0x1F7E0]  }
0x1b2: {  	v63 =	vld.idx.msk [tilespmem:v56+s8+$0x0], $0xffff  }
0x1b3: {  	[tilespmem:$0x1F3B0] =	vst v62;
	v62 =	vld.idx.msk [tilespmem:v18+s1+$0x0], $0xffff  }
0x1b4: {  	v3 =	vld.idx.msk [tilespmem:v58+s1+$0x0], $0xffff  }
0x1b5: {  	v1 =	vmax.f32 v1, v59;
	v32 =	vld.idx.msk [tilespmem:v26+s8+$0x0], $0xffff  }
0x1b6: {  	[tilespmem:$0x1F530] =	vst v56;
	v56 =	vld [tilespmem:$0x1FC30];
	v1 =	vmul.f32 v1, v2  }
0x1b7: {  	v18 =	vld [tilespmem:$0x1FB90]  }
0x1b8: {  	v40 =	vld [tilespmem:$0x1FC40];
	v0 =	vadd.f32 v1, v0;
	v1 =	vmul.f32 v62, v63  }
0x1b9: {  	v17 =	vld [tilespmem:$0x1FB80]  }
0x1ba: {  	v0 =	vadd.f32 v1, v0;
	v1 =	vmul.f32 v3, v32;
	v32 =	vld [tilespmem:$0x1FC50]  }
0x1bb: {  	v43 =	vld [tilespmem:$0x1FC80]  }
0x1bc: {  	v5 =	vsel vm0, v54, v49;
	v4 =	vsel vm0, v47, v44;
	v62 =	vld [tilespmem:$0x1FC60]  }
0x1bd: {  	v28 =	vmov v42;
	[tilespmem:$0x1F4D0] =	vst v36;
	v6 =	vsel vm0, v56, v55;
	v36 =	vcombine.low v5, v4;
	v57 =	vld [tilespmem:$0x1FC00]  }
0x1be: {  	v42 =	vmovc v41;
	v60 =	vsel vm0, v22, v25;
	v22 =	vsel vm0, v19, v45;
	v59 =	vsel vm0, v24, v23;
	v58 =	vld [tilespmem:$0x1FBF0]  }
0x1bf: {  	[tilespmem:$0x1F540] =	vst v36;
	v2 =	vsel vm0, v18, v17;
	v3 =	vsel vm0, v41, v46;
	v41 =	vld [tilespmem:$0x1FC90];
	v8 =	vsel vm0, v32, v40  }
0x1c0: {  	[tilespmem:$0x1F550] =	vst v26;
	v26 =	vadd.f32 v1, v0;
	v1 =	vor.u32 v36, v7;
	v36 =	vld [tilespmem:$0x1FC70];
	v0 =	vcombine.low v8, v6  }
0x1c1: {  	v19 =	vcombine.low v60, v59;
	v48 =	vcombine.low v3, v2;
	v16 =	vsel vm0, v62, v27;
	v27 =	vld [tilespmem:$0x1F830]  }
0x1c2: {  	v11 =	vsel vm0, v28, v39;
	[tilespmem:$0x1F560] =	vst v0;
	v10 =	vor.u32 v0, v7;
	v0 =	vld [tilespmem:$0x1FCA0]  }
0x1c3: {  	v44 =	vsel vm0, v44, v54;
	[tilespmem:$0x1F5A0] =	vst v19;
	v19 =	vor.u32 v19, v7;
	v63 =	vsel vm0, v49, v47  }
0x1c4: {  	v9 =	vsel vm0, v57, v58;
	v47 =	vsel vm0, v17, v42;
	v17 =	vcombine.low v44, v63  }
0x1c5: {  	[tilespmem:$0x1F520] =	vst v50;
	v50 =	vcombine.low v11, v9;
	v49 =	vsel vm0, v40, v56;
	v54 =	vsel vm0, v55, v32  }
0x1c6: {  	[tilespmem:$0x1F5C0] =	vst v17;
	v56 =	vor.u32 v17, v7;
	v17 =	vcombine.low v54, v49;
	v1 =	vld.idx.msk [tilespmem:v1+s1+$0x0], $0xffff  }
0x1c7: {  	v14 =	vsel vm0, v43, v36;
	v45 =	vld.idx.msk [tilespmem:v48+s8+$0x0], $0xffff;
	v15 =	vsel vm0, v27, v38;
	v13 =	vsel vm0, v0, v41  }
0x1c8: {  	v21 =	vsel vm0, v21, v20;
	v24 =	vcombine.low v15, v16;
	v12 =	vcombine.low v13, v14  }
0x1c9: {  	v23 =	vcombine.low v22, v21;
	v57 =	vsel vm0, v39, v57;
	[tilespmem:$0x1F5E0] =	vst v17  }
0x1ca: {  	v46 =	vsel vm0, v46, v18;
	v39 =	vor.u32 v17, v7;
	v17 =	vld [tilespmem:$0x1FE00];
	[tilespmem:$0x1F580] =	vst v12;
	v12 =	vor.u32 v12, v7  }
0x1cb: {  	v25 =	vcombine.low v47, v46;
	v55 =	vld.idx.msk [tilespmem:v50+s8+$0x0], $0xffff  }
0x1cc: {  	v1 =	vmul.f32 v1, v45;
	v45 =	vld.idx.msk [tilespmem:v19+s1+$0x0], $0xffff  }
0x1cd: {  	v58 =	vsel vm0, v58, v28;
	[tilespmem:$0x1F590] =	vst v50;
	v10 =	vld.idx.msk [tilespmem:v10+s1+$0x0], $0xffff  }
0x1ce: {  	v18 =	vsel vm0, v41, v43;
	v19 =	vsel vm0, v38, v62;
	v20 =	vsel vm0, v36, v0;
	v41 =	vld.idx.msk [tilespmem:v24+s8+$0x0], $0xffff  }
0x1cf: {  	v50 =	vsel vm0, v17, v27;
	v0 =	vcombine.low v20, v18;
	v18 =	vcombine.low v58, v57;
	v12 =	vld.idx.msk [tilespmem:v12+s1+$0x0], $0xffff  }
0x1d0: {  	v62 =	vld.idx.msk [tilespmem:v23+s8+$0x0], $0xffff;
	v17 =	vcombine.low v50, v19  }
0x1d1: {  	v38 =	vld.idx.msk [tilespmem:v25+s8+$0x0], $0xffff;
	v20 =	vcombine.low v61, v51;
	v19 =	vcombine.low v52, v53  }
0x1d2: {  	[tilespmem:$0x1F600] =	vst v0;
	v32 =	vor.u32 v0, v7;
	v0 =	vadd.f32 v1, v26;
	v1 =	vmul.f32 v10, v55  }
0x1d3: {  	[tilespmem:$0x1F570] =	vst v48;
	v36 =	vld.idx.msk [tilespmem:v56+s1+$0x0], $0xffff  }
0x1d4: {  	v50 =	vld.idx.msk [tilespmem:v39+s1+$0x0], $0xffff;
	v48 =	vor.u32 v20, v7;
	v0 =	vadd.f32 v1, v0;
	v1 =	vmul.f32 v12, v41  }
0x1d5: {  	v12 =	vcombine.low v2, v3;
	v2 =	vld.idx.msk [tilespmem:v18+s8+$0x0], $0xffff  }
0x1d6: {  	v53 =	vcombine.low v14, v13;
	v13 =	vld.idx.msk [tilespmem:v17+s8+$0x0], $0xffff;
	v0 =	vadd.f32 v1, v0;
	v1 =	vmul.f32 v45, v62  }
0x1d7: {  	v59 =	vcombine.low v59, v60;
	[tilespmem:$0x1F620] =	vst v20;
	v51 =	vld.idx.msk [tilespmem:v32+s1+$0x0], $0xffff  }
0x1d8: {  	v20 =	vcombine.low v6, v8;
	v60 =	vld.idx.msk [tilespmem:v19+s8+$0x0], $0xffff;
	v0 =	vadd.f32 v1, v0;
	v1 =	vmul.f32 v36, v38  }
0x1d9: {  	v52 =	vcombine.low v9, v11;
	v55 =	vld.idx.msk [tilespmem:v48+s1+$0x0], $0xffff  }
0x1da: {  	v14 =	vor.u32 v20, v7;
	v0 =	vadd.f32 v1, v0;
	v1 =	vmul.f32 v50, v2;
	_ =	sdelay $0x1  }
0x1db: {  	v0 =	vadd.f32 v1, v0;
	v1 =	vmul.f32 v51, v13;
	_ =	sdelay $0x1  }
0x1dc: {  	v0 =	vadd.f32 v1, v0;
	v1 =	vmul.f32 v55, v60  }
0x1dd: {  	v32 =	vcombine.low v49, v54;
	v49 =	vand.u32 $0x3, v30;
	v13 =	vld.idx.msk [tilespmem:v14+s1+$0x0], $0xffff  }
0x1de: {  	[tilespmem:$0x1F690] =	vst v52;
	v14 =	vld.idx.msk [tilespmem:v52+s8+$0x0], $0xffff;
	v1 =	vadd.f32 v1, v0;
	v0 =	vor.u32 $0x70, v49  }
0x1df: {  	[tilespmem:$0x1F700] =	vst v0;
	v52 =	vor.u32 v0, v7;
	v0 =	vld [tilespmem:$0x1FF10];
	_ =	sdelay $0x4  }
0x1e0: {  	v54 =	vor.u32 v0, v7;
	v0 =	vld [tilespmem:$0x1FF30];
	_ =	sdelay $0x1  }
0x1e1: {  	[tilespmem:$0x1F5D0] =	vst v23;
	v23 =	vcombine.low v4, v5;
	_ =	sdelay $0x1  }
0x1e2: {  	v3 =	vor.u32 v23, v7  }
0x1e3: {  	v55 =	vor.u32 v0, v7;
	v0 =	vld [tilespmem:$0x1FCB0];
	_ =	sdelay $0x1  }
0x1e4: {  	v61 =	vcombine.low v63, v44  }
0x1e5: {  	v56 =	vcombine.low v16, v15;
	v15 =	vor.u32 v53, v7  }
0x1e6: {  	v63 =	vor.u32 v59, v7;
	v44 =	vor.u32 v61, v7;
	v16 =	vld.idx.msk [tilespmem:v3+s1+$0x0], $0xffff  }
0x1e7: {  	v48 =	vor.u32 v32, v7;
	v3 =	vcombine.low v46, v47;
	v7 =	vor.u32 v0, v7;
	v0 =	vld [tilespmem:$0x1FF00]  }
0x1e8: {  	[tilespmem:$0x1F5F0] =	vst v25;
	v25 =	vld [tilespmem:$0x1FFE0];
	v2 =	vcombine.low v21, v22  }
0x1e9: {  	v62 =	vld.idx.msk [tilespmem:v12+s8+$0x0], $0xffff  }
0x1ea: {  	v36 =	vld.idx.msk [tilespmem:v15+s1+$0x0], $0xffff  }
0x1eb: {  	v15 =	vld.idx.msk [tilespmem:v56+s8+$0x0], $0xffff  }
0x1ec: {  	v50 =	vld.idx.msk [tilespmem:v63+s1+$0x0], $0xffff  }
0x1ed: {  	[tilespmem:$0x1F680] =	vst v53;
	v38 =	vcombine.low v57, v58;
	v53 =	vld.idx.msk [tilespmem:v3+s8+$0x0], $0xffff  }
0x1ee: {  	v16 =	vmul.f32 v16, v62;
	v51 =	vld.idx.msk [tilespmem:v2+s8+$0x0], $0xffff  }
0x1ef: {  	v58 =	vld.idx.msk [tilespmem:v0+s8+$0x0], $0xffff  }
0x1f0: {  	v13 =	vmul.f32 v13, v14;
	v16 =	vadd.f32 v16, v1;
	v0 =	vld [tilespmem:$0x1FF20]  }
0x1f1: {  	v14 =	vld.idx.msk [tilespmem:v44+s1+$0x0], $0xffff  }
0x1f2: {  	v10 =	vmul.f32 v36, v15;
	v15 =	vld.idx.msk [tilespmem:v48+s1+$0x0], $0xffff;
	v13 =	vadd.f32 v13, v16  }
0x1f3: {  	v16 =	vld.idx.msk [tilespmem:v38+s8+$0x0], $0xffff  }
0x1f4: {  	[tilespmem:$0x1F5B0] =	vst v24;
	v24 =	vld [tilespmem:$0x1FF80];
	v10 =	vadd.f32 v10, v13;
	v13 =	vmul.f32 v50, v51  }
0x1f5: {  	[tilespmem:$0x1F660] =	vst v20;
	v20 =	vld [tilespmem:$0x1F3C0]  }
0x1f6: {  	[tilespmem:$0x1F650] =	vst v19;
	v19 =	vld [tilespmem:$0x1F390];
	v10 =	vadd.f32 v13, v10;
	v13 =	vmul.f32 v14, v53  }
0x1f7: {  	[tilespmem:$0x1F610] =	vst v18;
	v18 =	vld [tilespmem:$0x1F250]  }
0x1f8: {  	v1 =	vor.u32 $0x1C, v49;
	v10 =	vadd.f32 v13, v10;
	v13 =	vmul.f32 v15, v16;
	v16 =	vld.idx.msk [tilespmem:v0+s8+$0x0], $0xffff  }
0x1f9: {  	v0 =	vld [tilespmem:$0x1FF40]  }
0x1fa: {  	v21 =	vld [tilespmem:$0x1FF90]  }
0x1fb: {  	v22 =	vld [tilespmem:$0x1F3D0]  }
0x1fc: {  	[tilespmem:$0x1F6B0] =	vst v56;
	v56 =	vld.idx.msk [tilespmem:v52+s1+$0x0], $0xffff  }
0x1fd: {  	v57 =	vld.idx.msk [tilespmem:v1+s8+$0x0], $0xffff  }
0x1fe: {  	v14 =	vld.idx.msk [tilespmem:v54+s1+$0x0], $0xffff  }
0x1ff: {  	v15 =	vld.idx.msk [tilespmem:v55+s1+$0x0], $0xffff  }
0x200: {  	v55 =	vld [tilespmem:$0x1FFF0]  }
0x201: {  	v60 =	vld.idx.msk [tilespmem:v0+s8+$0x0], $0xffff  }
0x202: {  	[tilespmem:$0x1F6A0] =	vst v59;
	v10 =	vadd.f32 v13, v10;
	v13 =	vmul.f32 v56, v57;
	v0 =	vld [tilespmem:$0x1FF50]  }
0x203: {  	[tilespmem:$0x1F6C0] =	vst v61;
	v59 =	vld.idx.msk [tilespmem:v7+s1+$0x0], $0xffff  }
0x204: {  	s14 =	sadd.s32 $0x10, s13;
	[tilespmem:$0x1F6F0] =	vst v3;
	v3 =	vld [tilespmem:$0x1FDE0];
	v61 =	vadd.f32 v13, v10;
	v62 =	vmul.f32 v14, v58  }
0x205: {  	[tilespmem:$0x1F6D0] =	vst v2;
	v2 =	vld [tilespmem:$0x1FCD0];
	v13 =	vmov s14  }
0x206: {  	v52 =	vld [tilespmem:$0x1FFD0];
	v63 =	vshll.u32 v13, $0x7;
	v10 =	vadd.f32 v62, v61;
	v14 =	vmul.f32 v15, v16  }
0x207: {  	v7 =	vor.u32 v0, v63;
	v0 =	vld [tilespmem:$0x1FF60]  }
0x208: {  	v61 =	vld [tilespmem:$0x1FFC0];
	v10 =	vadd.f32 v14, v10;
	v13 =	vmul.f32 v59, v60;
	v15 =	vor.u32 v55, v7  }
0x209: {  	v56 =	vld [tilespmem:$0x1FFB0];
	v16 =	vor.u32 v33, v7  }
0x20a: {  	[tilespmem:$0x1F720] =	vst v1;
	v1 =	vld [tilespmem:$0x1FDD0];
	v6 =	vor.u32 v31, v7;
	v10 =	vadd.f32 v13, v10  }
0x20b: {  	[tilespmem:$0x1F6E0] =	vst v32;
	v53 =	vld [tilespmem:$0x1FFA0];
	v32 =	vor.u32 v25, v7  }
0x20c: {  	v33 =	vor.u32 v52, v7;
	[tilespmem:s12+$0xFFFFFFF0] =	vst v10;
	v14 =	vor.u32 v0, v7;
	v0 =	vld [tilespmem:$0x1FF70]  }
0x20d: {  	v36 =	vor.u32 v61, v7;
	v15 =	vld.idx.msk [tilespmem:v15+s1+$0x0], $0xffff  }
0x20e: {  	v57 =	vor.u32 v56, v7;
	v16 =	vld.idx.msk [tilespmem:v16+s1+$0x0], $0xffff  }
0x20f: {  	v10 =	vld.idx.msk [tilespmem:v6+s1+$0x0], $0xffff  }
0x210: {  	v58 =	vor.u32 v53, v7;
	v41 =	vld.idx.msk [tilespmem:v32+s1+$0x0], $0xffff  }
0x211: {  	v59 =	vor.u32 v21, v7;
	v42 =	vld.idx.msk [tilespmem:v33+s1+$0x0], $0xffff  }
0x212: {  	v60 =	vor.u32 v24, v7;
	v44 =	vld.idx.msk [tilespmem:v36+s1+$0x0], $0xffff  }
0x213: {  	v62 =	vor.u32 v34, v7;
	v46 =	vld.idx.msk [tilespmem:v57+s1+$0x0], $0xffff  }
0x214: {  	[tilespmem:$0x1F710] =	vst v38;
	v38 =	vor.u32 v0, v7;
	v0 =	vld [tilespmem:$0x1FCC0]  }
0x215: {  	v63 =	vor.u32 v35, v7;
	v47 =	vld.idx.msk [tilespmem:v58+s1+$0x0], $0xffff  }
0x216: {  	v4 =	vor.u32 v37, v7;
	v48 =	vld.idx.msk [tilespmem:v59+s1+$0x0], $0xffff  }
0x217: {  	v49 =	vld.idx.msk [tilespmem:v60+s1+$0x0], $0xffff  }
0x218: {  	v13 =	vor.u32 v29, v7;
	v50 =	vld.idx.msk [tilespmem:v62+s1+$0x0], $0xffff  }
0x219: {  	v5 =	vor.u32 v0, v7;
	v0 =	vld [tilespmem:$0x1FD30]  }
0x21a: {  	v51 =	vld.idx.msk [tilespmem:v63+s1+$0x0], $0xffff  }
0x21b: {  	v54 =	vld.idx.msk [tilespmem:v4+s1+$0x0], $0xffff  }
0x21c: {  	v14 =	vld.idx.msk [tilespmem:v14+s1+$0x0], $0xffff  }
0x21d: {  	v13 =	vld.idx.msk [tilespmem:v13+s1+$0x0], $0xffff  }
0x21e: {  	v6 =	vor.u32 v0, v7;
	v0 =	vld [tilespmem:$0x1FD40]  }
0x21f: {  	v33 =	vld [tilespmem:$0x1FDF0]  }
0x220: {  	v3 =	vor.u32 v3, v7;
	v45 =	vld.idx.msk [tilespmem:v38+s1+$0x0], $0xffff  }
0x221: {  	v14 =	vmax.f32 v14, v15;
	v15 =	vld [tilespmem:$0x1F230]  }
0x222: {  	v13 =	vmax.f32 v14, v13;
	v14 =	vld [tilespmem:$0x1F240]  }
0x223: {  	v8 =	vor.u32 v0, v7;
	v0 =	vld [tilespmem:$0x1FD50]  }
0x224: {  	v57 =	vld.idx.msk [tilespmem:v5+s1+$0x0], $0xffff  }
0x225: {  	v5 =	vld.idx.msk [tilespmem:v3+s1+$0x0], $0xffff  }
0x226: {  	v2 =	vor.u32 v2, v7;
	v3 =	vld [tilespmem:$0x1F1F0]  }
0x227: {  	v13 =	vmax.f32 v13, v16;
	v16 =	vmax.f32 v45, v46;
	v45 =	vor.u32 v18, v7;
	v18 =	vld [tilespmem:$0x1F270]  }
0x228: {  	v10 =	vmax.f32 v13, v10;
	v13 =	vmax.f32 v16, v47;
	v9 =	vor.u32 v0, v7;
	v0 =	vld [tilespmem:$0x1FD60]  }
0x229: {  	v16 =	vld [tilespmem:$0x1F260];
	v13 =	vmax.f32 v13, v48  }
0x22a: {  	v15 =	vor.u32 v15, v7;
	v13 =	vmax.f32 v13, v49;
	v49 =	vld [tilespmem:$0x1FE40]  }
0x22b: {  	v58 =	vld.idx.msk [tilespmem:v6+s1+$0x0], $0xffff  }
0x22c: {  	v6 =	vld.idx.msk [tilespmem:v2+s1+$0x0], $0xffff  }
0x22d: {  	v11 =	vor.u32 v0, v7;
	v0 =	vld [tilespmem:$0x1FD70]  }
0x22e: {  	v14 =	vor.u32 v14, v7;
	v2 =	vld [tilespmem:$0x1F1E0]  }
0x22f: {  	v15 =	vld.idx.msk [tilespmem:v15+s1+$0x0], $0xffff  }
0x230: {  	v10 =	vmax.f32 v10, v41;
	v41 =	vor.u32 v18, v7;
	v18 =	vld [tilespmem:$0x1F280]  }
0x231: {  	v45 =	vld.idx.msk [tilespmem:v45+s1+$0x0], $0xffff  }
0x232: {  	v4 =	vor.u32 v33, v7;
	v13 =	vmax.f32 v13, v50;
	v32 =	vor.u32 v0, v7;
	v0 =	vld [tilespmem:$0x1FDC0]  }
0x233: {  	v3 =	vor.u32 v3, v7;
	v13 =	vmax.f32 v13, v51;
	v14 =	vld.idx.msk [tilespmem:v14+s1+$0x0], $0xffff  }
0x234: {  	v13 =	vmax.f32 v13, v54;
	v54 =	vld [tilespmem:$0x1FE90]  }
0x235: {  	v10 =	vmax.f32 v10, v42;
	v42 =	vor.u32 v18, v7;
	v18 =	vld [tilespmem:$0x1F290]  }
0x236: {  	v59 =	vld.idx.msk [tilespmem:v8+s1+$0x0], $0xffff  }
0x237: {  	v8 =	vld.idx.msk [tilespmem:v4+s1+$0x0], $0xffff;
	v0 =	vor.u32 v0, v7  }
0x238: {  	v3 =	vld.idx.msk [tilespmem:v3+s1+$0x0], $0xffff  }
0x239: {  	v58 =	vmax.f32 v57, v58;
	v57 =	vld [tilespmem:$0x1FEC0]  }
0x23a: {  	v10 =	vmax.f32 v10, v44;
	v44 =	vor.u32 v18, v7;
	v18 =	vld [tilespmem:$0x1F2A0]  }
0x23b: {  	v1 =	vor.u32 v1, v7;
	v60 =	vld.idx.msk [tilespmem:v9+s1+$0x0], $0xffff  }
0x23c: {  	v9 =	vld.idx.msk [tilespmem:v0+s1+$0x0], $0xffff  }
0x23d: {  	v0 =	vld [tilespmem:$0x1F0C0]  }
0x23e: {  	v62 =	vld.idx.msk [tilespmem:v11+s1+$0x0], $0xffff  }
0x23f: {  	v47 =	vor.u32 v18, v7;
	v18 =	vld [tilespmem:$0x1F730]  }
0x240: {  	v16 =	vor.u32 v16, v7;
	v11 =	vld.idx.msk [tilespmem:v1+s1+$0x0], $0xffff  }
0x241: {  	v2 =	vor.u32 v2, v7;
	v1 =	vld [tilespmem:$0x1F1D0]  }
0x242: {  	v34 =	vor.u32 v0, v7;
	v0 =	vld [tilespmem:$0x1F0D0]  }
0x243: {  	v41 =	vld.idx.msk [tilespmem:v41+s1+$0x0], $0xffff  }
0x244: {  	v10 =	vmul.f32 v10, v18;
	v18 =	vld [tilespmem:$0x1F2B0]  }
0x245: {  	v16 =	vld.idx.msk [tilespmem:v16+s1+$0x0], $0xffff  }
0x246: {  	v2 =	vld.idx.msk [tilespmem:v2+s1+$0x0], $0xffff;
	v1 =	vor.u32 v1, v7  }
0x247: {  	[tilespmem:$0x1F640] =	vst v23;
	v23 =	vmov v35;
	v35 =	vor.u32 v0, v7;
	v0 =	vld [tilespmem:$0x1F0E0]  }
0x248: {  	v46 =	vmax.f32 v58, v59;
	v58 =	vld [tilespmem:$0x1FED0]  }
0x249: {  	v48 =	vor.u32 v18, v7;
	v18 =	vld [tilespmem:$0x1F2C0]  }
0x24a: {  	v42 =	vld.idx.msk [tilespmem:v42+s1+$0x0], $0xffff  }
0x24b: {  	[tilespmem:$0x1F630] =	vst v17;
	v17 =	vld.idx.msk [tilespmem:v1+s1+$0x0], $0xffff  }
0x24c: {  	v39 =	vor.u32 v0, v7;
	v0 =	vld [tilespmem:$0x1F0F0]  }
0x24d: {  	v1 =	vld [tilespmem:$0x1F220]  }
0x24e: {  	v59 =	vor.u32 v18, v7;
	v18 =	vld [tilespmem:$0x1F7F0]  }
0x24f: {  	v44 =	vld.idx.msk [tilespmem:v44+s1+$0x0], $0xffff  }
0x250: {  	v63 =	vld.idx.msk [tilespmem:v32+s1+$0x0], $0xffff  }
0x251: {  	v46 =	vmax.f32 v46, v60;
	v40 =	vor.u32 v0, v7;
	v0 =	vld [tilespmem:$0x1F100]  }
0x252: {  	v46 =	vmax.f32 v46, v62;
	v62 =	vld [tilespmem:$0x1FEF0];
	v1 =	vor.u32 v1, v7  }
0x253: {  	v10 =	vadd.f32 v10, v18;
	v18 =	vld [tilespmem:$0x1F740]  }
0x254: {  	v5 =	vmax.f32 v6, v5;
	v6 =	vld.idx.msk [tilespmem:v48+s1+$0x0], $0xffff  }
0x255: {  	v43 =	vld.idx.msk [tilespmem:v34+s1+$0x0], $0xffff  }
0x256: {  	v4 =	vor.u32 v0, v7;
	v0 =	vld [tilespmem:$0x1F110]  }
0x257: {  	v1 =	vld.idx.msk [tilespmem:v1+s1+$0x0], $0xffff  }
0x258: {  	v13 =	vmul.f32 v13, v18;
	v18 =	vld [tilespmem:$0x1F2D0]  }
0x259: {  	v5 =	vmax.f32 v5, v8;
	v8 =	vld.idx.msk [tilespmem:v59+s1+$0x0], $0xffff  }
0x25a: {  	v59 =	vld [tilespmem:$0x1F310]  }
0x25b: {  	v36 =	vor.u32 v0, v7;
	v0 =	vld [tilespmem:$0x1F120]  }
0x25c: {  	v38 =	vld.idx.msk [tilespmem:v35+s1+$0x0], $0xffff  }
0x25d: {  	v50 =	vor.u32 v18, v7;
	v18 =	vld [tilespmem:$0x1F2E0]  }
0x25e: {  	v10 =	vadd.f32 v13, v10;
	v13 =	vmax.f32 v46, v63;
	v46 =	vld.idx.msk [tilespmem:v47+s1+$0x0], $0xffff  }
0x25f: {  	v63 =	vld [tilespmem:$0x1FE50]  }
0x260: {  	v9 =	vmax.f32 v13, v9;
	v34 =	vor.u32 v0, v7;
	v0 =	vld [tilespmem:$0x1F130]  }
0x261: {  	v13 =	vld [tilespmem:$0x1F300];
	v9 =	vmax.f32 v9, v11;
	v11 =	vor.u32 v59, v7  }
0x262: {  	v51 =	vor.u32 v18, v7;
	v18 =	vld [tilespmem:$0x1F2F0]  }
0x263: {  	v59 =	vld [tilespmem:$0x1FE20]  }
0x264: {  	v39 =	vld.idx.msk [tilespmem:v39+s1+$0x0], $0xffff  }
0x265: {  	v35 =	vor.u32 v0, v7;
	v0 =	vld [tilespmem:$0x1F140]  }
0x266: {  	v11 =	vld.idx.msk [tilespmem:v11+s1+$0x0], $0xffff  }
0x267: {  	v47 =	vor.u32 v18, v7;
	v18 =	vld [tilespmem:$0x1F750]  }
0x268: {  	v13 =	vor.u32 v13, v7;
	v40 =	vld.idx.msk [tilespmem:v40+s1+$0x0], $0xffff  }
0x269: {  	v5 =	vmax.f32 v5, v43;
	v43 =	vld.idx.msk [tilespmem:v50+s1+$0x0], $0xffff  }
0x26a: {  	v33 =	vor.u32 v0, v7;
	v0 =	vld [tilespmem:$0x1F150]  }
0x26b: {  	v50 =	vor.u32 v20, v7;
	v20 =	vld [tilespmem:$0x1FD90]  }
0x26c: {  	v9 =	vmul.f32 v9, v18;
	v18 =	vld [tilespmem:$0x1F320]  }
0x26d: {  	v13 =	vld.idx.msk [tilespmem:v13+s1+$0x0], $0xffff  }
0x26e: {  	v37 =	vld.idx.msk [tilespmem:v4+s1+$0x0], $0xffff  }
0x26f: {  	v4 =	vor.u32 v0, v7;
	v0 =	vld [tilespmem:$0x1F160]  }
0x270: {  	v5 =	vmax.f32 v5, v38;
	v38 =	vld.idx.msk [tilespmem:v51+s1+$0x0], $0xffff  }
0x271: {  	v48 =	vor.u32 v18, v7;
	v18 =	vld [tilespmem:$0x1F330]  }
0x272: {  	v51 =	vld [tilespmem:$0x1FE60]  }
0x273: {  	v36 =	vld.idx.msk [tilespmem:v36+s1+$0x0], $0xffff  }
0x274: {  	v31 =	vor.u32 v0, v7;
	v0 =	vld [tilespmem:$0x1F170]  }
0x275: {  	v9 =	vadd.f32 v9, v10;
	v10 =	vld.idx.msk [tilespmem:v47+s1+$0x0], $0xffff  }
0x276: {  	v60 =	vor.u32 v18, v7;
	v18 =	vld [tilespmem:$0x1F340]  }
0x277: {  	v47 =	vld [tilespmem:$0x1FE30]  }
0x278: {  	v34 =	vld.idx.msk [tilespmem:v34+s1+$0x0], $0xffff  }
0x279: {  	v29 =	vor.u32 v0, v7;
	v0 =	vld [tilespmem:$0x1F180]  }
0x27a: {  	v35 =	vld.idx.msk [tilespmem:v35+s1+$0x0], $0xffff  }
0x27b: {  	v5 =	vmax.f32 v5, v39;
	v39 =	vor.u32 v18, v7;
	v18 =	vld [tilespmem:$0x1F350]  }
0x27c: {  	v33 =	vld.idx.msk [tilespmem:v33+s1+$0x0], $0xffff  }
0x27d: {  	v32 =	vld.idx.msk [tilespmem:v4+s1+$0x0], $0xffff  }
0x27e: {  	v30 =	vor.u32 v0, v7;
	v0 =	vld [tilespmem:$0x1F190]  }
0x27f: {  	v34 =	vmax.f32 v36, v34;
	v4 =	vld [tilespmem:$0x1F200]  }
0x280: {  	v34 =	vmax.f32 v34, v35;
	v36 =	vor.u32 v18, v7;
	v18 =	vld [tilespmem:$0x1F360]  }
0x281: {  	v33 =	vmax.f32 v34, v33;
	v34 =	vld.idx.msk [tilespmem:v48+s1+$0x0], $0xffff  }
0x282: {  	v48 =	vor.u32 v19, v7;
	v19 =	vld [tilespmem:$0x1F3A0]  }
0x283: {  	v27 =	vor.u32 v0, v7;
	v0 =	vld [tilespmem:$0x1F1A0]  }
0x284: {  	v31 =	vld.idx.msk [tilespmem:v31+s1+$0x0], $0xffff;
	v4 =	vor.u32 v4, v7  }
0x285: {  	v35 =	vor.u32 v18, v7;
	v18 =	vld [tilespmem:$0x1F760]  }
0x286: {  	v32 =	vmax.f32 v33, v32;
	v33 =	vld.idx.msk [tilespmem:v60+s1+$0x0], $0xffff  }
0x287: {  	v29 =	vld.idx.msk [tilespmem:v29+s1+$0x0], $0xffff  }
0x288: {  	v5 =	vmax.f32 v5, v40;
	v28 =	vor.u32 v0, v7;
	v0 =	vld [tilespmem:$0x1F1B0]  }
0x289: {  	v5 =	vmax.f32 v5, v37;
	v4 =	vld.idx.msk [tilespmem:v4+s1+$0x0], $0xffff  }
0x28a: {  	v5 =	vmul.f32 v5, v18;
	v18 =	vld [tilespmem:$0x1F370]  }
0x28b: {  	v60 =	vmax.f32 v32, v31;
	v31 =	vld.idx.msk [tilespmem:v39+s1+$0x0], $0xffff  }
0x28c: {  	v30 =	vld.idx.msk [tilespmem:v30+s1+$0x0], $0xffff  }
0x28d: {  	v26 =	vor.u32 v0, v7;
	v0 =	vld [tilespmem:$0x1F1C0]  }
0x28e: {  	v5 =	vadd.f32 v5, v9;
	v9 =	vmax.f32 v60, v29;
	v29 =	vor.u32 v19, v7;
	v19 =	vld [tilespmem:$0x1F3B0]  }
0x28f: {  	v37 =	vor.u32 v18, v7;
	v18 =	vld [tilespmem:$0x1F380]  }
0x290: {  	v39 =	vld [tilespmem:$0x1FE00]  }
0x291: {  	v60 =	vor.u32 v22, v7;
	v22 =	vld [tilespmem:$0x1F410]  }
0x292: {  	v27 =	vld.idx.msk [tilespmem:v27+s1+$0x0], $0xffff;
	v0 =	vor.u32 v0, v7  }
0x293: {  	v9 =	vmax.f32 v9, v30;
	v30 =	vor.u32 v19, v7;
	v19 =	vld [tilespmem:$0x1F770]  }
0x294: {  	v40 =	vor.u32 v18, v7;
	v18 =	vld [tilespmem:$0x1FD70]  }
0x295: {  	v28 =	vld.idx.msk [tilespmem:v28+s1+$0x0], $0xffff  }
0x296: {  	v26 =	vld.idx.msk [tilespmem:v26+s1+$0x0], $0xffff  }
0x297: {  	[tilespmem:$0x1F670] =	vst v12;
	v12 =	vld.idx.msk [tilespmem:v0+s1+$0x0], $0xffff  }
0x298: {  	v9 =	vmul.f32 v9, v19;
	v0 =	vld [tilespmem:$0x1F210]  }
0x299: {  	v19 =	vld [tilespmem:$0x1FD80]  }
0x29a: {  	v5 =	vadd.f32 v9, v5;
	v9 =	vld.idx.msk [tilespmem:v48+s1+$0x0], $0xffff  }
0x29b: {  	v48 =	vld [tilespmem:$0x1F790]  }
0x29c: {  	v27 =	vmax.f32 v27, v28;
	v28 =	vld.idx.msk [tilespmem:v36+s1+$0x0], $0xffff  }
0x29d: {  	v26 =	vmax.f32 v27, v26;
	v27 =	vld.idx.msk [tilespmem:v35+s1+$0x0], $0xffff;
	v0 =	vor.u32 v0, v7  }
0x29e: {  	v12 =	vmax.f32 v26, v12;
	v26 =	vld.idx.msk [tilespmem:v37+s1+$0x0], $0xffff  }
0x29f: {  	v12 =	vmax.f32 v12, v17;
	v17 =	vld.idx.msk [tilespmem:v40+s1+$0x0], $0xffff  }
0x2a0: {  	v40 =	vmov v21;
	v21 =	vld [tilespmem:$0x1FDA0];
	v2 =	vmax.f32 v12, v2  }
0x2a1: {  	v2 =	vmax.f32 v2, v3;
	v3 =	vld [tilespmem:$0x1F3F0]  }
0x2a2: {  	v0 =	vld.idx.msk [tilespmem:v0+s1+$0x0], $0xffff  }
0x2a3: {  	v12 =	vld [tilespmem:$0x1F3E0]  }
0x2a4: {  	v2 =	vmax.f32 v2, v4;
	v4 =	vld.idx.msk [tilespmem:v30+s1+$0x0], $0xffff  }
0x2a5: {  	v30 =	vld.idx.msk [tilespmem:v60+s1+$0x0], $0xffff  }
0x2a6: {  	v60 =	vld [tilespmem:$0x1FDF0];
	v3 =	vor.u32 v3, v7  }
0x2a7: {  	v0 =	vmax.f32 v0, v1;
	v1 =	vld.idx.msk [tilespmem:v29+s1+$0x0], $0xffff  }
0x2a8: {  	v29 =	vor.u32 v22, v7;
	v22 =	vld [tilespmem:$0x1F420]  }
0x2a9: {  	v0 =	vmax.f32 v0, v15;
	v15 =	vld [tilespmem:$0x1F400]  }
0x2aa: {  	v0 =	vmax.f32 v0, v14;
	v14 =	vld [tilespmem:$0x1F780]  }
0x2ab: {  	v0 =	vmax.f32 v0, v45;
	v3 =	vld.idx.msk [tilespmem:v3+s1+$0x0], $0xffff  }
0x2ac: {  	v0 =	vmax.f32 v0, v16;
	v16 =	vmax.f32 v44, v46;
	v46 =	vld [tilespmem:$0x1FE10]  }
0x2ad: {  	v0 =	vmax.f32 v0, v41;
	v41 =	vld [tilespmem:$0x1FD00]  }
0x2ae: {  	v37 =	vor.u32 v22, v7;
	v22 =	vld [tilespmem:$0x1F440]  }
0x2af: {  	v6 =	vmax.f32 v16, v6;
	v16 =	vld [tilespmem:$0x1F450]  }
0x2b0: {  	v12 =	vor.u32 v12, v7;
	v0 =	vmax.f32 v0, v42;
	v42 =	vld [tilespmem:$0x1FD10]  }
0x2b1: {  	v6 =	vmax.f32 v6, v8;
	v8 =	vld.idx.msk [tilespmem:v29+s1+$0x0], $0xffff  }
0x2b2: {  	v2 =	vmul.f32 v2, v14;
	v14 =	vld.idx.msk [tilespmem:v50+s1+$0x0], $0xffff  }
0x2b3: {  	v50 =	vld [tilespmem:$0x1F470]  }
0x2b4: {  	v0 =	vmul.f32 v0, v48;
	v48 =	vld [tilespmem:$0x1F490]  }
0x2b5: {  	v2 =	vadd.f32 v2, v5;
	v5 =	vld.idx.msk [tilespmem:v12+s1+$0x0], $0xffff  }
0x2b6: {  	v15 =	vor.u32 v15, v7;
	v12 =	vld [tilespmem:$0x1F430]  }
0x2b7: {  	v6 =	vmax.f32 v6, v43;
	v43 =	vmov v25;
	v25 =	vld [tilespmem:$0x1FDE0]  }
0x2b8: {  	v35 =	vor.u32 v22, v7;
	v22 =	vld [tilespmem:$0x1F460]  }
0x2b9: {  	v32 =	vld.idx.msk [tilespmem:v37+s1+$0x0], $0xffff  }
0x2ba: {  	v37 =	vmov v23;
	v23 =	vld [tilespmem:$0x1FDC0]  }
0x2bb: {  	v45 =	vmax.f32 v11, v34;
	v1 =	vmax.f32 v9, v1;
	v15 =	vld.idx.msk [tilespmem:v15+s1+$0x0], $0xffff;
	v12 =	vor.u32 v12, v7  }
0x2bc: {  	v1 =	vmax.f32 v1, v4;
	v36 =	vor.u32 v50, v7;
	v50 =	vld [tilespmem:$0x1F4C0]  }
0x2bd: {  	v0 =	vadd.f32 v0, v2;
	v2 =	vmax.f32 v6, v38;
	v1 =	vmax.f32 v1, v14;
	v14 =	vld [tilespmem:$0x1F7B0]  }
0x2be: {  	v2 =	vmax.f32 v2, v10;
	v10 =	vmax.f32 v45, v33;
	v45 =	vmov v52;
	v52 =	vld [tilespmem:$0x1FE70]  }
0x2bf: {  	v34 =	vor.u32 v48, v7;
	v48 =	vld [tilespmem:$0x1F520]  }
0x2c0: {  	v38 =	vld.idx.msk [tilespmem:v12+s1+$0x0], $0xffff  }
0x2c1: {  	v16 =	vor.u32 v16, v7;
	v12 =	vld [tilespmem:$0x1F480]  }
0x2c2: {  	v10 =	vmax.f32 v10, v31;
	v31 =	vld [tilespmem:$0x1F7A0]  }
0x2c3: {  	v1 =	vmax.f32 v1, v30;
	v30 =	vld [tilespmem:$0x1FEA0]  }
0x2c4: {  	v29 =	vor.u32 v22, v7;
	v22 =	vld [tilespmem:$0x1FDB0]  }
0x2c5: {  	v11 =	vld.idx.msk [tilespmem:v35+s1+$0x0], $0xffff  }
0x2c6: {  	v2 =	vmax.f32 v2, v13;
	v13 =	vld.idx.msk [tilespmem:v16+s1+$0x0], $0xffff;
	v12 =	vor.u32 v12, v7  }
0x2c7: {  	v16 =	vld [tilespmem:$0x1F4A0]  }
0x2c8: {  	v35 =	vmov v24;
	v24 =	vld [tilespmem:$0x1FDD0]  }
0x2c9: {  	v10 =	vmax.f32 v10, v28;
	v28 =	vld.idx.msk [tilespmem:v36+s1+$0x0], $0xffff;
	v2 =	vmul.f32 v2, v31  }
0x2ca: {  	v31 =	vld [tilespmem:$0x1F4B0]  }
0x2cb: {  	v0 =	vadd.f32 v2, v0;
	v2 =	vmax.f32 v10, v27;
	v10 =	vld.idx.msk [tilespmem:v12+s1+$0x0], $0xffff  }
0x2cc: {  	v33 =	vor.u32 v50, v7;
	v12 =	vld [tilespmem:$0x1F4D0]  }
0x2cd: {  	v16 =	vor.u32 v16, v7;
	v2 =	vmax.f32 v2, v26;
	v26 =	vld [tilespmem:$0x1F4E0]  }
0x2ce: {  	v9 =	vld.idx.msk [tilespmem:v34+s1+$0x0], $0xffff  }
0x2cf: {  	v29 =	vld.idx.msk [tilespmem:v29+s1+$0x0], $0xffff;
	v31 =	vor.u32 v31, v7  }
0x2d0: {  	v2 =	vmax.f32 v2, v17;
	v17 =	vld [tilespmem:$0x1F500]  }
0x2d1: {  	v27 =	vld.idx.msk [tilespmem:v33+s1+$0x0], $0xffff;
	v12 =	vor.u32 v12, v7  }
0x2d2: {  	v2 =	vmul.f32 v2, v14;
	v4 =	vld.idx.msk [tilespmem:v16+s1+$0x0], $0xffff;
	v26 =	vor.u32 v26, v7  }
0x2d3: {  	v16 =	vld [tilespmem:$0x1F4F0]  }
0x2d4: {  	v0 =	vadd.f32 v2, v0;
	v2 =	vmax.f32 v8, v32;
	v14 =	vld.idx.msk [tilespmem:v31+s1+$0x0], $0xffff  }
0x2d5: {  	v2 =	vmax.f32 v2, v38;
	v38 =	vld [tilespmem:$0x1F510]  }
0x2d6: {  	v1 =	vmax.f32 v1, v5;
	v36 =	vld.idx.msk [tilespmem:v12+s1+$0x0], $0xffff  }
0x2d7: {  	v1 =	vmax.f32 v1, v3;
	v3 =	vld.idx.msk [tilespmem:v26+s1+$0x0], $0xffff  }
0x2d8: {  	v4 =	vmax.f32 v9, v4;
	v12 =	vld [tilespmem:$0x1F7C0]  }
0x2d9: {  	v26 =	vmov v55;
	v55 =	vld [tilespmem:$0x1F530];
	v4 =	vmax.f32 v4, v14  }
0x2da: {  	v1 =	vmax.f32 v1, v15;
	v15 =	vld [tilespmem:$0x1FD40];
	v17 =	vor.u32 v17, v7;
	v4 =	vmax.f32 v4, v27  }
0x2db: {  	v2 =	vmax.f32 v2, v11;
	v16 =	vor.u32 v16, v7;
	v4 =	vmax.f32 v4, v36;
	v36 =	vld [tilespmem:$0x1F7D0]  }
0x2dc: {  	v34 =	vmov v53;
	v53 =	vld [tilespmem:$0x1FE80];
	v2 =	vmax.f32 v2, v13  }
0x2dd: {  	v13 =	vld [tilespmem:$0x1FF30];
	v2 =	vmax.f32 v2, v29;
	v1 =	vmul.f32 v1, v12  }
0x2de: {  	v2 =	vmax.f32 v2, v28;
	v6 =	vor.u32 v38, v7;
	v38 =	vld [tilespmem:$0x1F550]  }
0x2df: {  	v9 =	vld.idx.msk [tilespmem:v17+s1+$0x0], $0xffff;
	v0 =	vadd.f32 v1, v0;
	v1 =	vmax.f32 v2, v10  }
0x2e0: {  	v11 =	vor.u32 v48, v7;
	v44 =	vld.idx.msk [tilespmem:v16+s1+$0x0], $0xffff;
	v1 =	vmul.f32 v1, v36  }
0x2e1: {  	v5 =	vld.idx.msk [tilespmem:v55+s8+$0x0], $0xffff  }
0x2e2: {  	v0 =	vadd.f32 v1, v0;
	v1 =	vld [tilespmem:$0x1F7E0]  }
0x2e3: {  	v12 =	vld [tilespmem:$0x1F540]  }
0x2e4: {  	v2 =	vmax.f32 v4, v3;
	v3 =	vld.idx.msk [tilespmem:v6+s1+$0x0], $0xffff  }
0x2e5: {  	v48 =	vld.idx.msk [tilespmem:v11+s1+$0x0], $0xffff;
	v2 =	vmax.f32 v2, v44  }
0x2e6: {  	v44 =	vld [tilespmem:$0x1F560];
	v2 =	vmax.f32 v2, v9  }
0x2e7: {  	v1 =	vmul.f32 v2, v1;
	v2 =	vld [tilespmem:$0x1F570]  }
0x2e8: {  	v11 =	vld [tilespmem:$0x1FF00]  }
0x2e9: {  	v12 =	vor.u32 v12, v7;
	v0 =	vadd.f32 v1, v0;
	v1 =	vmul.f32 v3, v5;
	v3 =	vld [tilespmem:$0x1F590]  }
0x2ea: {  	v55 =	vld [tilespmem:$0x1F580]  }
0x2eb: {  	v4 =	vld.idx.msk [tilespmem:v38+s8+$0x0], $0xffff;
	v6 =	vor.u32 v44, v7  }
0x2ec: {  	v38 =	vld [tilespmem:$0x1F5A0]  }
0x2ed: {  	v44 =	vld [tilespmem:$0x1F5B0]  }
0x2ee: {  	v36 =	vld.idx.msk [tilespmem:v12+s1+$0x0], $0xffff  }
0x2ef: {  	v2 =	vld.idx.msk [tilespmem:v2+s8+$0x0], $0xffff  }
0x2f0: {  	v9 =	vor.u32 v55, v7;
	v6 =	vld.idx.msk [tilespmem:v6+s1+$0x0], $0xffff  }
0x2f1: {  	v3 =	vld.idx.msk [tilespmem:v3+s8+$0x0], $0xffff  }
0x2f2: {  	v55 =	vld [tilespmem:$0x1F5E0];
	v0 =	vadd.f32 v1, v0;
	v1 =	vmul.f32 v48, v4  }
0x2f3: {  	v48 =	vld [tilespmem:$0x1F5C0]  }
0x2f4: {  	v0 =	vadd.f32 v1, v0;
	v1 =	vmul.f32 v36, v2;
	v2 =	vld [tilespmem:$0x1F5D0]  }
0x2f5: {  	v9 =	vld.idx.msk [tilespmem:v9+s1+$0x0], $0xffff;
	v5 =	vor.u32 v38, v7  }
0x2f6: {  	v0 =	vadd.f32 v1, v0;
	v1 =	vmul.f32 v6, v3;
	v3 =	vld [tilespmem:$0x1F5F0]  }
0x2f7: {  	v38 =	vld [tilespmem:$0x1F610]  }
0x2f8: {  	v4 =	vld.idx.msk [tilespmem:v44+s8+$0x0], $0xffff;
	v8 =	vor.u32 v48, v7  }
0x2f9: {  	v44 =	vld [tilespmem:$0x1F620]  }
0x2fa: {  	v5 =	vld.idx.msk [tilespmem:v5+s1+$0x0], $0xffff  }
0x2fb: {  	v36 =	vld [tilespmem:$0x1F600]  }
0x2fc: {  	v2 =	vld.idx.msk [tilespmem:v2+s8+$0x0], $0xffff  }
0x2fd: {  	v10 =	vor.u32 v55, v7;
	v8 =	vld.idx.msk [tilespmem:v8+s1+$0x0], $0xffff  }
0x2fe: {  	v3 =	vld.idx.msk [tilespmem:v3+s8+$0x0], $0xffff  }
0x2ff: {  	v55 =	vld [tilespmem:$0x1F660];
	v0 =	vadd.f32 v1, v0;
	v1 =	vmul.f32 v9, v4  }
0x300: {  	v12 =	vld [tilespmem:$0x1FF10]  }
0x301: {  	v0 =	vadd.f32 v1, v0;
	v1 =	vmul.f32 v5, v2;
	v2 =	vld [tilespmem:$0x1F630]  }
0x302: {  	v10 =	vld.idx.msk [tilespmem:v10+s1+$0x0], $0xffff;
	v9 =	vor.u32 v44, v7  }
0x303: {  	v6 =	vor.u32 v36, v7;
	v0 =	vadd.f32 v1, v0;
	v1 =	vmul.f32 v8, v3;
	v3 =	vld [tilespmem:$0x1F650]  }
0x304: {  	v48 =	vld [tilespmem:$0x1F640]  }
0x305: {  	v4 =	vld.idx.msk [tilespmem:v38+s8+$0x0], $0xffff  }
0x306: {  	v38 =	vld [tilespmem:$0x1F6A0]  }
0x307: {  	v9 =	vld.idx.msk [tilespmem:v9+s1+$0x0], $0xffff  }
0x308: {  	v6 =	vld.idx.msk [tilespmem:v6+s1+$0x0], $0xffff  }
0x309: {  	v2 =	vld.idx.msk [tilespmem:v2+s8+$0x0], $0xffff  }
0x30a: {  	v0 =	vadd.f32 v1, v0;
	v1 =	vmul.f32 v10, v4;
	v10 =	vld [tilespmem:$0x1F670]  }
0x30b: {  	v3 =	vld.idx.msk [tilespmem:v3+s8+$0x0], $0xffff  }
0x30c: {  	v44 =	vld [tilespmem:$0x1F6C0]  }
0x30d: {  	v36 =	vld [tilespmem:$0x1F680]  }
0x30e: {  	v5 =	vor.u32 v48, v7;
	v0 =	vadd.f32 v1, v0;
	v1 =	vmul.f32 v6, v2;
	v2 =	vld [tilespmem:$0x1F690]  }
0x30f: {  	v48 =	vld [tilespmem:$0x1F6D0];
	v8 =	vor.u32 v55, v7  }
0x310: {  	v0 =	vadd.f32 v1, v0;
	v1 =	vmul.f32 v9, v3;
	v3 =	vld [tilespmem:$0x1F6B0]  }
0x311: {  	v55 =	vld [tilespmem:$0x1F6E0]  }
0x312: {  	v4 =	vld.idx.msk [tilespmem:v10+s8+$0x0], $0xffff;
	v10 =	vor.u32 v36, v7  }
0x313: {  	v5 =	vld.idx.msk [tilespmem:v5+s1+$0x0], $0xffff  }
0x314: {  	v8 =	vld.idx.msk [tilespmem:v8+s1+$0x0], $0xffff  }
0x315: {  	v36 =	vld [tilespmem:$0x1F700]  }
0x316: {  	v2 =	vld.idx.msk [tilespmem:v2+s8+$0x0], $0xffff  }
0x317: {  	v6 =	vor.u32 v38, v7;
	v10 =	vld.idx.msk [tilespmem:v10+s1+$0x0], $0xffff  }
0x318: {  	v3 =	vld.idx.msk [tilespmem:v3+s8+$0x0], $0xffff  }
0x319: {  	v9 =	vor.u32 v44, v7;
	v44 =	vld [tilespmem:$0x1F720];
	v0 =	vadd.f32 v1, v0;
	v1 =	vmul.f32 v5, v4  }
0x31a: {  	v4 =	vld.idx.msk [tilespmem:v48+s8+$0x0], $0xffff  }
0x31b: {  	v5 =	vor.u32 v55, v7;
	v0 =	vadd.f32 v1, v0;
	v1 =	vmul.f32 v8, v2;
	v2 =	vld [tilespmem:$0x1F6F0]  }
0x31c: {  	v6 =	vld.idx.msk [tilespmem:v6+s1+$0x0], $0xffff  }
0x31d: {  	v0 =	vadd.f32 v1, v0;
	v1 =	vmul.f32 v10, v3;
	v3 =	vld [tilespmem:$0x1F710]  }
0x31e: {  	v55 =	vld [tilespmem:$0x1FCB0]  }
0x31f: {  	v9 =	vld.idx.msk [tilespmem:v9+s1+$0x0], $0xffff  }
0x320: {  	v5 =	vld.idx.msk [tilespmem:v5+s1+$0x0], $0xffff  }
0x321: {  	v8 =	vor.u32 v36, v7;
	v36 =	vld [tilespmem:$0x1FF20]  }
0x322: {  	v0 =	vadd.f32 v1, v0;
	v1 =	vmul.f32 v6, v4;
	v4 =	vld.idx.msk [tilespmem:v44+s8+$0x0], $0xffff  }
0x323: {  	v2 =	vld.idx.msk [tilespmem:v2+s8+$0x0], $0xffff  }
0x324: {  	v38 =	vor.u32 v12, v7;
	v44 =	vld [tilespmem:$0x1FF40]  }
0x325: {  	v48 =	vor.u32 v13, v7;
	v3 =	vld.idx.msk [tilespmem:v3+s8+$0x0], $0xffff  }
0x326: {  	v50 =	vmov v56;
	v56 =	vld [tilespmem:$0x1FEB0]  }
0x327: {  	v7 =	vor.u32 v55, v7;
	v8 =	vld.idx.msk [tilespmem:v8+s1+$0x0], $0xffff  }
0x328: {  	v0 =	vadd.f32 v1, v0;
	v1 =	vmul.f32 v9, v2;
	v2 =	vld.idx.msk [tilespmem:v11+s8+$0x0], $0xffff  }
0x329: {  	v9 =	vld.idx.msk [tilespmem:v38+s1+$0x0], $0xffff  }
0x32a: {  	v38 =	vld.idx.msk [tilespmem:v48+s1+$0x0], $0xffff;
	v0 =	vadd.f32 v1, v0;
	v1 =	vmul.f32 v5, v3  }
0x32b: {  	v3 =	vld.idx.msk [tilespmem:v36+s8+$0x0], $0xffff  }
0x32c: {  	v55 =	vld.idx.msk [tilespmem:v7+s1+$0x0], $0xffff;
	v0 =	vadd.f32 v1, v0;
	v1 =	vmul.f32 v8, v4  }
0x32d: {  	v48 =	vld.idx.msk [tilespmem:v44+s8+$0x0], $0xffff  }
0x32e: {  	v33 =	vld [tilespmem:$0x1FD20];
	v0 =	vadd.f32 v1, v0;
	v1 =	vmul.f32 v9, v2  }
0x32f: {  	v32 =	vmov v61;
	v61 =	vld [tilespmem:$0x1FEE0]  }
0x330: {  	v31 =	vld [tilespmem:$0x1FCE0];
	v0 =	vadd.f32 v1, v0;
	v1 =	vmul.f32 v38, v3  }
0x331: {  	p0 =	sne.s32 s13, $0xE0;
	v29 =	vld [tilespmem:$0x1FCF0]  }
.Ltmp0:
0x332: {  	v17 =	vld [tilespmem:$0x1FD60];
	v0 =	vadd.f32 v1, v0;
	v1 =	vmul.f32 v55, v48;
	(pc) =	sbr.rel @p0 .LBB2_2-.Ltmp0, $4  }
0x333: {  	v14 =	vld [tilespmem:$0x1FD30]  }
0x334: {  	v16 =	vld [tilespmem:$0x1FD50];
	v0 =	vadd.f32 v1, v0  }
0x335: {  	v2 =	vld [tilespmem:$0x1FF50]  }
0x336: {  	s13 =	sadd.s32 $0x20, s13;
	v1 =	vld [tilespmem:$0x1FF60];
	[tilespmem:s12+$0x0] =	vst v0;
	s12 =	sadd.s32 $0x20, s12  }
0x337: {  	s11 =	sadd.s32 $0x1, s11  }
0x338: {  	p0 =	sne.s32 s11, s6  }
.Ltmp1:
0x339: {  	_ = 	snop;
	(pc) =	sbr.rel @p0 .LBB2_1-.Ltmp1, $4  }
0x33a: {  	[hbm4b:s5+s1] =	stream.linear.scatter [tilespmem:s10], [sflag:$0x1], $0x100, $0x38;
	[tilespmem:$0x8180] =	vst v63  }
0x33b: {  	_ =	swait.ge [sflag:s9], $0x100  }
0x33c: {  	[sflag:s9] =	ssyncset.done $0x0  }
0x33d: {  	[sflag:s9] =	ssyncadd.s32 $0xFFFFFF00  }
0x33e: {  	_ =	sfence.sel $0x180000  }
0x33f: {  	[bflag:$0x0] =	sbarrier.arrive $0xFFFF  }
0x340: {  	p0 =	sne.s32 s2, $0x0;
	_ =	strace $0x90000047  }
0x341: {  	s0 =	sadd.s32 @!p0 $0x100000, s0;
	[bflag:$0x2] =	sbarrier.arrive $0xFFFF  }
0x342: {  	[sflag:s0] =	ssyncadd.tile.s32 @!p0 $0x1;
	_ =	shalt  }
.Lfunc_end2:
_tile_overlayer_lowered:
.L_overlay_start_2:
0x343: {  	(tag) =	ssettag $0x2  }
0x344: {  	s0 =	rddreg [dreg:$0x0];
	s2 =	stileid.u32  }
0x345: {  	s1 =	rddreg [dreg:$0x1];
	p0 =	sne.s32 s2, $0x0  }
0x346: {  	s3 =	rddreg [dreg:$0x2];
	[bflag:$0x3] =	sbarrier.arrive $0xFFFF;
	s2 =	simm.s32 @!p0 $0x1C01  }
0x347: {  	[timem:s3], [sflag:s2] =	dma.local @!p0 [hbm:s0], s1  }
0x348: {  	s0 =	simm.s32 @!p0 $0x1  }
0x349: {  	_ =	swait.ge @!p0 [sflag:s0], s1  }
0x34a: {  	s1 =	ssub.s32 @!p0 $0x0, s1;
	[sflag:s0] =	ssyncset.done @!p0 $0x0  }
0x34b: {  	[sflag:s0] =	ssyncadd.s32 @!p0 s1  }
0x34c: {  	[bflag:$0x3] =	sbarrier.arrive $0xFFFF  }
0x34d: {  	_ =	shalt  }

</sc_bundles>
